<compile_context>
chip_gen: v7x
topology: tpu7x:2x2x1
jax: 0.10.2.dev20260603
libtpu: 0.0.44.dev20260713+nightly
codegen_flags: <defaults>
</compile_context>

<pallas_src>
import functools

import jax
import jax.numpy as jnp
from jax import lax
from jax.experimental import pallas as pl
from jax.experimental.pallas import tpu as pltpu
from jax.experimental.pallas import tpu_sc as plsc

_N_NODES = 10000
_N_EDGES = 320000
_D = 128
_LANE = 16
_NV = _D // _LANE

_NC, _NS = 2, 16
_NW = _NC * _NS
_SPW = 320
_CSR_LOCAL = 344
_CSR_PAD = _N_NODES - _SPW + _CSR_LOCAL
_CHUNK = 256
_NBUF = 2


def _make_pool():
    mesh = plsc.VectorSubcoreMesh(core_axis_name="c", subcore_axis_name="s")

    @functools.partial(
        pl.kernel,
        mesh=mesh,
        out_type=(
            jax.ShapeDtypeStruct((_N_NODES, _D), jnp.float32),
            jax.ShapeDtypeStruct((_N_NODES,), jnp.int32),
        ),
        scratch_types=(
            [pltpu.VMEM((_CSR_LOCAL,), jnp.int32)]
            + [pltpu.VMEM((_CHUNK * _D,), jnp.float32) for _ in range(_NBUF)]
            + [pltpu.VMEM((_SPW, _D), jnp.float32),
               pltpu.VMEM((_SPW,), jnp.int32)]
            + [pltpu.SemaphoreType.DMA for _ in range(_NBUF)]
        ),
    )
    def pool(x_hbm, csr_hbm, out_hbm, seen_hbm, csr_l,
             b0, b1, out_l, seen_l, m0, m1):
        bufs = (b0, b1)
        sems = (m0, m1)
        wid = lax.axis_index("s") * _NC + lax.axis_index("c")
        s0 = jnp.minimum(wid * _SPW, _N_NODES - _SPW)
        pltpu.sync_copy(csr_hbm.at[pl.ds(s0, _CSR_LOCAL)], csr_l)

        def csr_at(i):
            return csr_l[pl.ds(i, _LANE)][0]

        r_lo = csr_at(0)
        r_hi = csr_at(_SPW)


        a0 = (r_lo // 8) * 8
        nchunks = (r_hi - a0 + (_CHUNK - 1)) // _CHUNK
        neg = jnp.full((_LANE,), -jnp.inf, jnp.float32)

        def start(h, dbuf, sem):
            @pl.when(h < nchunks)
            def _():
                cb_c = jnp.minimum(a0 + h * _CHUNK, _N_EDGES - _CHUNK)
                pltpu.async_copy(
                    x_hbm.at[pl.ds(cb_c * _D, _CHUNK * _D)], dbuf, sem)

        def wait(g, dbuf, sem):
            @pl.when(g < nchunks)
            def _():
                pltpu.make_async_copy(
                    x_hbm.at[pl.ds(0, _CHUNK * _D)], dbuf, sem).wait()

        def process(g, buf, carry):
            j0 = carry[0]
            acc0 = carry[1:]
            gb = a0 + g * _CHUNK
            cb = jnp.maximum(gb, r_lo)
            ce = jnp.minimum(gb + _CHUNK, r_hi)
            cb_c = jnp.minimum(gb, _N_EDGES - _CHUNK)

            def bs_body(_, st):
                lo, hi = st
                mid = (lo + hi) // 2
                live = lo < hi
                c = live & (csr_at(mid + 1) <= ce)
                return (jnp.where(c, mid + 1, lo),
                        jnp.where(live & jnp.logical_not(c), mid, hi))

            jend = lax.fori_loop(
                0, 9, bs_body, (jnp.int32(0), jnp.int32(_SPW)))[0]

            def row_fori(lo, hi, acc):
                def row_body(o, a):
                    return tuple(
                        jnp.maximum(a[t], buf[pl.ds(o + t * _LANE, _LANE)])
                        for t in range(_NV))

                return plsc.parallel_loop(
                    (lo - cb_c) * _D, (hi - cb_c) * _D, _D,
                    unroll=8, carry=acc)(row_body)

            def seg_body(j, st):
                pos = st[0]
                e = csr_at(j + 1)
                acc = row_fori(pos, e, st[1:])
                nonempty = csr_at(j) < e
                for t in range(_NV):
                    out_l[j, pl.ds(t * _LANE, _LANE)] = jnp.where(
                        nonempty, acc[t], jnp.zeros((_LANE,), jnp.float32))
                return (e,) + (neg,) * _NV

            st = lax.fori_loop(j0, jend, seg_body, (cb,) + acc0)
            acc = row_fori(st[0], ce, st[1:])
            return (jend,) + acc

        for k in range(_NBUF):
            start(k, bufs[k], sems[k])
        nsteps = (nchunks + (_NBUF - 1)) // _NBUF

        for k in range(_SPW // _LANE):
            a = csr_l[pl.ds(k * _LANE, _LANE)]
            b = csr_l[pl.ds(k * _LANE + 1, _LANE)]
            seen_l[pl.ds(k * _LANE, _LANE)] = jnp.where(
                b > a, jnp.full((_LANE,), 1, jnp.int32),
                jnp.zeros((_LANE,), jnp.int32))

        def step(t, carry):
            g0 = t * _NBUF
            for k in range(_NBUF):
                g = g0 + k
                wait(g, bufs[k], sems[k])
                carry = process(g, bufs[k], carry)
                start(g + _NBUF, bufs[k], sems[k])
            return carry

        init = (jnp.int32(0),) + (neg,) * _NV
        fin = lax.fori_loop(0, nsteps, step, init)
        j_fin = fin[0]

        def drain_body(j, c):
            for t in range(_NV):
                out_l[j, pl.ds(t * _LANE, _LANE)] = jnp.zeros(
                    (_LANE,), jnp.float32)
            return c

        lax.fori_loop(j_fin, _SPW, drain_body, jnp.int32(0))

        pltpu.sync_copy(out_l, out_hbm.at[pl.ds(s0, _SPW)])
        pltpu.sync_copy(seen_l, seen_hbm.at[pl.ds(s0, _SPW)])

    return pool


_pool = _make_pool()


def kernel(x_main, x_mod, x_proj, csr_idx):
    csr_pad = jnp.full((_CSR_PAD,), _N_EDGES, jnp.int32)
    csr_pad = csr_pad.at[: _N_NODES + 1].set(csr_idx)
    out, seen = _pool(x_mod.reshape(-1), csr_pad)
    return out, seen.astype(jnp.bool_)

# --- scband reference (transcript-rebuilt; emitter-appended) ---
"""Pipeline reference for scband-bimodal-csrpool-55946243997763 (READ-ONLY COPY).

The authoritative reference and input builder live on the scoring server;
editing this copy changes nothing except your own understanding.
"""

import jax, jax.numpy as jnp
import numpy as np

N_NODES = 10000
N_EDGES = 320000
D = 128


def _segment_csr_max(x, csr_idx):
    # Convert CSR pointers to per-element segment ids, then segment-max.
    n_seg = csr_idx.shape[0] - 1
    elem = jnp.arange(x.shape[0])
    seg_ids = jnp.searchsorted(csr_idx, elem, side='right') - 1
    pooled = jax.ops.segment_max(x, seg_ids, num_segments=n_seg)
    sizes = csr_idx[1:] - csr_idx[:-1]
    # torch_scatter.segment_csr fills empty segments with 0 (not -inf)
    pooled = jnp.where((sizes > 0)[:, None], pooled, 0.0)
    return pooled


def setup_inputs(seed: int = 0) -> dict:
    key = jax.random.key(seed)
    k1, k2, k3, k4 = jax.random.split(key, 4)
    x_main = jax.random.normal(k1, (N_NODES, D), dtype=jnp.float32)
    x_mod = jax.random.normal(k2, (N_EDGES, D), dtype=jnp.float32)
    x_proj = jax.random.normal(k3, (N_EDGES, 4), dtype=jnp.float32)
    csr_idx = jnp.sort(jax.random.randint(k4, (N_NODES + 1,), 0, N_EDGES, dtype=jnp.int32))
    csr_idx = csr_idx.at[0].set(0).at[-1].set(N_EDGES)
    return {"x_main": x_main, "x_mod": x_mod, "x_proj": x_proj, "csr_idx": csr_idx}


def reference(x_main, x_mod, x_proj, csr_idx):
    x_pool = _segment_csr_max(x_mod, csr_idx)
    x_seen = csr_idx[1:] > csr_idx[:-1]
    return (x_pool, x_seen)

if __name__ == "__main__":
    import jax
    _d = setup_inputs()
    print(jax.jit(kernel)(*tuple(_d.values())))

</pallas_src>

<mosaic_0001>
#map = affine_map<(d0, d1) -> (0)>
#map1 = affine_map<(d0, d1) -> (0, 0)>
module attributes {stable_mosaic.version = 14 : i64} {
  func.func @pool(%arg0: i32, %arg1: i32, %arg2: memref<40960000xf32, #tpu.memory_space<hbm>>, %arg3: memref<10024xi32, #tpu.memory_space<hbm>>, %arg4: memref<10000x128xf32, #tpu.memory_space<hbm>>, %arg5: memref<10000xi32, #tpu.memory_space<hbm>>, %arg6: memref<344xi32, #tpu.memory_space<vmem>>, %arg7: memref<32768xf32, #tpu.memory_space<vmem>>, %arg8: memref<32768xf32, #tpu.memory_space<vmem>>, %arg9: memref<320x128xf32, #tpu.memory_space<vmem>>, %arg10: memref<320xi32, #tpu.memory_space<vmem>>, %arg11: memref<!tpu.dma_semaphore, #tpu.memory_space<semaphore_mem>>, %arg12: memref<!tpu.dma_semaphore, #tpu.memory_space<semaphore_mem>>) attributes {dimension_semantics = [#tpu.dimension_semantics<core_parallel>, #tpu.dimension_semantics<subcore_parallel>], iteration_bounds = array<i64: 2, 16>, scalar_prefetch = 0 : i64, scratch_operands = 7 : i64, tpu.core_type = #tpu.core_type<sc_vector_subcore>, window_params = [{transform_indices = #map}, {transform_indices = #map}, {transform_indices = #map1}, {transform_indices = #map}]} {
    %mul3A = arith.constant 2 : i32
    %mul3A_0 = arith.muli %arg1, %mul3A : i32
    %add3A = arith.addi %mul3A_0, %arg0 : i32
    %mul3A_1 = arith.constant 320 : i32
    %mul3A_2 = arith.muli %add3A, %mul3A_1 : i32
    %min3A = arith.constant 9680 : i32
    %min3A_3 = arith.minsi %mul3A_2, %min3A : i32
    "tpu.region"() ({
      %run_scoped3A = tpu.sem_alloc : memref<!tpu.dma_semaphore, #tpu.memory_space<semaphore_mem>>
      %dma_start3A = tpu.memref_slice %arg3[%min3A_3] : memref<10024xi32, #tpu.memory_space<hbm>> -> memref<344xi32, #tpu.memory_space<hbm>>
      %dma_start3A_430 = tpu.memref_slice %arg3[%min3A_3] : memref<10024xi32, #tpu.memory_space<hbm>> -> memref<344xi32, #tpu.memory_space<hbm>>
      tpu.enqueue_dma source(%dma_start3A_430 : memref<344xi32, #tpu.memory_space<hbm>>) target(%arg6 : memref<344xi32, #tpu.memory_space<vmem>>) target_semaphore(%run_scoped3A : memref<!tpu.dma_semaphore, #tpu.memory_space<semaphore_mem>>)
      %dma_wait3A = tpu.memref_slice %arg3[%min3A_3] : memref<10024xi32, #tpu.memory_space<hbm>> -> memref<344xi32, #tpu.memory_space<hbm>>
      %dma_wait3A_431 = tpu.memref_slice %arg3[%min3A_3] : memref<10024xi32, #tpu.memory_space<hbm>> -> memref<344xi32, #tpu.memory_space<hbm>>
      tpu.wait_dma2 semaphore(%run_scoped3A : memref<!tpu.dma_semaphore, #tpu.memory_space<semaphore_mem>>) src(%dma_wait3A_431 : memref<344xi32, #tpu.memory_space<hbm>>) dst(%arg6 : memref<344xi32, #tpu.memory_space<vmem>>)
      tpu.yield
    }) : () -> ()
    %get3A = arith.constant 0 : index
    %get3A_4 = tpu.vector_load %arg6[%get3A] {strides = array<i32>} : memref<344xi32, #tpu.memory_space<vmem>>, vector<16xi32>,
    %get3A_5 = vector.shape_cast %get3A_4 : vector<16xi32> to vector<16xi32>
    %slice3A = vector.extract_strided_slice %get3A_5 {offsets = [0], sizes = [1], strides = [1]} : vector<16xi32> to vector<1xi32>
    %squeeze3A = vector.extract %slice3A[0] : i32 from vector<1xi32>
    %get3A_6 = arith.constant 320 : index
    %get3A_7 = tpu.vector_load %arg6[%get3A_6] {strides = array<i32>} : memref<344xi32, #tpu.memory_space<vmem>>, vector<16xi32>,
    %get3A_8 = vector.shape_cast %get3A_7 : vector<16xi32> to vector<16xi32>
    %slice3A_9 = vector.extract_strided_slice %get3A_8 {offsets = [0], sizes = [1], strides = [1]} : vector<16xi32> to vector<1xi32>
    %squeeze3A_10 = vector.extract %slice3A_9[0] : i32 from vector<1xi32>
    %jit3A = arith.constant 8 : i32
    %div3A = arith.divsi %squeeze3A, %jit3A : i32
    %sign3A = arith.constant 0 : i32
    %sign3A_11 = arith.cmpi sgt, %squeeze3A, %sign3A : i32
    %sign3A_12 = arith.extui %sign3A_11 : i1 to i32
    %sign3A_13 = arith.constant 0 : i32
    %sign3A_14 = arith.cmpi slt, %squeeze3A, %sign3A_13 : i32
    %sign3A_15 = arith.extui %sign3A_14 : i1 to i32
    %sign3A_16 = arith.subi %sign3A_12, %sign3A_15 : i32
    %sign3A_17 = arith.constant 0 : i32
    %sign3A_18 = arith.cmpi sgt, %jit3A, %sign3A_17 : i32
    %sign3A_19 = arith.extui %sign3A_18 : i1 to i32
    %sign3A_20 = arith.constant 0 : i32
    %sign3A_21 = arith.cmpi slt, %jit3A, %sign3A_20 : i32
    %sign3A_22 = arith.extui %sign3A_21 : i1 to i32
    %sign3A_23 = arith.subi %sign3A_19, %sign3A_22 : i32
    %ne3A = arith.cmpi ne, %sign3A_16, %sign3A_23 : i32
    %rem3A = arith.remsi %squeeze3A, %jit3A : i32
    %ne3A_24 = arith.constant 0 : i32
    %ne3A_25 = arith.cmpi ne, %rem3A, %ne3A_24 : i32
    %and3A = arith.andi %ne3A, %ne3A_25 : i1
    %sub3A = arith.constant 1 : i32
    %sub3A_26 = arith.subi %div3A, %sub3A : i32
    %select_n3A = arith.select %and3A, %sub3A_26, %div3A : i32
    %mul3A_27 = arith.constant 8 : i32
    %mul3A_28 = arith.muli %select_n3A, %mul3A_27 : i32
    %sub3A_29 = arith.subi %squeeze3A_10, %mul3A_28 : i32
    %add3A_30 = arith.constant 255 : i32
    %add3A_31 = arith.addi %sub3A_29, %add3A_30 : i32
    %jit3A_32 = arith.constant 256 : i32
    %div3A_33 = arith.divsi %add3A_31, %jit3A_32 : i32
    %sign3A_34 = arith.constant 0 : i32
    %sign3A_35 = arith.cmpi sgt, %add3A_31, %sign3A_34 : i32
    %sign3A_36 = arith.extui %sign3A_35 : i1 to i32
    %sign3A_37 = arith.constant 0 : i32
    %sign3A_38 = arith.cmpi slt, %add3A_31, %sign3A_37 : i32
    %sign3A_39 = arith.extui %sign3A_38 : i1 to i32
    %sign3A_40 = arith.subi %sign3A_36, %sign3A_39 : i32
    %sign3A_41 = arith.constant 0 : i32
    %sign3A_42 = arith.cmpi sgt, %jit3A_32, %sign3A_41 : i32
    %sign3A_43 = arith.extui %sign3A_42 : i1 to i32
    %sign3A_44 = arith.constant 0 : i32
    %sign3A_45 = arith.cmpi slt, %jit3A_32, %sign3A_44 : i32
    %sign3A_46 = arith.extui %sign3A_45 : i1 to i32
    %sign3A_47 = arith.subi %sign3A_43, %sign3A_46 : i32
    %ne3A_48 = arith.cmpi ne, %sign3A_40, %sign3A_47 : i32
    %rem3A_49 = arith.remsi %add3A_31, %jit3A_32 : i32
    %ne3A_50 = arith.constant 0 : i32
    %ne3A_51 = arith.cmpi ne, %rem3A_49, %ne3A_50 : i32
    %and3A_52 = arith.andi %ne3A_48, %ne3A_51 : i1
    %sub3A_53 = arith.constant 1 : i32
    %sub3A_54 = arith.subi %div3A_33, %sub3A_53 : i32
    %select_n3A_55 = arith.select %and3A_52, %sub3A_54, %div3A_33 : i32
    %broadcast_in_dim3A = arith.constant 0xFF800000 : f32
    %broadcast_in_dim3A_56 = vector.broadcast %broadcast_in_dim3A : f32 to vector<16xf32>
    %gt3A = arith.constant 0 : i32
    %gt3A_57 = arith.cmpi sgt, %select_n3A_55, %gt3A : i32
    %convert_element_type3A = arith.extui %gt3A_57 : i1 to i32
    %cond3A = arith.constant 0 : i32
    %cond3A_58 = arith.cmpi ne, %convert_element_type3A, %cond3A : i32
    scf.if %cond3A_58 {
      %add3A_430 = arith.constant 0 : i32
      %add3A_431 = arith.addi %mul3A_28, %add3A_430 : i32
      %min3A_432 = arith.constant 319744 : i32
      %min3A_433 = arith.minsi %add3A_431, %min3A_432 : i32
      %mul3A_434 = arith.constant 128 : i32
      %mul3A_435 = arith.muli %min3A_433, %mul3A_434 : i32
      %dma_start3A = tpu.memref_slice %arg2[%mul3A_435] : memref<40960000xf32, #tpu.memory_space<hbm>> -> memref<32768xf32, #tpu.memory_space<hbm>>
      %dma_start3A_436 = tpu.memref_slice %arg2[%mul3A_435] : memref<40960000xf32, #tpu.memory_space<hbm>> -> memref<32768xf32, #tpu.memory_space<hbm>>
      tpu.enqueue_dma source(%dma_start3A_436 : memref<32768xf32, #tpu.memory_space<hbm>>) target(%arg7 : memref<32768xf32, #tpu.memory_space<vmem>>) target_semaphore(%arg11 : memref<!tpu.dma_semaphore, #tpu.memory_space<semaphore_mem>>)
    } else {
    }
    %gt3A_59 = arith.constant 1 : i32
    %gt3A_60 = arith.cmpi sgt, %select_n3A_55, %gt3A_59 : i32
    %convert_element_type3A_61 = arith.extui %gt3A_60 : i1 to i32
    %cond3A_62 = arith.constant 0 : i32
    %cond3A_63 = arith.cmpi ne, %convert_element_type3A_61, %cond3A_62 : i32
    scf.if %cond3A_63 {
      %add3A_430 = arith.constant 256 : i32
      %add3A_431 = arith.addi %mul3A_28, %add3A_430 : i32
      %min3A_432 = arith.constant 319744 : i32
      %min3A_433 = arith.minsi %add3A_431, %min3A_432 : i32
      %mul3A_434 = arith.constant 128 : i32
      %mul3A_435 = arith.muli %min3A_433, %mul3A_434 : i32
      %dma_start3A = tpu.memref_slice %arg2[%mul3A_435] : memref<40960000xf32, #tpu.memory_space<hbm>> -> memref<32768xf32, #tpu.memory_space<hbm>>
      %dma_start3A_436 = tpu.memref_slice %arg2[%mul3A_435] : memref<40960000xf32, #tpu.memory_space<hbm>> -> memref<32768xf32, #tpu.memory_space<hbm>>
      tpu.enqueue_dma source(%dma_start3A_436 : memref<32768xf32, #tpu.memory_space<hbm>>) target(%arg8 : memref<32768xf32, #tpu.memory_space<vmem>>) target_semaphore(%arg12 : memref<!tpu.dma_semaphore, #tpu.memory_space<semaphore_mem>>)
    } else {
    }
    %add3A_64 = arith.constant 1 : i32
    %add3A_65 = arith.addi %select_n3A_55, %add3A_64 : i32
    %jit3A_66 = arith.constant 2 : i32
    %div3A_67 = arith.divsi %add3A_65, %jit3A_66 : i32
    %sign3A_68 = arith.constant 0 : i32
    %sign3A_69 = arith.cmpi sgt, %add3A_65, %sign3A_68 : i32
    %sign3A_70 = arith.extui %sign3A_69 : i1 to i32
    %sign3A_71 = arith.constant 0 : i32
    %sign3A_72 = arith.cmpi slt, %add3A_65, %sign3A_71 : i32
    %sign3A_73 = arith.extui %sign3A_72 : i1 to i32
    %sign3A_74 = arith.subi %sign3A_70, %sign3A_73 : i32
    %sign3A_75 = arith.constant 0 : i32
    %sign3A_76 = arith.cmpi sgt, %jit3A_66, %sign3A_75 : i32
    %sign3A_77 = arith.extui %sign3A_76 : i1 to i32
    %sign3A_78 = arith.constant 0 : i32
    %sign3A_79 = arith.cmpi slt, %jit3A_66, %sign3A_78 : i32
    %sign3A_80 = arith.extui %sign3A_79 : i1 to i32
    %sign3A_81 = arith.subi %sign3A_77, %sign3A_80 : i32
    %ne3A_82 = arith.cmpi ne, %sign3A_74, %sign3A_81 : i32
    %rem3A_83 = arith.remsi %add3A_65, %jit3A_66 : i32
    %ne3A_84 = arith.constant 0 : i32
    %ne3A_85 = arith.cmpi ne, %rem3A_83, %ne3A_84 : i32
    %and3A_86 = arith.andi %ne3A_82, %ne3A_85 : i1
    %sub3A_87 = arith.constant 1 : i32
    %sub3A_88 = arith.subi %div3A_67, %sub3A_87 : i32
    %select_n3A_89 = arith.select %and3A_86, %sub3A_88, %div3A_67 : i32
    %get3A_90 = arith.constant 0 : index
    %get3A_91 = tpu.vector_load %arg6[%get3A_90] {strides = array<i32>} : memref<344xi32, #tpu.memory_space<vmem>>, vector<16xi32>,
    %get3A_92 = vector.shape_cast %get3A_91 : vector<16xi32> to vector<16xi32>
    %get3A_93 = arith.constant 1 : index
    %get3A_94 = tpu.vector_load %arg6[%get3A_93] {strides = array<i32>} : memref<344xi32, #tpu.memory_space<vmem>>, vector<16xi32>,
    %get3A_95 = vector.shape_cast %get3A_94 : vector<16xi32> to vector<16xi32>
    %gt3A_96 = arith.cmpi sgt, %get3A_95, %get3A_92 : vector<16xi32>
    %broadcast_in_dim3A_97 = arith.constant 1 : i32
    %broadcast_in_dim3A_98 = vector.broadcast %broadcast_in_dim3A_97 : i32 to vector<16xi32>
    %broadcast_in_dim3A_99 = arith.constant 0 : i32
    %broadcast_in_dim3A_100 = vector.broadcast %broadcast_in_dim3A_99 : i32 to vector<16xi32>
    %select_n3A_101 = arith.select %gt3A_96, %broadcast_in_dim3A_98, %broadcast_in_dim3A_100 : vector<16xi1>, vector<16xi32>
    %swap3A = arith.constant 0 : index
    %swap3A_102 = tpu.vector_load %arg10[%swap3A] {strides = array<i32>} : memref<320xi32, #tpu.memory_space<vmem>>, vector<16xi32>,
    %swap3A_103 = vector.shape_cast %swap3A_102 : vector<16xi32> to vector<16xi32>
    %swap3A_104 = vector.shape_cast %select_n3A_101 : vector<16xi32> to vector<16xi32>
    tpu.vector_store %arg10[%swap3A], %swap3A_104 {strides = array<i32>} : memref<320xi32, #tpu.memory_space<vmem>>, vector<16xi32>,
    %get3A_105 = arith.constant 16 : index
    %get3A_106 = tpu.vector_load %arg6[%get3A_105] {strides = array<i32>} : memref<344xi32, #tpu.memory_space<vmem>>, vector<16xi32>,
    %get3A_107 = vector.shape_cast %get3A_106 : vector<16xi32> to vector<16xi32>
    %get3A_108 = arith.constant 17 : index
    %get3A_109 = tpu.vector_load %arg6[%get3A_108] {strides = array<i32>} : memref<344xi32, #tpu.memory_space<vmem>>, vector<16xi32>,
    %get3A_110 = vector.shape_cast %get3A_109 : vector<16xi32> to vector<16xi32>
    %gt3A_111 = arith.cmpi sgt, %get3A_110, %get3A_107 : vector<16xi32>
    %broadcast_in_dim3A_112 = arith.constant 1 : i32
    %broadcast_in_dim3A_113 = vector.broadcast %broadcast_in_dim3A_112 : i32 to vector<16xi32>
    %broadcast_in_dim3A_114 = arith.constant 0 : i32
    %broadcast_in_dim3A_115 = vector.broadcast %broadcast_in_dim3A_114 : i32 to vector<16xi32>
    %select_n3A_116 = arith.select %gt3A_111, %broadcast_in_dim3A_113, %broadcast_in_dim3A_115 : vector<16xi1>, vector<16xi32>
    %swap3A_117 = arith.constant 16 : index
    %swap3A_118 = tpu.vector_load %arg10[%swap3A_117] {strides = array<i32>} : memref<320xi32, #tpu.memory_space<vmem>>, vector<16xi32>,
    %swap3A_119 = vector.shape_cast %swap3A_118 : vector<16xi32> to vector<16xi32>
    %swap3A_120 = vector.shape_cast %select_n3A_116 : vector<16xi32> to vector<16xi32>
    tpu.vector_store %arg10[%swap3A_117], %swap3A_120 {strides = array<i32>} : memref<320xi32, #tpu.memory_space<vmem>>, vector<16xi32>,
    %get3A_121 = arith.constant 32 : index
    %get3A_122 = tpu.vector_load %arg6[%get3A_121] {strides = array<i32>} : memref<344xi32, #tpu.memory_space<vmem>>, vector<16xi32>,
    %get3A_123 = vector.shape_cast %get3A_122 : vector<16xi32> to vector<16xi32>
    %get3A_124 = arith.constant 33 : index
    %get3A_125 = tpu.vector_load %arg6[%get3A_124] {strides = array<i32>} : memref<344xi32, #tpu.memory_space<vmem>>, vector<16xi32>,
    %get3A_126 = vector.shape_cast %get3A_125 : vector<16xi32> to vector<16xi32>
    %gt3A_127 = arith.cmpi sgt, %get3A_126, %get3A_123 : vector<16xi32>
    %broadcast_in_dim3A_128 = arith.constant 1 : i32
    %broadcast_in_dim3A_129 = vector.broadcast %broadcast_in_dim3A_128 : i32 to vector<16xi32>
    %broadcast_in_dim3A_130 = arith.constant 0 : i32
    %broadcast_in_dim3A_131 = vector.broadcast %broadcast_in_dim3A_130 : i32 to vector<16xi32>
    %select_n3A_132 = arith.select %gt3A_127, %broadcast_in_dim3A_129, %broadcast_in_dim3A_131 : vector<16xi1>, vector<16xi32>
    %swap3A_133 = arith.constant 32 : index
    %swap3A_134 = tpu.vector_load %arg10[%swap3A_133] {strides = array<i32>} : memref<320xi32, #tpu.memory_space<vmem>>, vector<16xi32>,
    %swap3A_135 = vector.shape_cast %swap3A_134 : vector<16xi32> to vector<16xi32>
    %swap3A_136 = vector.shape_cast %select_n3A_132 : vector<16xi32> to vector<16xi32>
    tpu.vector_store %arg10[%swap3A_133], %swap3A_136 {strides = array<i32>} : memref<320xi32, #tpu.memory_space<vmem>>, vector<16xi32>,
    %get3A_137 = arith.constant 48 : index
    %get3A_138 = tpu.vector_load %arg6[%get3A_137] {strides = array<i32>} : memref<344xi32, #tpu.memory_space<vmem>>, vector<16xi32>,
    %get3A_139 = vector.shape_cast %get3A_138 : vector<16xi32> to vector<16xi32>
    %get3A_140 = arith.constant 49 : index
    %get3A_141 = tpu.vector_load %arg6[%get3A_140] {strides = array<i32>} : memref<344xi32, #tpu.memory_space<vmem>>, vector<16xi32>,
    %get3A_142 = vector.shape_cast %get3A_141 : vector<16xi32> to vector<16xi32>
    %gt3A_143 = arith.cmpi sgt, %get3A_142, %get3A_139 : vector<16xi32>
    %broadcast_in_dim3A_144 = arith.constant 1 : i32
    %broadcast_in_dim3A_145 = vector.broadcast %broadcast_in_dim3A_144 : i32 to vector<16xi32>
    %broadcast_in_dim3A_146 = arith.constant 0 : i32
    %broadcast_in_dim3A_147 = vector.broadcast %broadcast_in_dim3A_146 : i32 to vector<16xi32>
    %select_n3A_148 = arith.select %gt3A_143, %broadcast_in_dim3A_145, %broadcast_in_dim3A_147 : vector<16xi1>, vector<16xi32>
    %swap3A_149 = arith.constant 48 : index
    %swap3A_150 = tpu.vector_load %arg10[%swap3A_149] {strides = array<i32>} : memref<320xi32, #tpu.memory_space<vmem>>, vector<16xi32>,
    %swap3A_151 = vector.shape_cast %swap3A_150 : vector<16xi32> to vector<16xi32>
    %swap3A_152 = vector.shape_cast %select_n3A_148 : vector<16xi32> to vector<16xi32>
    tpu.vector_store %arg10[%swap3A_149], %swap3A_152 {strides = array<i32>} : memref<320xi32, #tpu.memory_space<vmem>>, vector<16xi32>,
    %get3A_153 = arith.constant 64 : index
    %get3A_154 = tpu.vector_load %arg6[%get3A_153] {strides = array<i32>} : memref<344xi32, #tpu.memory_space<vmem>>, vector<16xi32>,
    %get3A_155 = vector.shape_cast %get3A_154 : vector<16xi32> to vector<16xi32>
    %get3A_156 = arith.constant 65 : index
    %get3A_157 = tpu.vector_load %arg6[%get3A_156] {strides = array<i32>} : memref<344xi32, #tpu.memory_space<vmem>>, vector<16xi32>,
    %get3A_158 = vector.shape_cast %get3A_157 : vector<16xi32> to vector<16xi32>
    %gt3A_159 = arith.cmpi sgt, %get3A_158, %get3A_155 : vector<16xi32>
    %broadcast_in_dim3A_160 = arith.constant 1 : i32
    %broadcast_in_dim3A_161 = vector.broadcast %broadcast_in_dim3A_160 : i32 to vector<16xi32>
    %broadcast_in_dim3A_162 = arith.constant 0 : i32
    %broadcast_in_dim3A_163 = vector.broadcast %broadcast_in_dim3A_162 : i32 to vector<16xi32>
    %select_n3A_164 = arith.select %gt3A_159, %broadcast_in_dim3A_161, %broadcast_in_dim3A_163 : vector<16xi1>, vector<16xi32>
    %swap3A_165 = arith.constant 64 : index
    %swap3A_166 = tpu.vector_load %arg10[%swap3A_165] {strides = array<i32>} : memref<320xi32, #tpu.memory_space<vmem>>, vector<16xi32>,
    %swap3A_167 = vector.shape_cast %swap3A_166 : vector<16xi32> to vector<16xi32>
    %swap3A_168 = vector.shape_cast %select_n3A_164 : vector<16xi32> to vector<16xi32>
    tpu.vector_store %arg10[%swap3A_165], %swap3A_168 {strides = array<i32>} : memref<320xi32, #tpu.memory_space<vmem>>, vector<16xi32>,
    %get3A_169 = arith.constant 80 : index
    %get3A_170 = tpu.vector_load %arg6[%get3A_169] {strides = array<i32>} : memref<344xi32, #tpu.memory_space<vmem>>, vector<16xi32>,
    %get3A_171 = vector.shape_cast %get3A_170 : vector<16xi32> to vector<16xi32>
    %get3A_172 = arith.constant 81 : index
    %get3A_173 = tpu.vector_load %arg6[%get3A_172] {strides = array<i32>} : memref<344xi32, #tpu.memory_space<vmem>>, vector<16xi32>,
    %get3A_174 = vector.shape_cast %get3A_173 : vector<16xi32> to vector<16xi32>
    %gt3A_175 = arith.cmpi sgt, %get3A_174, %get3A_171 : vector<16xi32>
    %broadcast_in_dim3A_176 = arith.constant 1 : i32
    %broadcast_in_dim3A_177 = vector.broadcast %broadcast_in_dim3A_176 : i32 to vector<16xi32>
    %broadcast_in_dim3A_178 = arith.constant 0 : i32
    %broadcast_in_dim3A_179 = vector.broadcast %broadcast_in_dim3A_178 : i32 to vector<16xi32>
    %select_n3A_180 = arith.select %gt3A_175, %broadcast_in_dim3A_177, %broadcast_in_dim3A_179 : vector<16xi1>, vector<16xi32>
    %swap3A_181 = arith.constant 80 : index
    %swap3A_182 = tpu.vector_load %arg10[%swap3A_181] {strides = array<i32>} : memref<320xi32, #tpu.memory_space<vmem>>, vector<16xi32>,
    %swap3A_183 = vector.shape_cast %swap3A_182 : vector<16xi32> to vector<16xi32>
    %swap3A_184 = vector.shape_cast %select_n3A_180 : vector<16xi32> to vector<16xi32>
    tpu.vector_store %arg10[%swap3A_181], %swap3A_184 {strides = array<i32>} : memref<320xi32, #tpu.memory_space<vmem>>, vector<16xi32>,
    %get3A_185 = arith.constant 96 : index
    %get3A_186 = tpu.vector_load %arg6[%get3A_185] {strides = array<i32>} : memref<344xi32, #tpu.memory_space<vmem>>, vector<16xi32>,
    %get3A_187 = vector.shape_cast %get3A_186 : vector<16xi32> to vector<16xi32>
    %get3A_188 = arith.constant 97 : index
    %get3A_189 = tpu.vector_load %arg6[%get3A_188] {strides = array<i32>} : memref<344xi32, #tpu.memory_space<vmem>>, vector<16xi32>,
    %get3A_190 = vector.shape_cast %get3A_189 : vector<16xi32> to vector<16xi32>
    %gt3A_191 = arith.cmpi sgt, %get3A_190, %get3A_187 : vector<16xi32>
    %broadcast_in_dim3A_192 = arith.constant 1 : i32
    %broadcast_in_dim3A_193 = vector.broadcast %broadcast_in_dim3A_192 : i32 to vector<16xi32>
    %broadcast_in_dim3A_194 = arith.constant 0 : i32
    %broadcast_in_dim3A_195 = vector.broadcast %broadcast_in_dim3A_194 : i32 to vector<16xi32>
    %select_n3A_196 = arith.select %gt3A_191, %broadcast_in_dim3A_193, %broadcast_in_dim3A_195 : vector<16xi1>, vector<16xi32>
    %swap3A_197 = arith.constant 96 : index
    %swap3A_198 = tpu.vector_load %arg10[%swap3A_197] {strides = array<i32>} : memref<320xi32, #tpu.memory_space<vmem>>, vector<16xi32>,
    %swap3A_199 = vector.shape_cast %swap3A_198 : vector<16xi32> to vector<16xi32>
    %swap3A_200 = vector.shape_cast %select_n3A_196 : vector<16xi32> to vector<16xi32>
    tpu.vector_store %arg10[%swap3A_197], %swap3A_200 {strides = array<i32>} : memref<320xi32, #tpu.memory_space<vmem>>, vector<16xi32>,
    %get3A_201 = arith.constant 112 : index
    %get3A_202 = tpu.vector_load %arg6[%get3A_201] {strides = array<i32>} : memref<344xi32, #tpu.memory_space<vmem>>, vector<16xi32>,
    %get3A_203 = vector.shape_cast %get3A_202 : vector<16xi32> to vector<16xi32>
    %get3A_204 = arith.constant 113 : index
    %get3A_205 = tpu.vector_load %arg6[%get3A_204] {strides = array<i32>} : memref<344xi32, #tpu.memory_space<vmem>>, vector<16xi32>,
    %get3A_206 = vector.shape_cast %get3A_205 : vector<16xi32> to vector<16xi32>
    %gt3A_207 = arith.cmpi sgt, %get3A_206, %get3A_203 : vector<16xi32>
    %broadcast_in_dim3A_208 = arith.constant 1 : i32
    %broadcast_in_dim3A_209 = vector.broadcast %broadcast_in_dim3A_208 : i32 to vector<16xi32>
    %broadcast_in_dim3A_210 = arith.constant 0 : i32
    %broadcast_in_dim3A_211 = vector.broadcast %broadcast_in_dim3A_210 : i32 to vector<16xi32>
    %select_n3A_212 = arith.select %gt3A_207, %broadcast_in_dim3A_209, %broadcast_in_dim3A_211 : vector<16xi1>, vector<16xi32>
    %swap3A_213 = arith.constant 112 : index
    %swap3A_214 = tpu.vector_load %arg10[%swap3A_213] {strides = array<i32>} : memref<320xi32, #tpu.memory_space<vmem>>, vector<16xi32>,
    %swap3A_215 = vector.shape_cast %swap3A_214 : vector<16xi32> to vector<16xi32>
    %swap3A_216 = vector.shape_cast %select_n3A_212 : vector<16xi32> to vector<16xi32>
    tpu.vector_store %arg10[%swap3A_213], %swap3A_216 {strides = array<i32>} : memref<320xi32, #tpu.memory_space<vmem>>, vector<16xi32>,
    %get3A_217 = arith.constant 128 : index
    %get3A_218 = tpu.vector_load %arg6[%get3A_217] {strides = array<i32>} : memref<344xi32, #tpu.memory_space<vmem>>, vector<16xi32>,
    %get3A_219 = vector.shape_cast %get3A_218 : vector<16xi32> to vector<16xi32>
    %get3A_220 = arith.constant 129 : index
    %get3A_221 = tpu.vector_load %arg6[%get3A_220] {strides = array<i32>} : memref<344xi32, #tpu.memory_space<vmem>>, vector<16xi32>,
    %get3A_222 = vector.shape_cast %get3A_221 : vector<16xi32> to vector<16xi32>
    %gt3A_223 = arith.cmpi sgt, %get3A_222, %get3A_219 : vector<16xi32>
    %broadcast_in_dim3A_224 = arith.constant 1 : i32
    %broadcast_in_dim3A_225 = vector.broadcast %broadcast_in_dim3A_224 : i32 to vector<16xi32>
    %broadcast_in_dim3A_226 = arith.constant 0 : i32
    %broadcast_in_dim3A_227 = vector.broadcast %broadcast_in_dim3A_226 : i32 to vector<16xi32>
    %select_n3A_228 = arith.select %gt3A_223, %broadcast_in_dim3A_225, %broadcast_in_dim3A_227 : vector<16xi1>, vector<16xi32>
    %swap3A_229 = arith.constant 128 : index
    %swap3A_230 = tpu.vector_load %arg10[%swap3A_229] {strides = array<i32>} : memref<320xi32, #tpu.memory_space<vmem>>, vector<16xi32>,
    %swap3A_231 = vector.shape_cast %swap3A_230 : vector<16xi32> to vector<16xi32>
    %swap3A_232 = vector.shape_cast %select_n3A_228 : vector<16xi32> to vector<16xi32>
    tpu.vector_store %arg10[%swap3A_229], %swap3A_232 {strides = array<i32>} : memref<320xi32, #tpu.memory_space<vmem>>, vector<16xi32>,
    %get3A_233 = arith.constant 144 : index
    %get3A_234 = tpu.vector_load %arg6[%get3A_233] {strides = array<i32>} : memref<344xi32, #tpu.memory_space<vmem>>, vector<16xi32>,
    %get3A_235 = vector.shape_cast %get3A_234 : vector<16xi32> to vector<16xi32>
    %get3A_236 = arith.constant 145 : index
    %get3A_237 = tpu.vector_load %arg6[%get3A_236] {strides = array<i32>} : memref<344xi32, #tpu.memory_space<vmem>>, vector<16xi32>,
    %get3A_238 = vector.shape_cast %get3A_237 : vector<16xi32> to vector<16xi32>
    %gt3A_239 = arith.cmpi sgt, %get3A_238, %get3A_235 : vector<16xi32>
    %broadcast_in_dim3A_240 = arith.constant 1 : i32
    %broadcast_in_dim3A_241 = vector.broadcast %broadcast_in_dim3A_240 : i32 to vector<16xi32>
    %broadcast_in_dim3A_242 = arith.constant 0 : i32
    %broadcast_in_dim3A_243 = vector.broadcast %broadcast_in_dim3A_242 : i32 to vector<16xi32>
    %select_n3A_244 = arith.select %gt3A_239, %broadcast_in_dim3A_241, %broadcast_in_dim3A_243 : vector<16xi1>, vector<16xi32>
    %swap3A_245 = arith.constant 144 : index
    %swap3A_246 = tpu.vector_load %arg10[%swap3A_245] {strides = array<i32>} : memref<320xi32, #tpu.memory_space<vmem>>, vector<16xi32>,
    %swap3A_247 = vector.shape_cast %swap3A_246 : vector<16xi32> to vector<16xi32>
    %swap3A_248 = vector.shape_cast %select_n3A_244 : vector<16xi32> to vector<16xi32>
    tpu.vector_store %arg10[%swap3A_245], %swap3A_248 {strides = array<i32>} : memref<320xi32, #tpu.memory_space<vmem>>, vector<16xi32>,
    %get3A_249 = arith.constant 160 : index
    %get3A_250 = tpu.vector_load %arg6[%get3A_249] {strides = array<i32>} : memref<344xi32, #tpu.memory_space<vmem>>, vector<16xi32>,
    %get3A_251 = vector.shape_cast %get3A_250 : vector<16xi32> to vector<16xi32>
    %get3A_252 = arith.constant 161 : index
    %get3A_253 = tpu.vector_load %arg6[%get3A_252] {strides = array<i32>} : memref<344xi32, #tpu.memory_space<vmem>>, vector<16xi32>,
    %get3A_254 = vector.shape_cast %get3A_253 : vector<16xi32> to vector<16xi32>
    %gt3A_255 = arith.cmpi sgt, %get3A_254, %get3A_251 : vector<16xi32>
    %broadcast_in_dim3A_256 = arith.constant 1 : i32
    %broadcast_in_dim3A_257 = vector.broadcast %broadcast_in_dim3A_256 : i32 to vector<16xi32>
    %broadcast_in_dim3A_258 = arith.constant 0 : i32
    %broadcast_in_dim3A_259 = vector.broadcast %broadcast_in_dim3A_258 : i32 to vector<16xi32>
    %select_n3A_260 = arith.select %gt3A_255, %broadcast_in_dim3A_257, %broadcast_in_dim3A_259 : vector<16xi1>, vector<16xi32>
    %swap3A_261 = arith.constant 160 : index
    %swap3A_262 = tpu.vector_load %arg10[%swap3A_261] {strides = array<i32>} : memref<320xi32, #tpu.memory_space<vmem>>, vector<16xi32>,
    %swap3A_263 = vector.shape_cast %swap3A_262 : vector<16xi32> to vector<16xi32>
    %swap3A_264 = vector.shape_cast %select_n3A_260 : vector<16xi32> to vector<16xi32>
    tpu.vector_store %arg10[%swap3A_261], %swap3A_264 {strides = array<i32>} : memref<320xi32, #tpu.memory_space<vmem>>, vector<16xi32>,
    %get3A_265 = arith.constant 176 : index
    %get3A_266 = tpu.vector_load %arg6[%get3A_265] {strides = array<i32>} : memref<344xi32, #tpu.memory_space<vmem>>, vector<16xi32>,
    %get3A_267 = vector.shape_cast %get3A_266 : vector<16xi32> to vector<16xi32>
    %get3A_268 = arith.constant 177 : index
    %get3A_269 = tpu.vector_load %arg6[%get3A_268] {strides = array<i32>} : memref<344xi32, #tpu.memory_space<vmem>>, vector<16xi32>,
    %get3A_270 = vector.shape_cast %get3A_269 : vector<16xi32> to vector<16xi32>
    %gt3A_271 = arith.cmpi sgt, %get3A_270, %get3A_267 : vector<16xi32>
    %broadcast_in_dim3A_272 = arith.constant 1 : i32
    %broadcast_in_dim3A_273 = vector.broadcast %broadcast_in_dim3A_272 : i32 to vector<16xi32>
    %broadcast_in_dim3A_274 = arith.constant 0 : i32
    %broadcast_in_dim3A_275 = vector.broadcast %broadcast_in_dim3A_274 : i32 to vector<16xi32>
    %select_n3A_276 = arith.select %gt3A_271, %broadcast_in_dim3A_273, %broadcast_in_dim3A_275 : vector<16xi1>, vector<16xi32>
    %swap3A_277 = arith.constant 176 : index
    %swap3A_278 = tpu.vector_load %arg10[%swap3A_277] {strides = array<i32>} : memref<320xi32, #tpu.memory_space<vmem>>, vector<16xi32>,
    %swap3A_279 = vector.shape_cast %swap3A_278 : vector<16xi32> to vector<16xi32>
    %swap3A_280 = vector.shape_cast %select_n3A_276 : vector<16xi32> to vector<16xi32>
    tpu.vector_store %arg10[%swap3A_277], %swap3A_280 {strides = array<i32>} : memref<320xi32, #tpu.memory_space<vmem>>, vector<16xi32>,
    %get3A_281 = arith.constant 192 : index
    %get3A_282 = tpu.vector_load %arg6[%get3A_281] {strides = array<i32>} : memref<344xi32, #tpu.memory_space<vmem>>, vector<16xi32>,
    %get3A_283 = vector.shape_cast %get3A_282 : vector<16xi32> to vector<16xi32>
    %get3A_284 = arith.constant 193 : index
    %get3A_285 = tpu.vector_load %arg6[%get3A_284] {strides = array<i32>} : memref<344xi32, #tpu.memory_space<vmem>>, vector<16xi32>,
    %get3A_286 = vector.shape_cast %get3A_285 : vector<16xi32> to vector<16xi32>
    %gt3A_287 = arith.cmpi sgt, %get3A_286, %get3A_283 : vector<16xi32>
    %broadcast_in_dim3A_288 = arith.constant 1 : i32
    %broadcast_in_dim3A_289 = vector.broadcast %broadcast_in_dim3A_288 : i32 to vector<16xi32>
    %broadcast_in_dim3A_290 = arith.constant 0 : i32
    %broadcast_in_dim3A_291 = vector.broadcast %broadcast_in_dim3A_290 : i32 to vector<16xi32>
    %select_n3A_292 = arith.select %gt3A_287, %broadcast_in_dim3A_289, %broadcast_in_dim3A_291 : vector<16xi1>, vector<16xi32>
    %swap3A_293 = arith.constant 192 : index
    %swap3A_294 = tpu.vector_load %arg10[%swap3A_293] {strides = array<i32>} : memref<320xi32, #tpu.memory_space<vmem>>, vector<16xi32>,
    %swap3A_295 = vector.shape_cast %swap3A_294 : vector<16xi32> to vector<16xi32>
    %swap3A_296 = vector.shape_cast %select_n3A_292 : vector<16xi32> to vector<16xi32>
    tpu.vector_store %arg10[%swap3A_293], %swap3A_296 {strides = array<i32>} : memref<320xi32, #tpu.memory_space<vmem>>, vector<16xi32>,
    %get3A_297 = arith.constant 208 : index
    %get3A_298 = tpu.vector_load %arg6[%get3A_297] {strides = array<i32>} : memref<344xi32, #tpu.memory_space<vmem>>, vector<16xi32>,
    %get3A_299 = vector.shape_cast %get3A_298 : vector<16xi32> to vector<16xi32>
    %get3A_300 = arith.constant 209 : index
    %get3A_301 = tpu.vector_load %arg6[%get3A_300] {strides = array<i32>} : memref<344xi32, #tpu.memory_space<vmem>>, vector<16xi32>,
    %get3A_302 = vector.shape_cast %get3A_301 : vector<16xi32> to vector<16xi32>
    %gt3A_303 = arith.cmpi sgt, %get3A_302, %get3A_299 : vector<16xi32>
    %broadcast_in_dim3A_304 = arith.constant 1 : i32
    %broadcast_in_dim3A_305 = vector.broadcast %broadcast_in_dim3A_304 : i32 to vector<16xi32>
    %broadcast_in_dim3A_306 = arith.constant 0 : i32
    %broadcast_in_dim3A_307 = vector.broadcast %broadcast_in_dim3A_306 : i32 to vector<16xi32>
    %select_n3A_308 = arith.select %gt3A_303, %broadcast_in_dim3A_305, %broadcast_in_dim3A_307 : vector<16xi1>, vector<16xi32>
    %swap3A_309 = arith.constant 208 : index
    %swap3A_310 = tpu.vector_load %arg10[%swap3A_309] {strides = array<i32>} : memref<320xi32, #tpu.memory_space<vmem>>, vector<16xi32>,
    %swap3A_311 = vector.shape_cast %swap3A_310 : vector<16xi32> to vector<16xi32>
    %swap3A_312 = vector.shape_cast %select_n3A_308 : vector<16xi32> to vector<16xi32>
    tpu.vector_store %arg10[%swap3A_309], %swap3A_312 {strides = array<i32>} : memref<320xi32, #tpu.memory_space<vmem>>, vector<16xi32>,
    %get3A_313 = arith.constant 224 : index
    %get3A_314 = tpu.vector_load %arg6[%get3A_313] {strides = array<i32>} : memref<344xi32, #tpu.memory_space<vmem>>, vector<16xi32>,
    %get3A_315 = vector.shape_cast %get3A_314 : vector<16xi32> to vector<16xi32>
    %get3A_316 = arith.constant 225 : index
    %get3A_317 = tpu.vector_load %arg6[%get3A_316] {strides = array<i32>} : memref<344xi32, #tpu.memory_space<vmem>>, vector<16xi32>,
    %get3A_318 = vector.shape_cast %get3A_317 : vector<16xi32> to vector<16xi32>
    %gt3A_319 = arith.cmpi sgt, %get3A_318, %get3A_315 : vector<16xi32>
    %broadcast_in_dim3A_320 = arith.constant 1 : i32
    %broadcast_in_dim3A_321 = vector.broadcast %broadcast_in_dim3A_320 : i32 to vector<16xi32>
    %broadcast_in_dim3A_322 = arith.constant 0 : i32
    %broadcast_in_dim3A_323 = vector.broadcast %broadcast_in_dim3A_322 : i32 to vector<16xi32>
    %select_n3A_324 = arith.select %gt3A_319, %broadcast_in_dim3A_321, %broadcast_in_dim3A_323 : vector<16xi1>, vector<16xi32>
    %swap3A_325 = arith.constant 224 : index
    %swap3A_326 = tpu.vector_load %arg10[%swap3A_325] {strides = array<i32>} : memref<320xi32, #tpu.memory_space<vmem>>, vector<16xi32>,
    %swap3A_327 = vector.shape_cast %swap3A_326 : vector<16xi32> to vector<16xi32>
    %swap3A_328 = vector.shape_cast %select_n3A_324 : vector<16xi32> to vector<16xi32>
    tpu.vector_store %arg10[%swap3A_325], %swap3A_328 {strides = array<i32>} : memref<320xi32, #tpu.memory_space<vmem>>, vector<16xi32>,
    %get3A_329 = arith.constant 240 : index
    %get3A_330 = tpu.vector_load %arg6[%get3A_329] {strides = array<i32>} : memref<344xi32, #tpu.memory_space<vmem>>, vector<16xi32>,
    %get3A_331 = vector.shape_cast %get3A_330 : vector<16xi32> to vector<16xi32>
    %get3A_332 = arith.constant 241 : index
    %get3A_333 = tpu.vector_load %arg6[%get3A_332] {strides = array<i32>} : memref<344xi32, #tpu.memory_space<vmem>>, vector<16xi32>,
    %get3A_334 = vector.shape_cast %get3A_333 : vector<16xi32> to vector<16xi32>
    %gt3A_335 = arith.cmpi sgt, %get3A_334, %get3A_331 : vector<16xi32>
    %broadcast_in_dim3A_336 = arith.constant 1 : i32
    %broadcast_in_dim3A_337 = vector.broadcast %broadcast_in_dim3A_336 : i32 to vector<16xi32>
    %broadcast_in_dim3A_338 = arith.constant 0 : i32
    %broadcast_in_dim3A_339 = vector.broadcast %broadcast_in_dim3A_338 : i32 to vector<16xi32>
    %select_n3A_340 = arith.select %gt3A_335, %broadcast_in_dim3A_337, %broadcast_in_dim3A_339 : vector<16xi1>, vector<16xi32>
    %swap3A_341 = arith.constant 240 : index
    %swap3A_342 = tpu.vector_load %arg10[%swap3A_341] {strides = array<i32>} : memref<320xi32, #tpu.memory_space<vmem>>, vector<16xi32>,
    %swap3A_343 = vector.shape_cast %swap3A_342 : vector<16xi32> to vector<16xi32>
    %swap3A_344 = vector.shape_cast %select_n3A_340 : vector<16xi32> to vector<16xi32>
    tpu.vector_store %arg10[%swap3A_341], %swap3A_344 {strides = array<i32>} : memref<320xi32, #tpu.memory_space<vmem>>, vector<16xi32>,
    %get3A_345 = arith.constant 256 : index
    %get3A_346 = tpu.vector_load %arg6[%get3A_345] {strides = array<i32>} : memref<344xi32, #tpu.memory_space<vmem>>, vector<16xi32>,
    %get3A_347 = vector.shape_cast %get3A_346 : vector<16xi32> to vector<16xi32>
    %get3A_348 = arith.constant 257 : index
    %get3A_349 = tpu.vector_load %arg6[%get3A_348] {strides = array<i32>} : memref<344xi32, #tpu.memory_space<vmem>>, vector<16xi32>,
    %get3A_350 = vector.shape_cast %get3A_349 : vector<16xi32> to vector<16xi32>
    %gt3A_351 = arith.cmpi sgt, %get3A_350, %get3A_347 : vector<16xi32>
    %broadcast_in_dim3A_352 = arith.constant 1 : i32
    %broadcast_in_dim3A_353 = vector.broadcast %broadcast_in_dim3A_352 : i32 to vector<16xi32>
    %broadcast_in_dim3A_354 = arith.constant 0 : i32
    %broadcast_in_dim3A_355 = vector.broadcast %broadcast_in_dim3A_354 : i32 to vector<16xi32>
    %select_n3A_356 = arith.select %gt3A_351, %broadcast_in_dim3A_353, %broadcast_in_dim3A_355 : vector<16xi1>, vector<16xi32>
    %swap3A_357 = arith.constant 256 : index
    %swap3A_358 = tpu.vector_load %arg10[%swap3A_357] {strides = array<i32>} : memref<320xi32, #tpu.memory_space<vmem>>, vector<16xi32>,
    %swap3A_359 = vector.shape_cast %swap3A_358 : vector<16xi32> to vector<16xi32>
    %swap3A_360 = vector.shape_cast %select_n3A_356 : vector<16xi32> to vector<16xi32>
    tpu.vector_store %arg10[%swap3A_357], %swap3A_360 {strides = array<i32>} : memref<320xi32, #tpu.memory_space<vmem>>, vector<16xi32>,
    %get3A_361 = arith.constant 272 : index
    %get3A_362 = tpu.vector_load %arg6[%get3A_361] {strides = array<i32>} : memref<344xi32, #tpu.memory_space<vmem>>, vector<16xi32>,
    %get3A_363 = vector.shape_cast %get3A_362 : vector<16xi32> to vector<16xi32>
    %get3A_364 = arith.constant 273 : index
    %get3A_365 = tpu.vector_load %arg6[%get3A_364] {strides = array<i32>} : memref<344xi32, #tpu.memory_space<vmem>>, vector<16xi32>,
    %get3A_366 = vector.shape_cast %get3A_365 : vector<16xi32> to vector<16xi32>
    %gt3A_367 = arith.cmpi sgt, %get3A_366, %get3A_363 : vector<16xi32>
    %broadcast_in_dim3A_368 = arith.constant 1 : i32
    %broadcast_in_dim3A_369 = vector.broadcast %broadcast_in_dim3A_368 : i32 to vector<16xi32>
    %broadcast_in_dim3A_370 = arith.constant 0 : i32
    %broadcast_in_dim3A_371 = vector.broadcast %broadcast_in_dim3A_370 : i32 to vector<16xi32>
    %select_n3A_372 = arith.select %gt3A_367, %broadcast_in_dim3A_369, %broadcast_in_dim3A_371 : vector<16xi1>, vector<16xi32>
    %swap3A_373 = arith.constant 272 : index
    %swap3A_374 = tpu.vector_load %arg10[%swap3A_373] {strides = array<i32>} : memref<320xi32, #tpu.memory_space<vmem>>, vector<16xi32>,
    %swap3A_375 = vector.shape_cast %swap3A_374 : vector<16xi32> to vector<16xi32>
    %swap3A_376 = vector.shape_cast %select_n3A_372 : vector<16xi32> to vector<16xi32>
    tpu.vector_store %arg10[%swap3A_373], %swap3A_376 {strides = array<i32>} : memref<320xi32, #tpu.memory_space<vmem>>, vector<16xi32>,
    %get3A_377 = arith.constant 288 : index
    %get3A_378 = tpu.vector_load %arg6[%get3A_377] {strides = array<i32>} : memref<344xi32, #tpu.memory_space<vmem>>, vector<16xi32>,
    %get3A_379 = vector.shape_cast %get3A_378 : vector<16xi32> to vector<16xi32>
    %get3A_380 = arith.constant 289 : index
    %get3A_381 = tpu.vector_load %arg6[%get3A_380] {strides = array<i32>} : memref<344xi32, #tpu.memory_space<vmem>>, vector<16xi32>,
    %get3A_382 = vector.shape_cast %get3A_381 : vector<16xi32> to vector<16xi32>
    %gt3A_383 = arith.cmpi sgt, %get3A_382, %get3A_379 : vector<16xi32>
    %broadcast_in_dim3A_384 = arith.constant 1 : i32
    %broadcast_in_dim3A_385 = vector.broadcast %broadcast_in_dim3A_384 : i32 to vector<16xi32>
    %broadcast_in_dim3A_386 = arith.constant 0 : i32
    %broadcast_in_dim3A_387 = vector.broadcast %broadcast_in_dim3A_386 : i32 to vector<16xi32>
    %select_n3A_388 = arith.select %gt3A_383, %broadcast_in_dim3A_385, %broadcast_in_dim3A_387 : vector<16xi1>, vector<16xi32>
    %swap3A_389 = arith.constant 288 : index
    %swap3A_390 = tpu.vector_load %arg10[%swap3A_389] {strides = array<i32>} : memref<320xi32, #tpu.memory_space<vmem>>, vector<16xi32>,
    %swap3A_391 = vector.shape_cast %swap3A_390 : vector<16xi32> to vector<16xi32>
    %swap3A_392 = vector.shape_cast %select_n3A_388 : vector<16xi32> to vector<16xi32>
    tpu.vector_store %arg10[%swap3A_389], %swap3A_392 {strides = array<i32>} : memref<320xi32, #tpu.memory_space<vmem>>, vector<16xi32>,
    %get3A_393 = arith.constant 304 : index
    %get3A_394 = tpu.vector_load %arg6[%get3A_393] {strides = array<i32>} : memref<344xi32, #tpu.memory_space<vmem>>, vector<16xi32>,
    %get3A_395 = vector.shape_cast %get3A_394 : vector<16xi32> to vector<16xi32>
    %get3A_396 = arith.constant 305 : index
    %get3A_397 = tpu.vector_load %arg6[%get3A_396] {strides = array<i32>} : memref<344xi32, #tpu.memory_space<vmem>>, vector<16xi32>,
    %get3A_398 = vector.shape_cast %get3A_397 : vector<16xi32> to vector<16xi32>
    %gt3A_399 = arith.cmpi sgt, %get3A_398, %get3A_395 : vector<16xi32>
    %broadcast_in_dim3A_400 = arith.constant 1 : i32
    %broadcast_in_dim3A_401 = vector.broadcast %broadcast_in_dim3A_400 : i32 to vector<16xi32>
    %broadcast_in_dim3A_402 = arith.constant 0 : i32
    %broadcast_in_dim3A_403 = vector.broadcast %broadcast_in_dim3A_402 : i32 to vector<16xi32>
    %select_n3A_404 = arith.select %gt3A_399, %broadcast_in_dim3A_401, %broadcast_in_dim3A_403 : vector<16xi1>, vector<16xi32>
    %swap3A_405 = arith.constant 304 : index
    %swap3A_406 = tpu.vector_load %arg10[%swap3A_405] {strides = array<i32>} : memref<320xi32, #tpu.memory_space<vmem>>, vector<16xi32>,
    %swap3A_407 = vector.shape_cast %swap3A_406 : vector<16xi32> to vector<16xi32>
    %swap3A_408 = vector.shape_cast %select_n3A_404 : vector<16xi32> to vector<16xi32>
    tpu.vector_store %arg10[%swap3A_405], %swap3A_408 {strides = array<i32>} : memref<320xi32, #tpu.memory_space<vmem>>, vector<16xi32>,
    %while3A = arith.constant 0 : i32
    %while3A_409 = arith.constant 0 : i32
    %while3A_410 = arith.subi %select_n3A_89, %while3A : i32
    %while3A_411 = arith.addi %while3A, %while3A_410 : i32
    %while3A_412 = arith.constant 1 : i32
    %while3A_413 = arith.divsi %while3A_410, %while3A_412 : i32
    %while3A_414 = arith.muli %while3A_413, %while3A_412 : i32
    %while3A_415 = arith.addi %while3A, %while3A_414 : i32
    %while3A_416 = arith.constant 1 : i32
    %while3A_417:9 = scf.for %while3A_430 = %while3A to %while3A_415 step %while3A_416 iter_args(%while3A_431 = %while3A_409, %while3A_432 = %broadcast_in_dim3A_56, %while3A_433 = %broadcast_in_dim3A_56, %while3A_434 = %broadcast_in_dim3A_56, %while3A_435 = %broadcast_in_dim3A_56, %while3A_436 = %broadcast_in_dim3A_56, %while3A_437 = %broadcast_in_dim3A_56, %while3A_438 = %broadcast_in_dim3A_56, %while3A_439 = %broadcast_in_dim3A_56) -> (i32, vector<16xf32>, vector<16xf32>, vector<16xf32>, vector<16xf32>, vector<16xf32>, vector<16xf32>, vector<16xf32>, vector<16xf32>)  : i32 {
      %mul3A_440 = arith.constant 2 : i32
      %mul3A_441 = arith.muli %while3A_430, %mul3A_440 : i32
      %add3A_442 = arith.constant 0 : i32
      %add3A_443 = arith.addi %mul3A_441, %add3A_442 : i32
      %lt3A = arith.cmpi slt, %add3A_443, %select_n3A_55 : i32
      %convert_element_type3A_444 = arith.extui %lt3A : i1 to i32
      %cond3A_445 = arith.constant 0 : i32
      %cond3A_446 = arith.cmpi ne, %convert_element_type3A_444, %cond3A_445 : i32
      scf.if %cond3A_446 {
        %dma_wait3A = arith.constant 0 : i32
        %dma_wait3A_532 = tpu.memref_slice %arg2[%dma_wait3A] : memref<40960000xf32, #tpu.memory_space<hbm>> -> memref<32768xf32, #tpu.memory_space<hbm>>
        %dma_wait3A_533 = arith.constant 0 : i32
        %dma_wait3A_534 = tpu.memref_slice %arg2[%dma_wait3A_533] : memref<40960000xf32, #tpu.memory_space<hbm>> -> memref<32768xf32, #tpu.memory_space<hbm>>
        tpu.wait_dma2 semaphore(%arg11 : memref<!tpu.dma_semaphore, #tpu.memory_space<semaphore_mem>>) src(%dma_wait3A_534 : memref<32768xf32, #tpu.memory_space<hbm>>) dst(%arg7 : memref<32768xf32, #tpu.memory_space<vmem>>)
      } else {
      }
      %mul3A_447 = arith.constant 256 : i32
      %mul3A_448 = arith.muli %add3A_443, %mul3A_447 : i32
      %add3A_449 = arith.addi %mul3A_28, %mul3A_448 : i32
      %max3A = arith.maxsi %add3A_449, %squeeze3A : i32
      %add3A_450 = arith.constant 256 : i32
      %add3A_451 = arith.addi %add3A_449, %add3A_450 : i32
      %min3A_452 = arith.minsi %add3A_451, %squeeze3A_10 : i32
      %min3A_453 = arith.constant 319744 : i32
      %min3A_454 = arith.minsi %add3A_449, %min3A_453 : i32
      %scan3A = arith.constant 0 : i32
      %scan3A_455 = arith.constant 320 : i32
      %scan3A_456 = arith.constant 0 : i32
      %scan3A_457 = arith.constant 9 : i32
      %scan3A_458 = arith.addi %scan3A_456, %scan3A_457 : i32
      %scan3A_459 = arith.constant 1 : i32
      %scan3A_460:2 = scf.for %scan3A_532 = %scan3A_456 to %scan3A_458 step %scan3A_459 iter_args(%scan3A_533 = %scan3A, %scan3A_534 = %scan3A_455) -> (i32, i32)  : i32 {
        %add3A_535 = arith.addi %scan3A_533, %scan3A_534 : i32
        %jit3A_536 = arith.constant 2 : i32
        %div3A_537 = arith.divsi %add3A_535, %jit3A_536 : i32
        %sign3A_538 = arith.constant 0 : i32
        %sign3A_539 = arith.cmpi sgt, %add3A_535, %sign3A_538 : i32
        %sign3A_540 = arith.extui %sign3A_539 : i1 to i32
        %sign3A_541 = arith.constant 0 : i32
        %sign3A_542 = arith.cmpi slt, %add3A_535, %sign3A_541 : i32
        %sign3A_543 = arith.extui %sign3A_542 : i1 to i32
        %sign3A_544 = arith.subi %sign3A_540, %sign3A_543 : i32
        %sign3A_545 = arith.constant 0 : i32
        %sign3A_546 = arith.cmpi sgt, %jit3A_536, %sign3A_545 : i32
        %sign3A_547 = arith.extui %sign3A_546 : i1 to i32
        %sign3A_548 = arith.constant 0 : i32
        %sign3A_549 = arith.cmpi slt, %jit3A_536, %sign3A_548 : i32
        %sign3A_550 = arith.extui %sign3A_549 : i1 to i32
        %sign3A_551 = arith.subi %sign3A_547, %sign3A_550 : i32
        %ne3A_552 = arith.cmpi ne, %sign3A_544, %sign3A_551 : i32
        %rem3A_553 = arith.remsi %add3A_535, %jit3A_536 : i32
        %ne3A_554 = arith.constant 0 : i32
        %ne3A_555 = arith.cmpi ne, %rem3A_553, %ne3A_554 : i32
        %and3A_556 = arith.andi %ne3A_552, %ne3A_555 : i1
        %sub3A_557 = arith.constant 1 : i32
        %sub3A_558 = arith.subi %div3A_537, %sub3A_557 : i32
        %select_n3A_559 = arith.select %and3A_556, %sub3A_558, %div3A_537 : i32
        %lt3A_560 = arith.cmpi slt, %scan3A_533, %scan3A_534 : i32
        %add3A_561 = arith.constant 1 : i32
        %add3A_562 = arith.addi %select_n3A_559, %add3A_561 : i32
        %get3A_563 = arith.index_cast %add3A_562 : i32 to index
        %get3A_564 = tpu.vector_load %arg6[%get3A_563] {strides = array<i32>} : memref<344xi32, #tpu.memory_space<vmem>>, vector<16xi32>,
        %get3A_565 = vector.shape_cast %get3A_564 : vector<16xi32> to vector<16xi32>
        %slice3A_566 = vector.extract_strided_slice %get3A_565 {offsets = [0], sizes = [1], strides = [1]} : vector<16xi32> to vector<1xi32>
        %squeeze3A_567 = vector.extract %slice3A_566[0] : i32 from vector<1xi32>
        %le3A = arith.cmpi sle, %squeeze3A_567, %min3A_452 : i32
        %and3A_568 = arith.andi %lt3A_560, %le3A : i1
        %add3A_569 = arith.constant 1 : i32
        %add3A_570 = arith.addi %select_n3A_559, %add3A_569 : i32
        %select_n3A_571 = arith.select %and3A_568, %add3A_570, %scan3A_533 : i32
        %not3A = arith.constant true
        %not3A_572 = arith.xori %and3A_568, %not3A : i1
        %and3A_573 = arith.andi %lt3A_560, %not3A_572 : i1
        %select_n3A_574 = arith.select %and3A_573, %select_n3A_559, %scan3A_534 : i32
        scf.yield %select_n3A_571, %select_n3A_574 : i32, i32
      }
      %scan3A_461 = arith.constant 9 : i32
      %while3A_462 = arith.subi %scan3A_460#0, %while3A_431 : i32
      %while3A_463 = arith.addi %while3A_431, %while3A_462 : i32
      %while3A_464 = arith.constant 1 : i32
      %while3A_465 = arith.divsi %while3A_462, %while3A_464 : i32
      %while3A_466 = arith.muli %while3A_465, %while3A_464 : i32
      %while3A_467 = arith.addi %while3A_431, %while3A_466 : i32
      %while3A_468 = arith.constant 1 : i32
      %while3A_469:9 = scf.for %while3A_532 = %while3A_431 to %while3A_467 step %while3A_468 iter_args(%while3A_533 = %max3A, %while3A_534 = %while3A_432, %while3A_535 = %while3A_433, %while3A_536 = %while3A_434, %while3A_537 = %while3A_435, %while3A_538 = %while3A_436, %while3A_539 = %while3A_437, %while3A_540 = %while3A_438, %while3A_541 = %while3A_439) -> (i32, vector<16xf32>, vector<16xf32>, vector<16xf32>, vector<16xf32>, vector<16xf32>, vector<16xf32>, vector<16xf32>, vector<16xf32>)  : i32 {
        %add3A_542 = arith.constant 1 : i32
        %add3A_543 = arith.addi %while3A_532, %add3A_542 : i32
        %get3A_544 = arith.index_cast %add3A_543 : i32 to index
        %get3A_545 = tpu.vector_load %arg6[%get3A_544] {strides = array<i32>} : memref<344xi32, #tpu.memory_space<vmem>>, vector<16xi32>,
        %get3A_546 = vector.shape_cast %get3A_545 : vector<16xi32> to vector<16xi32>
        %slice3A_547 = vector.extract_strided_slice %get3A_546 {offsets = [0], sizes = [1], strides = [1]} : vector<16xi32> to vector<1xi32>
        %squeeze3A_548 = vector.extract %slice3A_547[0] : i32 from vector<1xi32>
        %sub3A_549 = arith.subi %while3A_533, %min3A_454 : i32
        %mul3A_550 = arith.constant 128 : i32
        %mul3A_551 = arith.muli %sub3A_549, %mul3A_550 : i32
        %sub3A_552 = arith.subi %squeeze3A_548, %min3A_454 : i32
        %mul3A_553 = arith.constant 128 : i32
        %mul3A_554 = arith.muli %sub3A_552, %mul3A_553 : i32
        %parallel_loop3A_555 = arith.constant 128 : i32
        %parallel_loop3A_556:8 = scf.for %parallel_loop3A_627 = %mul3A_551 to %mul3A_554 step %parallel_loop3A_555 iter_args(%parallel_loop3A_628 = %while3A_534, %parallel_loop3A_629 = %while3A_535, %parallel_loop3A_630 = %while3A_536, %parallel_loop3A_631 = %while3A_537, %parallel_loop3A_632 = %while3A_538, %parallel_loop3A_633 = %while3A_539, %parallel_loop3A_634 = %while3A_540, %parallel_loop3A_635 = %while3A_541) -> (vector<16xf32>, vector<16xf32>, vector<16xf32>, vector<16xf32>, vector<16xf32>, vector<16xf32>, vector<16xf32>, vector<16xf32>)  : i32 {
          %parallel_loop3A_636 = arith.constant 0 : i32
          %parallel_loop3A_637 = arith.addi %parallel_loop3A_627, %parallel_loop3A_636 : i32
          %parallel_loop3A_638 = arith.index_cast %parallel_loop3A_637 : i32 to index
          %parallel_loop3A_639 = tpu.vector_load %arg7[%parallel_loop3A_638] {strides = array<i32>} : memref<32768xf32, #tpu.memory_space<vmem>>, vector<16xf32>,
          %parallel_loop3A_640 = vector.shape_cast %parallel_loop3A_639 : vector<16xf32> to vector<16xf32>
          %parallel_loop3A_641 = arith.maximumf %parallel_loop3A_628, %parallel_loop3A_640 : vector<16xf32>
          %parallel_loop3A_642 = arith.constant 16 : i32
          %parallel_loop3A_643 = arith.addi %parallel_loop3A_627, %parallel_loop3A_642 : i32
          %parallel_loop3A_644 = arith.index_cast %parallel_loop3A_643 : i32 to index
          %parallel_loop3A_645 = tpu.vector_load %arg7[%parallel_loop3A_644] {strides = array<i32>} : memref<32768xf32, #tpu.memory_space<vmem>>, vector<16xf32>,
          %parallel_loop3A_646 = vector.shape_cast %parallel_loop3A_645 : vector<16xf32> to vector<16xf32>
          %parallel_loop3A_647 = arith.maximumf %parallel_loop3A_629, %parallel_loop3A_646 : vector<16xf32>
          %parallel_loop3A_648 = arith.constant 32 : i32
          %parallel_loop3A_649 = arith.addi %parallel_loop3A_627, %parallel_loop3A_648 : i32
          %parallel_loop3A_650 = arith.index_cast %parallel_loop3A_649 : i32 to index
          %parallel_loop3A_651 = tpu.vector_load %arg7[%parallel_loop3A_650] {strides = array<i32>} : memref<32768xf32, #tpu.memory_space<vmem>>, vector<16xf32>,
          %parallel_loop3A_652 = vector.shape_cast %parallel_loop3A_651 : vector<16xf32> to vector<16xf32>
          %parallel_loop3A_653 = arith.maximumf %parallel_loop3A_630, %parallel_loop3A_652 : vector<16xf32>
          %parallel_loop3A_654 = arith.constant 48 : i32
          %parallel_loop3A_655 = arith.addi %parallel_loop3A_627, %parallel_loop3A_654 : i32
          %parallel_loop3A_656 = arith.index_cast %parallel_loop3A_655 : i32 to index
          %parallel_loop3A_657 = tpu.vector_load %arg7[%parallel_loop3A_656] {strides = array<i32>} : memref<32768xf32, #tpu.memory_space<vmem>>, vector<16xf32>,
          %parallel_loop3A_658 = vector.shape_cast %parallel_loop3A_657 : vector<16xf32> to vector<16xf32>
          %parallel_loop3A_659 = arith.maximumf %parallel_loop3A_631, %parallel_loop3A_658 : vector<16xf32>
          %parallel_loop3A_660 = arith.constant 64 : i32
          %parallel_loop3A_661 = arith.addi %parallel_loop3A_627, %parallel_loop3A_660 : i32
          %parallel_loop3A_662 = arith.index_cast %parallel_loop3A_661 : i32 to index
          %parallel_loop3A_663 = tpu.vector_load %arg7[%parallel_loop3A_662] {strides = array<i32>} : memref<32768xf32, #tpu.memory_space<vmem>>, vector<16xf32>,
          %parallel_loop3A_664 = vector.shape_cast %parallel_loop3A_663 : vector<16xf32> to vector<16xf32>
          %parallel_loop3A_665 = arith.maximumf %parallel_loop3A_632, %parallel_loop3A_664 : vector<16xf32>
          %parallel_loop3A_666 = arith.constant 80 : i32
          %parallel_loop3A_667 = arith.addi %parallel_loop3A_627, %parallel_loop3A_666 : i32
          %parallel_loop3A_668 = arith.index_cast %parallel_loop3A_667 : i32 to index
          %parallel_loop3A_669 = tpu.vector_load %arg7[%parallel_loop3A_668] {strides = array<i32>} : memref<32768xf32, #tpu.memory_space<vmem>>, vector<16xf32>,
          %parallel_loop3A_670 = vector.shape_cast %parallel_loop3A_669 : vector<16xf32> to vector<16xf32>
          %parallel_loop3A_671 = arith.maximumf %parallel_loop3A_633, %parallel_loop3A_670 : vector<16xf32>
          %parallel_loop3A_672 = arith.constant 96 : i32
          %parallel_loop3A_673 = arith.addi %parallel_loop3A_627, %parallel_loop3A_672 : i32
          %parallel_loop3A_674 = arith.index_cast %parallel_loop3A_673 : i32 to index
          %parallel_loop3A_675 = tpu.vector_load %arg7[%parallel_loop3A_674] {strides = array<i32>} : memref<32768xf32, #tpu.memory_space<vmem>>, vector<16xf32>,
          %parallel_loop3A_676 = vector.shape_cast %parallel_loop3A_675 : vector<16xf32> to vector<16xf32>
          %parallel_loop3A_677 = arith.maximumf %parallel_loop3A_634, %parallel_loop3A_676 : vector<16xf32>
          %parallel_loop3A_678 = arith.constant 112 : i32
          %parallel_loop3A_679 = arith.addi %parallel_loop3A_627, %parallel_loop3A_678 : i32
          %parallel_loop3A_680 = arith.index_cast %parallel_loop3A_679 : i32 to index
          %parallel_loop3A_681 = tpu.vector_load %arg7[%parallel_loop3A_680] {strides = array<i32>} : memref<32768xf32, #tpu.memory_space<vmem>>, vector<16xf32>,
          %parallel_loop3A_682 = vector.shape_cast %parallel_loop3A_681 : vector<16xf32> to vector<16xf32>
          %parallel_loop3A_683 = arith.maximumf %parallel_loop3A_635, %parallel_loop3A_682 : vector<16xf32>
          scf.yield %parallel_loop3A_641, %parallel_loop3A_647, %parallel_loop3A_653, %parallel_loop3A_659, %parallel_loop3A_665, %parallel_loop3A_671, %parallel_loop3A_677, %parallel_loop3A_683 : vector<16xf32>, vector<16xf32>, vector<16xf32>, vector<16xf32>, vector<16xf32>, vector<16xf32>, vector<16xf32>, vector<16xf32>
        } {sc.loop_unroll_factor = 8 : i64, sc.parallel_access}
        %get3A_557 = arith.index_cast %while3A_532 : i32 to index
        %get3A_558 = tpu.vector_load %arg6[%get3A_557] {strides = array<i32>} : memref<344xi32, #tpu.memory_space<vmem>>, vector<16xi32>,
        %get3A_559 = vector.shape_cast %get3A_558 : vector<16xi32> to vector<16xi32>
        %slice3A_560 = vector.extract_strided_slice %get3A_559 {offsets = [0], sizes = [1], strides = [1]} : vector<16xi32> to vector<1xi32>
        %squeeze3A_561 = vector.extract %slice3A_560[0] : i32 from vector<1xi32>
        %lt3A_562 = arith.cmpi slt, %squeeze3A_561, %squeeze3A_548 : i32
        %broadcast_in_dim3A_563 = arith.constant 0.000000e+00 : f32
        %broadcast_in_dim3A_564 = vector.broadcast %broadcast_in_dim3A_563 : f32 to vector<16xf32>
        %select_n3A_565 = arith.select %lt3A_562, %parallel_loop3A_556#0, %broadcast_in_dim3A_564 : vector<16xf32>
        %swap3A_566 = arith.index_cast %while3A_532 : i32 to index
        %swap3A_567 = arith.constant 0 : index
        %swap3A_568 = tpu.vector_load %arg9[%swap3A_566, %swap3A_567] {strides = array<i32>} : memref<320x128xf32, #tpu.memory_space<vmem>>, vector<1x16xf32>,
        %swap3A_569 = vector.shape_cast %swap3A_568 : vector<1x16xf32> to vector<16xf32>
        %swap3A_570 = vector.shape_cast %select_n3A_565 : vector<16xf32> to vector<1x16xf32>
        tpu.vector_store %arg9[%swap3A_566, %swap3A_567], %swap3A_570 {strides = array<i32>} : memref<320x128xf32, #tpu.memory_space<vmem>>, vector<1x16xf32>,
        %broadcast_in_dim3A_571 = arith.constant 0.000000e+00 : f32
        %broadcast_in_dim3A_572 = vector.broadcast %broadcast_in_dim3A_571 : f32 to vector<16xf32>
        %select_n3A_573 = arith.select %lt3A_562, %parallel_loop3A_556#1, %broadcast_in_dim3A_572 : vector<16xf32>
        %swap3A_574 = arith.index_cast %while3A_532 : i32 to index
        %swap3A_575 = arith.constant 16 : index
        %swap3A_576 = tpu.vector_load %arg9[%swap3A_574, %swap3A_575] {strides = array<i32>} : memref<320x128xf32, #tpu.memory_space<vmem>>, vector<1x16xf32>,
        %swap3A_577 = vector.shape_cast %swap3A_576 : vector<1x16xf32> to vector<16xf32>
        %swap3A_578 = vector.shape_cast %select_n3A_573 : vector<16xf32> to vector<1x16xf32>
        tpu.vector_store %arg9[%swap3A_574, %swap3A_575], %swap3A_578 {strides = array<i32>} : memref<320x128xf32, #tpu.memory_space<vmem>>, vector<1x16xf32>,
        %broadcast_in_dim3A_579 = arith.constant 0.000000e+00 : f32
        %broadcast_in_dim3A_580 = vector.broadcast %broadcast_in_dim3A_579 : f32 to vector<16xf32>
        %select_n3A_581 = arith.select %lt3A_562, %parallel_loop3A_556#2, %broadcast_in_dim3A_580 : vector<16xf32>
        %swap3A_582 = arith.index_cast %while3A_532 : i32 to index
        %swap3A_583 = arith.constant 32 : index
        %swap3A_584 = tpu.vector_load %arg9[%swap3A_582, %swap3A_583] {strides = array<i32>} : memref<320x128xf32, #tpu.memory_space<vmem>>, vector<1x16xf32>,
        %swap3A_585 = vector.shape_cast %swap3A_584 : vector<1x16xf32> to vector<16xf32>
        %swap3A_586 = vector.shape_cast %select_n3A_581 : vector<16xf32> to vector<1x16xf32>
        tpu.vector_store %arg9[%swap3A_582, %swap3A_583], %swap3A_586 {strides = array<i32>} : memref<320x128xf32, #tpu.memory_space<vmem>>, vector<1x16xf32>,
        %broadcast_in_dim3A_587 = arith.constant 0.000000e+00 : f32
        %broadcast_in_dim3A_588 = vector.broadcast %broadcast_in_dim3A_587 : f32 to vector<16xf32>
        %select_n3A_589 = arith.select %lt3A_562, %parallel_loop3A_556#3, %broadcast_in_dim3A_588 : vector<16xf32>
        %swap3A_590 = arith.index_cast %while3A_532 : i32 to index
        %swap3A_591 = arith.constant 48 : index
        %swap3A_592 = tpu.vector_load %arg9[%swap3A_590, %swap3A_591] {strides = array<i32>} : memref<320x128xf32, #tpu.memory_space<vmem>>, vector<1x16xf32>,
        %swap3A_593 = vector.shape_cast %swap3A_592 : vector<1x16xf32> to vector<16xf32>
        %swap3A_594 = vector.shape_cast %select_n3A_589 : vector<16xf32> to vector<1x16xf32>
        tpu.vector_store %arg9[%swap3A_590, %swap3A_591], %swap3A_594 {strides = array<i32>} : memref<320x128xf32, #tpu.memory_space<vmem>>, vector<1x16xf32>,
        %broadcast_in_dim3A_595 = arith.constant 0.000000e+00 : f32
        %broadcast_in_dim3A_596 = vector.broadcast %broadcast_in_dim3A_595 : f32 to vector<16xf32>
        %select_n3A_597 = arith.select %lt3A_562, %parallel_loop3A_556#4, %broadcast_in_dim3A_596 : vector<16xf32>
        %swap3A_598 = arith.index_cast %while3A_532 : i32 to index
        %swap3A_599 = arith.constant 64 : index
        %swap3A_600 = tpu.vector_load %arg9[%swap3A_598, %swap3A_599] {strides = array<i32>} : memref<320x128xf32, #tpu.memory_space<vmem>>, vector<1x16xf32>,
        %swap3A_601 = vector.shape_cast %swap3A_600 : vector<1x16xf32> to vector<16xf32>
        %swap3A_602 = vector.shape_cast %select_n3A_597 : vector<16xf32> to vector<1x16xf32>
        tpu.vector_store %arg9[%swap3A_598, %swap3A_599], %swap3A_602 {strides = array<i32>} : memref<320x128xf32, #tpu.memory_space<vmem>>, vector<1x16xf32>,
        %broadcast_in_dim3A_603 = arith.constant 0.000000e+00 : f32
        %broadcast_in_dim3A_604 = vector.broadcast %broadcast_in_dim3A_603 : f32 to vector<16xf32>
        %select_n3A_605 = arith.select %lt3A_562, %parallel_loop3A_556#5, %broadcast_in_dim3A_604 : vector<16xf32>
        %swap3A_606 = arith.index_cast %while3A_532 : i32 to index
        %swap3A_607 = arith.constant 80 : index
        %swap3A_608 = tpu.vector_load %arg9[%swap3A_606, %swap3A_607] {strides = array<i32>} : memref<320x128xf32, #tpu.memory_space<vmem>>, vector<1x16xf32>,
        %swap3A_609 = vector.shape_cast %swap3A_608 : vector<1x16xf32> to vector<16xf32>
        %swap3A_610 = vector.shape_cast %select_n3A_605 : vector<16xf32> to vector<1x16xf32>
        tpu.vector_store %arg9[%swap3A_606, %swap3A_607], %swap3A_610 {strides = array<i32>} : memref<320x128xf32, #tpu.memory_space<vmem>>, vector<1x16xf32>,
        %broadcast_in_dim3A_611 = arith.constant 0.000000e+00 : f32
        %broadcast_in_dim3A_612 = vector.broadcast %broadcast_in_dim3A_611 : f32 to vector<16xf32>
        %select_n3A_613 = arith.select %lt3A_562, %parallel_loop3A_556#6, %broadcast_in_dim3A_612 : vector<16xf32>
        %swap3A_614 = arith.index_cast %while3A_532 : i32 to index
        %swap3A_615 = arith.constant 96 : index
        %swap3A_616 = tpu.vector_load %arg9[%swap3A_614, %swap3A_615] {strides = array<i32>} : memref<320x128xf32, #tpu.memory_space<vmem>>, vector<1x16xf32>,
        %swap3A_617 = vector.shape_cast %swap3A_616 : vector<1x16xf32> to vector<16xf32>
        %swap3A_618 = vector.shape_cast %select_n3A_613 : vector<16xf32> to vector<1x16xf32>
        tpu.vector_store %arg9[%swap3A_614, %swap3A_615], %swap3A_618 {strides = array<i32>} : memref<320x128xf32, #tpu.memory_space<vmem>>, vector<1x16xf32>,
        %broadcast_in_dim3A_619 = arith.constant 0.000000e+00 : f32
        %broadcast_in_dim3A_620 = vector.broadcast %broadcast_in_dim3A_619 : f32 to vector<16xf32>
        %select_n3A_621 = arith.select %lt3A_562, %parallel_loop3A_556#7, %broadcast_in_dim3A_620 : vector<16xf32>
        %swap3A_622 = arith.index_cast %while3A_532 : i32 to index
        %swap3A_623 = arith.constant 112 : index
        %swap3A_624 = tpu.vector_load %arg9[%swap3A_622, %swap3A_623] {strides = array<i32>} : memref<320x128xf32, #tpu.memory_space<vmem>>, vector<1x16xf32>,
        %swap3A_625 = vector.shape_cast %swap3A_624 : vector<1x16xf32> to vector<16xf32>
        %swap3A_626 = vector.shape_cast %select_n3A_621 : vector<16xf32> to vector<1x16xf32>
        tpu.vector_store %arg9[%swap3A_622, %swap3A_623], %swap3A_626 {strides = array<i32>} : memref<320x128xf32, #tpu.memory_space<vmem>>, vector<1x16xf32>,
        scf.yield %squeeze3A_548, %broadcast_in_dim3A_56, %broadcast_in_dim3A_56, %broadcast_in_dim3A_56, %broadcast_in_dim3A_56, %broadcast_in_dim3A_56, %broadcast_in_dim3A_56, %broadcast_in_dim3A_56, %broadcast_in_dim3A_56 : i32, vector<16xf32>, vector<16xf32>, vector<16xf32>, vector<16xf32>, vector<16xf32>, vector<16xf32>, vector<16xf32>, vector<16xf32>
      }
      %while3A_470 = arith.constant 1 : i32
      %while3A_471:9 = scf.for %while3A_532 = %while3A_467 to %while3A_463 step %while3A_470 iter_args(%while3A_533 = %while3A_469#0, %while3A_534 = %while3A_469#1, %while3A_535 = %while3A_469#2, %while3A_536 = %while3A_469#3, %while3A_537 = %while3A_469#4, %while3A_538 = %while3A_469#5, %while3A_539 = %while3A_469#6, %while3A_540 = %while3A_469#7, %while3A_541 = %while3A_469#8) -> (i32, vector<16xf32>, vector<16xf32>, vector<16xf32>, vector<16xf32>, vector<16xf32>, vector<16xf32>, vector<16xf32>, vector<16xf32>)  : i32 {
        %add3A_542 = arith.constant 1 : i32
        %add3A_543 = arith.addi %while3A_532, %add3A_542 : i32
        %get3A_544 = arith.index_cast %add3A_543 : i32 to index
        %get3A_545 = tpu.vector_load %arg6[%get3A_544] {strides = array<i32>} : memref<344xi32, #tpu.memory_space<vmem>>, vector<16xi32>,
        %get3A_546 = vector.shape_cast %get3A_545 : vector<16xi32> to vector<16xi32>
        %slice3A_547 = vector.extract_strided_slice %get3A_546 {offsets = [0], sizes = [1], strides = [1]} : vector<16xi32> to vector<1xi32>
        %squeeze3A_548 = vector.extract %slice3A_547[0] : i32 from vector<1xi32>
        %sub3A_549 = arith.subi %while3A_533, %min3A_454 : i32
        %mul3A_550 = arith.constant 128 : i32
        %mul3A_551 = arith.muli %sub3A_549, %mul3A_550 : i32
        %sub3A_552 = arith.subi %squeeze3A_548, %min3A_454 : i32
        %mul3A_553 = arith.constant 128 : i32
        %mul3A_554 = arith.muli %sub3A_552, %mul3A_553 : i32
        %parallel_loop3A_555 = arith.constant 128 : i32
        %parallel_loop3A_556:8 = scf.for %parallel_loop3A_627 = %mul3A_551 to %mul3A_554 step %parallel_loop3A_555 iter_args(%parallel_loop3A_628 = %while3A_534, %parallel_loop3A_629 = %while3A_535, %parallel_loop3A_630 = %while3A_536, %parallel_loop3A_631 = %while3A_537, %parallel_loop3A_632 = %while3A_538, %parallel_loop3A_633 = %while3A_539, %parallel_loop3A_634 = %while3A_540, %parallel_loop3A_635 = %while3A_541) -> (vector<16xf32>, vector<16xf32>, vector<16xf32>, vector<16xf32>, vector<16xf32>, vector<16xf32>, vector<16xf32>, vector<16xf32>)  : i32 {
          %parallel_loop3A_636 = arith.constant 0 : i32
          %parallel_loop3A_637 = arith.addi %parallel_loop3A_627, %parallel_loop3A_636 : i32
          %parallel_loop3A_638 = arith.index_cast %parallel_loop3A_637 : i32 to index
          %parallel_loop3A_639 = tpu.vector_load %arg7[%parallel_loop3A_638] {strides = array<i32>} : memref<32768xf32, #tpu.memory_space<vmem>>, vector<16xf32>,
          %parallel_loop3A_640 = vector.shape_cast %parallel_loop3A_639 : vector<16xf32> to vector<16xf32>
          %parallel_loop3A_641 = arith.maximumf %parallel_loop3A_628, %parallel_loop3A_640 : vector<16xf32>
          %parallel_loop3A_642 = arith.constant 16 : i32
          %parallel_loop3A_643 = arith.addi %parallel_loop3A_627, %parallel_loop3A_642 : i32
          %parallel_loop3A_644 = arith.index_cast %parallel_loop3A_643 : i32 to index
          %parallel_loop3A_645 = tpu.vector_load %arg7[%parallel_loop3A_644] {strides = array<i32>} : memref<32768xf32, #tpu.memory_space<vmem>>, vector<16xf32>,
          %parallel_loop3A_646 = vector.shape_cast %parallel_loop3A_645 : vector<16xf32> to vector<16xf32>
          %parallel_loop3A_647 = arith.maximumf %parallel_loop3A_629, %parallel_loop3A_646 : vector<16xf32>
          %parallel_loop3A_648 = arith.constant 32 : i32
          %parallel_loop3A_649 = arith.addi %parallel_loop3A_627, %parallel_loop3A_648 : i32
          %parallel_loop3A_650 = arith.index_cast %parallel_loop3A_649 : i32 to index
          %parallel_loop3A_651 = tpu.vector_load %arg7[%parallel_loop3A_650] {strides = array<i32>} : memref<32768xf32, #tpu.memory_space<vmem>>, vector<16xf32>,
          %parallel_loop3A_652 = vector.shape_cast %parallel_loop3A_651 : vector<16xf32> to vector<16xf32>
          %parallel_loop3A_653 = arith.maximumf %parallel_loop3A_630, %parallel_loop3A_652 : vector<16xf32>
          %parallel_loop3A_654 = arith.constant 48 : i32
          %parallel_loop3A_655 = arith.addi %parallel_loop3A_627, %parallel_loop3A_654 : i32
          %parallel_loop3A_656 = arith.index_cast %parallel_loop3A_655 : i32 to index
          %parallel_loop3A_657 = tpu.vector_load %arg7[%parallel_loop3A_656] {strides = array<i32>} : memref<32768xf32, #tpu.memory_space<vmem>>, vector<16xf32>,
          %parallel_loop3A_658 = vector.shape_cast %parallel_loop3A_657 : vector<16xf32> to vector<16xf32>
          %parallel_loop3A_659 = arith.maximumf %parallel_loop3A_631, %parallel_loop3A_658 : vector<16xf32>
          %parallel_loop3A_660 = arith.constant 64 : i32
          %parallel_loop3A_661 = arith.addi %parallel_loop3A_627, %parallel_loop3A_660 : i32
          %parallel_loop3A_662 = arith.index_cast %parallel_loop3A_661 : i32 to index
          %parallel_loop3A_663 = tpu.vector_load %arg7[%parallel_loop3A_662] {strides = array<i32>} : memref<32768xf32, #tpu.memory_space<vmem>>, vector<16xf32>,
          %parallel_loop3A_664 = vector.shape_cast %parallel_loop3A_663 : vector<16xf32> to vector<16xf32>
          %parallel_loop3A_665 = arith.maximumf %parallel_loop3A_632, %parallel_loop3A_664 : vector<16xf32>
          %parallel_loop3A_666 = arith.constant 80 : i32
          %parallel_loop3A_667 = arith.addi %parallel_loop3A_627, %parallel_loop3A_666 : i32
          %parallel_loop3A_668 = arith.index_cast %parallel_loop3A_667 : i32 to index
          %parallel_loop3A_669 = tpu.vector_load %arg7[%parallel_loop3A_668] {strides = array<i32>} : memref<32768xf32, #tpu.memory_space<vmem>>, vector<16xf32>,
          %parallel_loop3A_670 = vector.shape_cast %parallel_loop3A_669 : vector<16xf32> to vector<16xf32>
          %parallel_loop3A_671 = arith.maximumf %parallel_loop3A_633, %parallel_loop3A_670 : vector<16xf32>
          %parallel_loop3A_672 = arith.constant 96 : i32
          %parallel_loop3A_673 = arith.addi %parallel_loop3A_627, %parallel_loop3A_672 : i32
          %parallel_loop3A_674 = arith.index_cast %parallel_loop3A_673 : i32 to index
          %parallel_loop3A_675 = tpu.vector_load %arg7[%parallel_loop3A_674] {strides = array<i32>} : memref<32768xf32, #tpu.memory_space<vmem>>, vector<16xf32>,
          %parallel_loop3A_676 = vector.shape_cast %parallel_loop3A_675 : vector<16xf32> to vector<16xf32>
          %parallel_loop3A_677 = arith.maximumf %parallel_loop3A_634, %parallel_loop3A_676 : vector<16xf32>
          %parallel_loop3A_678 = arith.constant 112 : i32
          %parallel_loop3A_679 = arith.addi %parallel_loop3A_627, %parallel_loop3A_678 : i32
          %parallel_loop3A_680 = arith.index_cast %parallel_loop3A_679 : i32 to index
          %parallel_loop3A_681 = tpu.vector_load %arg7[%parallel_loop3A_680] {strides = array<i32>} : memref<32768xf32, #tpu.memory_space<vmem>>, vector<16xf32>,
          %parallel_loop3A_682 = vector.shape_cast %parallel_loop3A_681 : vector<16xf32> to vector<16xf32>
          %parallel_loop3A_683 = arith.maximumf %parallel_loop3A_635, %parallel_loop3A_682 : vector<16xf32>
          scf.yield %parallel_loop3A_641, %parallel_loop3A_647, %parallel_loop3A_653, %parallel_loop3A_659, %parallel_loop3A_665, %parallel_loop3A_671, %parallel_loop3A_677, %parallel_loop3A_683 : vector<16xf32>, vector<16xf32>, vector<16xf32>, vector<16xf32>, vector<16xf32>, vector<16xf32>, vector<16xf32>, vector<16xf32>
        } {sc.loop_unroll_factor = 8 : i64, sc.parallel_access}
        %get3A_557 = arith.index_cast %while3A_532 : i32 to index
        %get3A_558 = tpu.vector_load %arg6[%get3A_557] {strides = array<i32>} : memref<344xi32, #tpu.memory_space<vmem>>, vector<16xi32>,
        %get3A_559 = vector.shape_cast %get3A_558 : vector<16xi32> to vector<16xi32>
        %slice3A_560 = vector.extract_strided_slice %get3A_559 {offsets = [0], sizes = [1], strides = [1]} : vector<16xi32> to vector<1xi32>
        %squeeze3A_561 = vector.extract %slice3A_560[0] : i32 from vector<1xi32>
        %lt3A_562 = arith.cmpi slt, %squeeze3A_561, %squeeze3A_548 : i32
        %broadcast_in_dim3A_563 = arith.constant 0.000000e+00 : f32
        %broadcast_in_dim3A_564 = vector.broadcast %broadcast_in_dim3A_563 : f32 to vector<16xf32>
        %select_n3A_565 = arith.select %lt3A_562, %parallel_loop3A_556#0, %broadcast_in_dim3A_564 : vector<16xf32>
        %swap3A_566 = arith.index_cast %while3A_532 : i32 to index
        %swap3A_567 = arith.constant 0 : index
        %swap3A_568 = tpu.vector_load %arg9[%swap3A_566, %swap3A_567] {strides = array<i32>} : memref<320x128xf32, #tpu.memory_space<vmem>>, vector<1x16xf32>,
        %swap3A_569 = vector.shape_cast %swap3A_568 : vector<1x16xf32> to vector<16xf32>
        %swap3A_570 = vector.shape_cast %select_n3A_565 : vector<16xf32> to vector<1x16xf32>
        tpu.vector_store %arg9[%swap3A_566, %swap3A_567], %swap3A_570 {strides = array<i32>} : memref<320x128xf32, #tpu.memory_space<vmem>>, vector<1x16xf32>,
        %broadcast_in_dim3A_571 = arith.constant 0.000000e+00 : f32
        %broadcast_in_dim3A_572 = vector.broadcast %broadcast_in_dim3A_571 : f32 to vector<16xf32>
        %select_n3A_573 = arith.select %lt3A_562, %parallel_loop3A_556#1, %broadcast_in_dim3A_572 : vector<16xf32>
        %swap3A_574 = arith.index_cast %while3A_532 : i32 to index
        %swap3A_575 = arith.constant 16 : index
        %swap3A_576 = tpu.vector_load %arg9[%swap3A_574, %swap3A_575] {strides = array<i32>} : memref<320x128xf32, #tpu.memory_space<vmem>>, vector<1x16xf32>,
        %swap3A_577 = vector.shape_cast %swap3A_576 : vector<1x16xf32> to vector<16xf32>
        %swap3A_578 = vector.shape_cast %select_n3A_573 : vector<16xf32> to vector<1x16xf32>
        tpu.vector_store %arg9[%swap3A_574, %swap3A_575], %swap3A_578 {strides = array<i32>} : memref<320x128xf32, #tpu.memory_space<vmem>>, vector<1x16xf32>,
        %broadcast_in_dim3A_579 = arith.constant 0.000000e+00 : f32
        %broadcast_in_dim3A_580 = vector.broadcast %broadcast_in_dim3A_579 : f32 to vector<16xf32>
        %select_n3A_581 = arith.select %lt3A_562, %parallel_loop3A_556#2, %broadcast_in_dim3A_580 : vector<16xf32>
        %swap3A_582 = arith.index_cast %while3A_532 : i32 to index
        %swap3A_583 = arith.constant 32 : index
        %swap3A_584 = tpu.vector_load %arg9[%swap3A_582, %swap3A_583] {strides = array<i32>} : memref<320x128xf32, #tpu.memory_space<vmem>>, vector<1x16xf32>,
        %swap3A_585 = vector.shape_cast %swap3A_584 : vector<1x16xf32> to vector<16xf32>
        %swap3A_586 = vector.shape_cast %select_n3A_581 : vector<16xf32> to vector<1x16xf32>
        tpu.vector_store %arg9[%swap3A_582, %swap3A_583], %swap3A_586 {strides = array<i32>} : memref<320x128xf32, #tpu.memory_space<vmem>>, vector<1x16xf32>,
        %broadcast_in_dim3A_587 = arith.constant 0.000000e+00 : f32
        %broadcast_in_dim3A_588 = vector.broadcast %broadcast_in_dim3A_587 : f32 to vector<16xf32>
        %select_n3A_589 = arith.select %lt3A_562, %parallel_loop3A_556#3, %broadcast_in_dim3A_588 : vector<16xf32>
        %swap3A_590 = arith.index_cast %while3A_532 : i32 to index
        %swap3A_591 = arith.constant 48 : index
        %swap3A_592 = tpu.vector_load %arg9[%swap3A_590, %swap3A_591] {strides = array<i32>} : memref<320x128xf32, #tpu.memory_space<vmem>>, vector<1x16xf32>,
        %swap3A_593 = vector.shape_cast %swap3A_592 : vector<1x16xf32> to vector<16xf32>
        %swap3A_594 = vector.shape_cast %select_n3A_589 : vector<16xf32> to vector<1x16xf32>
        tpu.vector_store %arg9[%swap3A_590, %swap3A_591], %swap3A_594 {strides = array<i32>} : memref<320x128xf32, #tpu.memory_space<vmem>>, vector<1x16xf32>,
        %broadcast_in_dim3A_595 = arith.constant 0.000000e+00 : f32
        %broadcast_in_dim3A_596 = vector.broadcast %broadcast_in_dim3A_595 : f32 to vector<16xf32>
        %select_n3A_597 = arith.select %lt3A_562, %parallel_loop3A_556#4, %broadcast_in_dim3A_596 : vector<16xf32>
        %swap3A_598 = arith.index_cast %while3A_532 : i32 to index
        %swap3A_599 = arith.constant 64 : index
        %swap3A_600 = tpu.vector_load %arg9[%swap3A_598, %swap3A_599] {strides = array<i32>} : memref<320x128xf32, #tpu.memory_space<vmem>>, vector<1x16xf32>,
        %swap3A_601 = vector.shape_cast %swap3A_600 : vector<1x16xf32> to vector<16xf32>
        %swap3A_602 = vector.shape_cast %select_n3A_597 : vector<16xf32> to vector<1x16xf32>
        tpu.vector_store %arg9[%swap3A_598, %swap3A_599], %swap3A_602 {strides = array<i32>} : memref<320x128xf32, #tpu.memory_space<vmem>>, vector<1x16xf32>,
        %broadcast_in_dim3A_603 = arith.constant 0.000000e+00 : f32
        %broadcast_in_dim3A_604 = vector.broadcast %broadcast_in_dim3A_603 : f32 to vector<16xf32>
        %select_n3A_605 = arith.select %lt3A_562, %parallel_loop3A_556#5, %broadcast_in_dim3A_604 : vector<16xf32>
        %swap3A_606 = arith.index_cast %while3A_532 : i32 to index
        %swap3A_607 = arith.constant 80 : index
        %swap3A_608 = tpu.vector_load %arg9[%swap3A_606, %swap3A_607] {strides = array<i32>} : memref<320x128xf32, #tpu.memory_space<vmem>>, vector<1x16xf32>,
        %swap3A_609 = vector.shape_cast %swap3A_608 : vector<1x16xf32> to vector<16xf32>
        %swap3A_610 = vector.shape_cast %select_n3A_605 : vector<16xf32> to vector<1x16xf32>
        tpu.vector_store %arg9[%swap3A_606, %swap3A_607], %swap3A_610 {strides = array<i32>} : memref<320x128xf32, #tpu.memory_space<vmem>>, vector<1x16xf32>,
        %broadcast_in_dim3A_611 = arith.constant 0.000000e+00 : f32
        %broadcast_in_dim3A_612 = vector.broadcast %broadcast_in_dim3A_611 : f32 to vector<16xf32>
        %select_n3A_613 = arith.select %lt3A_562, %parallel_loop3A_556#6, %broadcast_in_dim3A_612 : vector<16xf32>
        %swap3A_614 = arith.index_cast %while3A_532 : i32 to index
        %swap3A_615 = arith.constant 96 : index
        %swap3A_616 = tpu.vector_load %arg9[%swap3A_614, %swap3A_615] {strides = array<i32>} : memref<320x128xf32, #tpu.memory_space<vmem>>, vector<1x16xf32>,
        %swap3A_617 = vector.shape_cast %swap3A_616 : vector<1x16xf32> to vector<16xf32>
        %swap3A_618 = vector.shape_cast %select_n3A_613 : vector<16xf32> to vector<1x16xf32>
        tpu.vector_store %arg9[%swap3A_614, %swap3A_615], %swap3A_618 {strides = array<i32>} : memref<320x128xf32, #tpu.memory_space<vmem>>, vector<1x16xf32>,
        %broadcast_in_dim3A_619 = arith.constant 0.000000e+00 : f32
        %broadcast_in_dim3A_620 = vector.broadcast %broadcast_in_dim3A_619 : f32 to vector<16xf32>
        %select_n3A_621 = arith.select %lt3A_562, %parallel_loop3A_556#7, %broadcast_in_dim3A_620 : vector<16xf32>
        %swap3A_622 = arith.index_cast %while3A_532 : i32 to index
        %swap3A_623 = arith.constant 112 : index
        %swap3A_624 = tpu.vector_load %arg9[%swap3A_622, %swap3A_623] {strides = array<i32>} : memref<320x128xf32, #tpu.memory_space<vmem>>, vector<1x16xf32>,
        %swap3A_625 = vector.shape_cast %swap3A_624 : vector<1x16xf32> to vector<16xf32>
        %swap3A_626 = vector.shape_cast %select_n3A_621 : vector<16xf32> to vector<1x16xf32>
        tpu.vector_store %arg9[%swap3A_622, %swap3A_623], %swap3A_626 {strides = array<i32>} : memref<320x128xf32, #tpu.memory_space<vmem>>, vector<1x16xf32>,
        scf.yield %squeeze3A_548, %broadcast_in_dim3A_56, %broadcast_in_dim3A_56, %broadcast_in_dim3A_56, %broadcast_in_dim3A_56, %broadcast_in_dim3A_56, %broadcast_in_dim3A_56, %broadcast_in_dim3A_56, %broadcast_in_dim3A_56 : i32, vector<16xf32>, vector<16xf32>, vector<16xf32>, vector<16xf32>, vector<16xf32>, vector<16xf32>, vector<16xf32>, vector<16xf32>
      }
      %sub3A_472 = arith.subi %while3A_471#0, %min3A_454 : i32
      %mul3A_473 = arith.constant 128 : i32
      %mul3A_474 = arith.muli %sub3A_472, %mul3A_473 : i32
      %sub3A_475 = arith.subi %min3A_452, %min3A_454 : i32
      %mul3A_476 = arith.constant 128 : i32
      %mul3A_477 = arith.muli %sub3A_475, %mul3A_476 : i32
      %parallel_loop3A = arith.constant 128 : i32
      %parallel_loop3A_478:8 = scf.for %parallel_loop3A_532 = %mul3A_474 to %mul3A_477 step %parallel_loop3A iter_args(%parallel_loop3A_533 = %while3A_471#1, %parallel_loop3A_534 = %while3A_471#2, %parallel_loop3A_535 = %while3A_471#3, %parallel_loop3A_536 = %while3A_471#4, %parallel_loop3A_537 = %while3A_471#5, %parallel_loop3A_538 = %while3A_471#6, %parallel_loop3A_539 = %while3A_471#7, %parallel_loop3A_540 = %while3A_471#8) -> (vector<16xf32>, vector<16xf32>, vector<16xf32>, vector<16xf32>, vector<16xf32>, vector<16xf32>, vector<16xf32>, vector<16xf32>)  : i32 {
        %parallel_loop3A_541 = arith.constant 0 : i32
        %parallel_loop3A_542 = arith.addi %parallel_loop3A_532, %parallel_loop3A_541 : i32
        %parallel_loop3A_543 = arith.index_cast %parallel_loop3A_542 : i32 to index
        %parallel_loop3A_544 = tpu.vector_load %arg7[%parallel_loop3A_543] {strides = array<i32>} : memref<32768xf32, #tpu.memory_space<vmem>>, vector<16xf32>,
        %parallel_loop3A_545 = vector.shape_cast %parallel_loop3A_544 : vector<16xf32> to vector<16xf32>
        %parallel_loop3A_546 = arith.maximumf %parallel_loop3A_533, %parallel_loop3A_545 : vector<16xf32>
        %parallel_loop3A_547 = arith.constant 16 : i32
        %parallel_loop3A_548 = arith.addi %parallel_loop3A_532, %parallel_loop3A_547 : i32
        %parallel_loop3A_549 = arith.index_cast %parallel_loop3A_548 : i32 to index
        %parallel_loop3A_550 = tpu.vector_load %arg7[%parallel_loop3A_549] {strides = array<i32>} : memref<32768xf32, #tpu.memory_space<vmem>>, vector<16xf32>,
        %parallel_loop3A_551 = vector.shape_cast %parallel_loop3A_550 : vector<16xf32> to vector<16xf32>
        %parallel_loop3A_552 = arith.maximumf %parallel_loop3A_534, %parallel_loop3A_551 : vector<16xf32>
        %parallel_loop3A_553 = arith.constant 32 : i32
        %parallel_loop3A_554 = arith.addi %parallel_loop3A_532, %parallel_loop3A_553 : i32
        %parallel_loop3A_555 = arith.index_cast %parallel_loop3A_554 : i32 to index
        %parallel_loop3A_556 = tpu.vector_load %arg7[%parallel_loop3A_555] {strides = array<i32>} : memref<32768xf32, #tpu.memory_space<vmem>>, vector<16xf32>,
        %parallel_loop3A_557 = vector.shape_cast %parallel_loop3A_556 : vector<16xf32> to vector<16xf32>
        %parallel_loop3A_558 = arith.maximumf %parallel_loop3A_535, %parallel_loop3A_557 : vector<16xf32>
        %parallel_loop3A_559 = arith.constant 48 : i32
        %parallel_loop3A_560 = arith.addi %parallel_loop3A_532, %parallel_loop3A_559 : i32
        %parallel_loop3A_561 = arith.index_cast %parallel_loop3A_560 : i32 to index
        %parallel_loop3A_562 = tpu.vector_load %arg7[%parallel_loop3A_561] {strides = array<i32>} : memref<32768xf32, #tpu.memory_space<vmem>>, vector<16xf32>,
        %parallel_loop3A_563 = vector.shape_cast %parallel_loop3A_562 : vector<16xf32> to vector<16xf32>
        %parallel_loop3A_564 = arith.maximumf %parallel_loop3A_536, %parallel_loop3A_563 : vector<16xf32>
        %parallel_loop3A_565 = arith.constant 64 : i32
        %parallel_loop3A_566 = arith.addi %parallel_loop3A_532, %parallel_loop3A_565 : i32
        %parallel_loop3A_567 = arith.index_cast %parallel_loop3A_566 : i32 to index
        %parallel_loop3A_568 = tpu.vector_load %arg7[%parallel_loop3A_567] {strides = array<i32>} : memref<32768xf32, #tpu.memory_space<vmem>>, vector<16xf32>,
        %parallel_loop3A_569 = vector.shape_cast %parallel_loop3A_568 : vector<16xf32> to vector<16xf32>
        %parallel_loop3A_570 = arith.maximumf %parallel_loop3A_537, %parallel_loop3A_569 : vector<16xf32>
        %parallel_loop3A_571 = arith.constant 80 : i32
        %parallel_loop3A_572 = arith.addi %parallel_loop3A_532, %parallel_loop3A_571 : i32
        %parallel_loop3A_573 = arith.index_cast %parallel_loop3A_572 : i32 to index
        %parallel_loop3A_574 = tpu.vector_load %arg7[%parallel_loop3A_573] {strides = array<i32>} : memref<32768xf32, #tpu.memory_space<vmem>>, vector<16xf32>,
        %parallel_loop3A_575 = vector.shape_cast %parallel_loop3A_574 : vector<16xf32> to vector<16xf32>
        %parallel_loop3A_576 = arith.maximumf %parallel_loop3A_538, %parallel_loop3A_575 : vector<16xf32>
        %parallel_loop3A_577 = arith.constant 96 : i32
        %parallel_loop3A_578 = arith.addi %parallel_loop3A_532, %parallel_loop3A_577 : i32
        %parallel_loop3A_579 = arith.index_cast %parallel_loop3A_578 : i32 to index
        %parallel_loop3A_580 = tpu.vector_load %arg7[%parallel_loop3A_579] {strides = array<i32>} : memref<32768xf32, #tpu.memory_space<vmem>>, vector<16xf32>,
        %parallel_loop3A_581 = vector.shape_cast %parallel_loop3A_580 : vector<16xf32> to vector<16xf32>
        %parallel_loop3A_582 = arith.maximumf %parallel_loop3A_539, %parallel_loop3A_581 : vector<16xf32>
        %parallel_loop3A_583 = arith.constant 112 : i32
        %parallel_loop3A_584 = arith.addi %parallel_loop3A_532, %parallel_loop3A_583 : i32
        %parallel_loop3A_585 = arith.index_cast %parallel_loop3A_584 : i32 to index
        %parallel_loop3A_586 = tpu.vector_load %arg7[%parallel_loop3A_585] {strides = array<i32>} : memref<32768xf32, #tpu.memory_space<vmem>>, vector<16xf32>,
        %parallel_loop3A_587 = vector.shape_cast %parallel_loop3A_586 : vector<16xf32> to vector<16xf32>
        %parallel_loop3A_588 = arith.maximumf %parallel_loop3A_540, %parallel_loop3A_587 : vector<16xf32>
        scf.yield %parallel_loop3A_546, %parallel_loop3A_552, %parallel_loop3A_558, %parallel_loop3A_564, %parallel_loop3A_570, %parallel_loop3A_576, %parallel_loop3A_582, %parallel_loop3A_588 : vector<16xf32>, vector<16xf32>, vector<16xf32>, vector<16xf32>, vector<16xf32>, vector<16xf32>, vector<16xf32>, vector<16xf32>
      } {sc.loop_unroll_factor = 8 : i64, sc.parallel_access}
      %add3A_479 = arith.constant 2 : i32
      %add3A_480 = arith.addi %add3A_443, %add3A_479 : i32
      %lt3A_481 = arith.cmpi slt, %add3A_480, %select_n3A_55 : i32
      %convert_element_type3A_482 = arith.extui %lt3A_481 : i1 to i32
      %cond3A_483 = arith.constant 0 : i32
      %cond3A_484 = arith.cmpi ne, %convert_element_type3A_482, %cond3A_483 : i32
      scf.if %cond3A_484 {
        %mul3A_532 = arith.constant 256 : i32
        %mul3A_533 = arith.muli %add3A_480, %mul3A_532 : i32
        %add3A_534 = arith.addi %mul3A_28, %mul3A_533 : i32
        %min3A_535 = arith.constant 319744 : i32
        %min3A_536 = arith.minsi %add3A_534, %min3A_535 : i32
        %mul3A_537 = arith.constant 128 : i32
        %mul3A_538 = arith.muli %min3A_536, %mul3A_537 : i32
        %dma_start3A = tpu.memref_slice %arg2[%mul3A_538] : memref<40960000xf32, #tpu.memory_space<hbm>> -> memref<32768xf32, #tpu.memory_space<hbm>>
        %dma_start3A_539 = tpu.memref_slice %arg2[%mul3A_538] : memref<40960000xf32, #tpu.memory_space<hbm>> -> memref<32768xf32, #tpu.memory_space<hbm>>
        tpu.enqueue_dma source(%dma_start3A_539 : memref<32768xf32, #tpu.memory_space<hbm>>) target(%arg7 : memref<32768xf32, #tpu.memory_space<vmem>>) target_semaphore(%arg11 : memref<!tpu.dma_semaphore, #tpu.memory_space<semaphore_mem>>)
      } else {
      }
      %add3A_485 = arith.constant 1 : i32
      %add3A_486 = arith.addi %mul3A_441, %add3A_485 : i32
      %lt3A_487 = arith.cmpi slt, %add3A_486, %select_n3A_55 : i32
      %convert_element_type3A_488 = arith.extui %lt3A_487 : i1 to i32
      %cond3A_489 = arith.constant 0 : i32
      %cond3A_490 = arith.cmpi ne, %convert_element_type3A_488, %cond3A_489 : i32
      scf.if %cond3A_490 {
        %dma_wait3A = arith.constant 0 : i32
        %dma_wait3A_532 = tpu.memref_slice %arg2[%dma_wait3A] : memref<40960000xf32, #tpu.memory_space<hbm>> -> memref<32768xf32, #tpu.memory_space<hbm>>
        %dma_wait3A_533 = arith.constant 0 : i32
        %dma_wait3A_534 = tpu.memref_slice %arg2[%dma_wait3A_533] : memref<40960000xf32, #tpu.memory_space<hbm>> -> memref<32768xf32, #tpu.memory_space<hbm>>
        tpu.wait_dma2 semaphore(%arg12 : memref<!tpu.dma_semaphore, #tpu.memory_space<semaphore_mem>>) src(%dma_wait3A_534 : memref<32768xf32, #tpu.memory_space<hbm>>) dst(%arg8 : memref<32768xf32, #tpu.memory_space<vmem>>)
      } else {
      }
      %mul3A_491 = arith.constant 256 : i32
      %mul3A_492 = arith.muli %add3A_486, %mul3A_491 : i32
      %add3A_493 = arith.addi %mul3A_28, %mul3A_492 : i32
      %max3A_494 = arith.maxsi %add3A_493, %squeeze3A : i32
      %add3A_495 = arith.constant 256 : i32
      %add3A_496 = arith.addi %add3A_493, %add3A_495 : i32
      %min3A_497 = arith.minsi %add3A_496, %squeeze3A_10 : i32
      %min3A_498 = arith.constant 319744 : i32
      %min3A_499 = arith.minsi %add3A_493, %min3A_498 : i32
      %scan3A_500 = arith.constant 0 : i32
      %scan3A_501 = arith.constant 320 : i32
      %scan3A_502 = arith.constant 0 : i32
      %scan3A_503 = arith.constant 9 : i32
      %scan3A_504 = arith.addi %scan3A_502, %scan3A_503 : i32
      %scan3A_505 = arith.constant 1 : i32
      %scan3A_506:2 = scf.for %scan3A_532 = %scan3A_502 to %scan3A_504 step %scan3A_505 iter_args(%scan3A_533 = %scan3A_500, %scan3A_534 = %scan3A_501) -> (i32, i32)  : i32 {
        %add3A_535 = arith.addi %scan3A_533, %scan3A_534 : i32
        %jit3A_536 = arith.constant 2 : i32
        %div3A_537 = arith.divsi %add3A_535, %jit3A_536 : i32
        %sign3A_538 = arith.constant 0 : i32
        %sign3A_539 = arith.cmpi sgt, %add3A_535, %sign3A_538 : i32
        %sign3A_540 = arith.extui %sign3A_539 : i1 to i32
        %sign3A_541 = arith.constant 0 : i32
        %sign3A_542 = arith.cmpi slt, %add3A_535, %sign3A_541 : i32
        %sign3A_543 = arith.extui %sign3A_542 : i1 to i32
        %sign3A_544 = arith.subi %sign3A_540, %sign3A_543 : i32
        %sign3A_545 = arith.constant 0 : i32
        %sign3A_546 = arith.cmpi sgt, %jit3A_536, %sign3A_545 : i32
        %sign3A_547 = arith.extui %sign3A_546 : i1 to i32
        %sign3A_548 = arith.constant 0 : i32
        %sign3A_549 = arith.cmpi slt, %jit3A_536, %sign3A_548 : i32
        %sign3A_550 = arith.extui %sign3A_549 : i1 to i32
        %sign3A_551 = arith.subi %sign3A_547, %sign3A_550 : i32
        %ne3A_552 = arith.cmpi ne, %sign3A_544, %sign3A_551 : i32
        %rem3A_553 = arith.remsi %add3A_535, %jit3A_536 : i32
        %ne3A_554 = arith.constant 0 : i32
        %ne3A_555 = arith.cmpi ne, %rem3A_553, %ne3A_554 : i32
        %and3A_556 = arith.andi %ne3A_552, %ne3A_555 : i1
        %sub3A_557 = arith.constant 1 : i32
        %sub3A_558 = arith.subi %div3A_537, %sub3A_557 : i32
        %select_n3A_559 = arith.select %and3A_556, %sub3A_558, %div3A_537 : i32
        %lt3A_560 = arith.cmpi slt, %scan3A_533, %scan3A_534 : i32
        %add3A_561 = arith.constant 1 : i32
        %add3A_562 = arith.addi %select_n3A_559, %add3A_561 : i32
        %get3A_563 = arith.index_cast %add3A_562 : i32 to index
        %get3A_564 = tpu.vector_load %arg6[%get3A_563] {strides = array<i32>} : memref<344xi32, #tpu.memory_space<vmem>>, vector<16xi32>,
        %get3A_565 = vector.shape_cast %get3A_564 : vector<16xi32> to vector<16xi32>
        %slice3A_566 = vector.extract_strided_slice %get3A_565 {offsets = [0], sizes = [1], strides = [1]} : vector<16xi32> to vector<1xi32>
        %squeeze3A_567 = vector.extract %slice3A_566[0] : i32 from vector<1xi32>
        %le3A = arith.cmpi sle, %squeeze3A_567, %min3A_497 : i32
        %and3A_568 = arith.andi %lt3A_560, %le3A : i1
        %add3A_569 = arith.constant 1 : i32
        %add3A_570 = arith.addi %select_n3A_559, %add3A_569 : i32
        %select_n3A_571 = arith.select %and3A_568, %add3A_570, %scan3A_533 : i32
        %not3A = arith.constant true
        %not3A_572 = arith.xori %and3A_568, %not3A : i1
        %and3A_573 = arith.andi %lt3A_560, %not3A_572 : i1
        %select_n3A_574 = arith.select %and3A_573, %select_n3A_559, %scan3A_534 : i32
        scf.yield %select_n3A_571, %select_n3A_574 : i32, i32
      }
      %scan3A_507 = arith.constant 9 : i32
      %while3A_508 = arith.subi %scan3A_506#0, %scan3A_460#0 : i32
      %while3A_509 = arith.addi %scan3A_460#0, %while3A_508 : i32
      %while3A_510 = arith.constant 1 : i32
      %while3A_511 = arith.divsi %while3A_508, %while3A_510 : i32
      %while3A_512 = arith.muli %while3A_511, %while3A_510 : i32
      %while3A_513 = arith.addi %scan3A_460#0, %while3A_512 : i32
      %while3A_514 = arith.constant 1 : i32
      %while3A_515:9 = scf.for %while3A_532 = %scan3A_460#0 to %while3A_513 step %while3A_514 iter_args(%while3A_533 = %max3A_494, %while3A_534 = %parallel_loop3A_478#0, %while3A_535 = %parallel_loop3A_478#1, %while3A_536 = %parallel_loop3A_478#2, %while3A_537 = %parallel_loop3A_478#3, %while3A_538 = %parallel_loop3A_478#4, %while3A_539 = %parallel_loop3A_478#5, %while3A_540 = %parallel_loop3A_478#6, %while3A_541 = %parallel_loop3A_478#7) -> (i32, vector<16xf32>, vector<16xf32>, vector<16xf32>, vector<16xf32>, vector<16xf32>, vector<16xf32>, vector<16xf32>, vector<16xf32>)  : i32 {
        %add3A_542 = arith.constant 1 : i32
        %add3A_543 = arith.addi %while3A_532, %add3A_542 : i32
        %get3A_544 = arith.index_cast %add3A_543 : i32 to index
        %get3A_545 = tpu.vector_load %arg6[%get3A_544] {strides = array<i32>} : memref<344xi32, #tpu.memory_space<vmem>>, vector<16xi32>,
        %get3A_546 = vector.shape_cast %get3A_545 : vector<16xi32> to vector<16xi32>
        %slice3A_547 = vector.extract_strided_slice %get3A_546 {offsets = [0], sizes = [1], strides = [1]} : vector<16xi32> to vector<1xi32>
        %squeeze3A_548 = vector.extract %slice3A_547[0] : i32 from vector<1xi32>
        %sub3A_549 = arith.subi %while3A_533, %min3A_499 : i32
        %mul3A_550 = arith.constant 128 : i32
        %mul3A_551 = arith.muli %sub3A_549, %mul3A_550 : i32
        %sub3A_552 = arith.subi %squeeze3A_548, %min3A_499 : i32
        %mul3A_553 = arith.constant 128 : i32
        %mul3A_554 = arith.muli %sub3A_552, %mul3A_553 : i32
        %parallel_loop3A_555 = arith.constant 128 : i32
        %parallel_loop3A_556:8 = scf.for %parallel_loop3A_627 = %mul3A_551 to %mul3A_554 step %parallel_loop3A_555 iter_args(%parallel_loop3A_628 = %while3A_534, %parallel_loop3A_629 = %while3A_535, %parallel_loop3A_630 = %while3A_536, %parallel_loop3A_631 = %while3A_537, %parallel_loop3A_632 = %while3A_538, %parallel_loop3A_633 = %while3A_539, %parallel_loop3A_634 = %while3A_540, %parallel_loop3A_635 = %while3A_541) -> (vector<16xf32>, vector<16xf32>, vector<16xf32>, vector<16xf32>, vector<16xf32>, vector<16xf32>, vector<16xf32>, vector<16xf32>)  : i32 {
          %parallel_loop3A_636 = arith.constant 0 : i32
          %parallel_loop3A_637 = arith.addi %parallel_loop3A_627, %parallel_loop3A_636 : i32
          %parallel_loop3A_638 = arith.index_cast %parallel_loop3A_637 : i32 to index
          %parallel_loop3A_639 = tpu.vector_load %arg8[%parallel_loop3A_638] {strides = array<i32>} : memref<32768xf32, #tpu.memory_space<vmem>>, vector<16xf32>,
          %parallel_loop3A_640 = vector.shape_cast %parallel_loop3A_639 : vector<16xf32> to vector<16xf32>
          %parallel_loop3A_641 = arith.maximumf %parallel_loop3A_628, %parallel_loop3A_640 : vector<16xf32>
          %parallel_loop3A_642 = arith.constant 16 : i32
          %parallel_loop3A_643 = arith.addi %parallel_loop3A_627, %parallel_loop3A_642 : i32
          %parallel_loop3A_644 = arith.index_cast %parallel_loop3A_643 : i32 to index
          %parallel_loop3A_645 = tpu.vector_load %arg8[%parallel_loop3A_644] {strides = array<i32>} : memref<32768xf32, #tpu.memory_space<vmem>>, vector<16xf32>,
          %parallel_loop3A_646 = vector.shape_cast %parallel_loop3A_645 : vector<16xf32> to vector<16xf32>
          %parallel_loop3A_647 = arith.maximumf %parallel_loop3A_629, %parallel_loop3A_646 : vector<16xf32>
          %parallel_loop3A_648 = arith.constant 32 : i32
          %parallel_loop3A_649 = arith.addi %parallel_loop3A_627, %parallel_loop3A_648 : i32
          %parallel_loop3A_650 = arith.index_cast %parallel_loop3A_649 : i32 to index
          %parallel_loop3A_651 = tpu.vector_load %arg8[%parallel_loop3A_650] {strides = array<i32>} : memref<32768xf32, #tpu.memory_space<vmem>>, vector<16xf32>,
          %parallel_loop3A_652 = vector.shape_cast %parallel_loop3A_651 : vector<16xf32> to vector<16xf32>
          %parallel_loop3A_653 = arith.maximumf %parallel_loop3A_630, %parallel_loop3A_652 : vector<16xf32>
          %parallel_loop3A_654 = arith.constant 48 : i32
          %parallel_loop3A_655 = arith.addi %parallel_loop3A_627, %parallel_loop3A_654 : i32
          %parallel_loop3A_656 = arith.index_cast %parallel_loop3A_655 : i32 to index
          %parallel_loop3A_657 = tpu.vector_load %arg8[%parallel_loop3A_656] {strides = array<i32>} : memref<32768xf32, #tpu.memory_space<vmem>>, vector<16xf32>,
          %parallel_loop3A_658 = vector.shape_cast %parallel_loop3A_657 : vector<16xf32> to vector<16xf32>
          %parallel_loop3A_659 = arith.maximumf %parallel_loop3A_631, %parallel_loop3A_658 : vector<16xf32>
          %parallel_loop3A_660 = arith.constant 64 : i32
          %parallel_loop3A_661 = arith.addi %parallel_loop3A_627, %parallel_loop3A_660 : i32
          %parallel_loop3A_662 = arith.index_cast %parallel_loop3A_661 : i32 to index
          %parallel_loop3A_663 = tpu.vector_load %arg8[%parallel_loop3A_662] {strides = array<i32>} : memref<32768xf32, #tpu.memory_space<vmem>>, vector<16xf32>,
          %parallel_loop3A_664 = vector.shape_cast %parallel_loop3A_663 : vector<16xf32> to vector<16xf32>
          %parallel_loop3A_665 = arith.maximumf %parallel_loop3A_632, %parallel_loop3A_664 : vector<16xf32>
          %parallel_loop3A_666 = arith.constant 80 : i32
          %parallel_loop3A_667 = arith.addi %parallel_loop3A_627, %parallel_loop3A_666 : i32
          %parallel_loop3A_668 = arith.index_cast %parallel_loop3A_667 : i32 to index
          %parallel_loop3A_669 = tpu.vector_load %arg8[%parallel_loop3A_668] {strides = array<i32>} : memref<32768xf32, #tpu.memory_space<vmem>>, vector<16xf32>,
          %parallel_loop3A_670 = vector.shape_cast %parallel_loop3A_669 : vector<16xf32> to vector<16xf32>
          %parallel_loop3A_671 = arith.maximumf %parallel_loop3A_633, %parallel_loop3A_670 : vector<16xf32>
          %parallel_loop3A_672 = arith.constant 96 : i32
          %parallel_loop3A_673 = arith.addi %parallel_loop3A_627, %parallel_loop3A_672 : i32
          %parallel_loop3A_674 = arith.index_cast %parallel_loop3A_673 : i32 to index
          %parallel_loop3A_675 = tpu.vector_load %arg8[%parallel_loop3A_674] {strides = array<i32>} : memref<32768xf32, #tpu.memory_space<vmem>>, vector<16xf32>,
          %parallel_loop3A_676 = vector.shape_cast %parallel_loop3A_675 : vector<16xf32> to vector<16xf32>
          %parallel_loop3A_677 = arith.maximumf %parallel_loop3A_634, %parallel_loop3A_676 : vector<16xf32>
          %parallel_loop3A_678 = arith.constant 112 : i32
          %parallel_loop3A_679 = arith.addi %parallel_loop3A_627, %parallel_loop3A_678 : i32
          %parallel_loop3A_680 = arith.index_cast %parallel_loop3A_679 : i32 to index
          %parallel_loop3A_681 = tpu.vector_load %arg8[%parallel_loop3A_680] {strides = array<i32>} : memref<32768xf32, #tpu.memory_space<vmem>>, vector<16xf32>,
          %parallel_loop3A_682 = vector.shape_cast %parallel_loop3A_681 : vector<16xf32> to vector<16xf32>
          %parallel_loop3A_683 = arith.maximumf %parallel_loop3A_635, %parallel_loop3A_682 : vector<16xf32>
          scf.yield %parallel_loop3A_641, %parallel_loop3A_647, %parallel_loop3A_653, %parallel_loop3A_659, %parallel_loop3A_665, %parallel_loop3A_671, %parallel_loop3A_677, %parallel_loop3A_683 : vector<16xf32>, vector<16xf32>, vector<16xf32>, vector<16xf32>, vector<16xf32>, vector<16xf32>, vector<16xf32>, vector<16xf32>
        } {sc.loop_unroll_factor = 8 : i64, sc.parallel_access}
        %get3A_557 = arith.index_cast %while3A_532 : i32 to index
        %get3A_558 = tpu.vector_load %arg6[%get3A_557] {strides = array<i32>} : memref<344xi32, #tpu.memory_space<vmem>>, vector<16xi32>,
        %get3A_559 = vector.shape_cast %get3A_558 : vector<16xi32> to vector<16xi32>
        %slice3A_560 = vector.extract_strided_slice %get3A_559 {offsets = [0], sizes = [1], strides = [1]} : vector<16xi32> to vector<1xi32>
        %squeeze3A_561 = vector.extract %slice3A_560[0] : i32 from vector<1xi32>
        %lt3A_562 = arith.cmpi slt, %squeeze3A_561, %squeeze3A_548 : i32
        %broadcast_in_dim3A_563 = arith.constant 0.000000e+00 : f32
        %broadcast_in_dim3A_564 = vector.broadcast %broadcast_in_dim3A_563 : f32 to vector<16xf32>
        %select_n3A_565 = arith.select %lt3A_562, %parallel_loop3A_556#0, %broadcast_in_dim3A_564 : vector<16xf32>
        %swap3A_566 = arith.index_cast %while3A_532 : i32 to index
        %swap3A_567 = arith.constant 0 : index
        %swap3A_568 = tpu.vector_load %arg9[%swap3A_566, %swap3A_567] {strides = array<i32>} : memref<320x128xf32, #tpu.memory_space<vmem>>, vector<1x16xf32>,
        %swap3A_569 = vector.shape_cast %swap3A_568 : vector<1x16xf32> to vector<16xf32>
        %swap3A_570 = vector.shape_cast %select_n3A_565 : vector<16xf32> to vector<1x16xf32>
        tpu.vector_store %arg9[%swap3A_566, %swap3A_567], %swap3A_570 {strides = array<i32>} : memref<320x128xf32, #tpu.memory_space<vmem>>, vector<1x16xf32>,
        %broadcast_in_dim3A_571 = arith.constant 0.000000e+00 : f32
        %broadcast_in_dim3A_572 = vector.broadcast %broadcast_in_dim3A_571 : f32 to vector<16xf32>
        %select_n3A_573 = arith.select %lt3A_562, %parallel_loop3A_556#1, %broadcast_in_dim3A_572 : vector<16xf32>
        %swap3A_574 = arith.index_cast %while3A_532 : i32 to index
        %swap3A_575 = arith.constant 16 : index
        %swap3A_576 = tpu.vector_load %arg9[%swap3A_574, %swap3A_575] {strides = array<i32>} : memref<320x128xf32, #tpu.memory_space<vmem>>, vector<1x16xf32>,
        %swap3A_577 = vector.shape_cast %swap3A_576 : vector<1x16xf32> to vector<16xf32>
        %swap3A_578 = vector.shape_cast %select_n3A_573 : vector<16xf32> to vector<1x16xf32>
        tpu.vector_store %arg9[%swap3A_574, %swap3A_575], %swap3A_578 {strides = array<i32>} : memref<320x128xf32, #tpu.memory_space<vmem>>, vector<1x16xf32>,
        %broadcast_in_dim3A_579 = arith.constant 0.000000e+00 : f32
        %broadcast_in_dim3A_580 = vector.broadcast %broadcast_in_dim3A_579 : f32 to vector<16xf32>
        %select_n3A_581 = arith.select %lt3A_562, %parallel_loop3A_556#2, %broadcast_in_dim3A_580 : vector<16xf32>
        %swap3A_582 = arith.index_cast %while3A_532 : i32 to index
        %swap3A_583 = arith.constant 32 : index
        %swap3A_584 = tpu.vector_load %arg9[%swap3A_582, %swap3A_583] {strides = array<i32>} : memref<320x128xf32, #tpu.memory_space<vmem>>, vector<1x16xf32>,
        %swap3A_585 = vector.shape_cast %swap3A_584 : vector<1x16xf32> to vector<16xf32>
        %swap3A_586 = vector.shape_cast %select_n3A_581 : vector<16xf32> to vector<1x16xf32>
        tpu.vector_store %arg9[%swap3A_582, %swap3A_583], %swap3A_586 {strides = array<i32>} : memref<320x128xf32, #tpu.memory_space<vmem>>, vector<1x16xf32>,
        %broadcast_in_dim3A_587 = arith.constant 0.000000e+00 : f32
        %broadcast_in_dim3A_588 = vector.broadcast %broadcast_in_dim3A_587 : f32 to vector<16xf32>
        %select_n3A_589 = arith.select %lt3A_562, %parallel_loop3A_556#3, %broadcast_in_dim3A_588 : vector<16xf32>
        %swap3A_590 = arith.index_cast %while3A_532 : i32 to index
        %swap3A_591 = arith.constant 48 : index
        %swap3A_592 = tpu.vector_load %arg9[%swap3A_590, %swap3A_591] {strides = array<i32>} : memref<320x128xf32, #tpu.memory_space<vmem>>, vector<1x16xf32>,
        %swap3A_593 = vector.shape_cast %swap3A_592 : vector<1x16xf32> to vector<16xf32>
        %swap3A_594 = vector.shape_cast %select_n3A_589 : vector<16xf32> to vector<1x16xf32>
        tpu.vector_store %arg9[%swap3A_590, %swap3A_591], %swap3A_594 {strides = array<i32>} : memref<320x128xf32, #tpu.memory_space<vmem>>, vector<1x16xf32>,
        %broadcast_in_dim3A_595 = arith.constant 0.000000e+00 : f32
        %broadcast_in_dim3A_596 = vector.broadcast %broadcast_in_dim3A_595 : f32 to vector<16xf32>
        %select_n3A_597 = arith.select %lt3A_562, %parallel_loop3A_556#4, %broadcast_in_dim3A_596 : vector<16xf32>
        %swap3A_598 = arith.index_cast %while3A_532 : i32 to index
        %swap3A_599 = arith.constant 64 : index
        %swap3A_600 = tpu.vector_load %arg9[%swap3A_598, %swap3A_599] {strides = array<i32>} : memref<320x128xf32, #tpu.memory_space<vmem>>, vector<1x16xf32>,
        %swap3A_601 = vector.shape_cast %swap3A_600 : vector<1x16xf32> to vector<16xf32>
        %swap3A_602 = vector.shape_cast %select_n3A_597 : vector<16xf32> to vector<1x16xf32>
        tpu.vector_store %arg9[%swap3A_598, %swap3A_599], %swap3A_602 {strides = array<i32>} : memref<320x128xf32, #tpu.memory_space<vmem>>, vector<1x16xf32>,
        %broadcast_in_dim3A_603 = arith.constant 0.000000e+00 : f32
        %broadcast_in_dim3A_604 = vector.broadcast %broadcast_in_dim3A_603 : f32 to vector<16xf32>
        %select_n3A_605 = arith.select %lt3A_562, %parallel_loop3A_556#5, %broadcast_in_dim3A_604 : vector<16xf32>
        %swap3A_606 = arith.index_cast %while3A_532 : i32 to index
        %swap3A_607 = arith.constant 80 : index
        %swap3A_608 = tpu.vector_load %arg9[%swap3A_606, %swap3A_607] {strides = array<i32>} : memref<320x128xf32, #tpu.memory_space<vmem>>, vector<1x16xf32>,
        %swap3A_609 = vector.shape_cast %swap3A_608 : vector<1x16xf32> to vector<16xf32>
        %swap3A_610 = vector.shape_cast %select_n3A_605 : vector<16xf32> to vector<1x16xf32>
        tpu.vector_store %arg9[%swap3A_606, %swap3A_607], %swap3A_610 {strides = array<i32>} : memref<320x128xf32, #tpu.memory_space<vmem>>, vector<1x16xf32>,
        %broadcast_in_dim3A_611 = arith.constant 0.000000e+00 : f32
        %broadcast_in_dim3A_612 = vector.broadcast %broadcast_in_dim3A_611 : f32 to vector<16xf32>
        %select_n3A_613 = arith.select %lt3A_562, %parallel_loop3A_556#6, %broadcast_in_dim3A_612 : vector<16xf32>
        %swap3A_614 = arith.index_cast %while3A_532 : i32 to index
        %swap3A_615 = arith.constant 96 : index
        %swap3A_616 = tpu.vector_load %arg9[%swap3A_614, %swap3A_615] {strides = array<i32>} : memref<320x128xf32, #tpu.memory_space<vmem>>, vector<1x16xf32>,
        %swap3A_617 = vector.shape_cast %swap3A_616 : vector<1x16xf32> to vector<16xf32>
        %swap3A_618 = vector.shape_cast %select_n3A_613 : vector<16xf32> to vector<1x16xf32>
        tpu.vector_store %arg9[%swap3A_614, %swap3A_615], %swap3A_618 {strides = array<i32>} : memref<320x128xf32, #tpu.memory_space<vmem>>, vector<1x16xf32>,
        %broadcast_in_dim3A_619 = arith.constant 0.000000e+00 : f32
        %broadcast_in_dim3A_620 = vector.broadcast %broadcast_in_dim3A_619 : f32 to vector<16xf32>
        %select_n3A_621 = arith.select %lt3A_562, %parallel_loop3A_556#7, %broadcast_in_dim3A_620 : vector<16xf32>
        %swap3A_622 = arith.index_cast %while3A_532 : i32 to index
        %swap3A_623 = arith.constant 112 : index
        %swap3A_624 = tpu.vector_load %arg9[%swap3A_622, %swap3A_623] {strides = array<i32>} : memref<320x128xf32, #tpu.memory_space<vmem>>, vector<1x16xf32>,
        %swap3A_625 = vector.shape_cast %swap3A_624 : vector<1x16xf32> to vector<16xf32>
        %swap3A_626 = vector.shape_cast %select_n3A_621 : vector<16xf32> to vector<1x16xf32>
        tpu.vector_store %arg9[%swap3A_622, %swap3A_623], %swap3A_626 {strides = array<i32>} : memref<320x128xf32, #tpu.memory_space<vmem>>, vector<1x16xf32>,
        scf.yield %squeeze3A_548, %broadcast_in_dim3A_56, %broadcast_in_dim3A_56, %broadcast_in_dim3A_56, %broadcast_in_dim3A_56, %broadcast_in_dim3A_56, %broadcast_in_dim3A_56, %broadcast_in_dim3A_56, %broadcast_in_dim3A_56 : i32, vector<16xf32>, vector<16xf32>, vector<16xf32>, vector<16xf32>, vector<16xf32>, vector<16xf32>, vector<16xf32>, vector<16xf32>
      }
      %while3A_516 = arith.constant 1 : i32
      %while3A_517:9 = scf.for %while3A_532 = %while3A_513 to %while3A_509 step %while3A_516 iter_args(%while3A_533 = %while3A_515#0, %while3A_534 = %while3A_515#1, %while3A_535 = %while3A_515#2, %while3A_536 = %while3A_515#3, %while3A_537 = %while3A_515#4, %while3A_538 = %while3A_515#5, %while3A_539 = %while3A_515#6, %while3A_540 = %while3A_515#7, %while3A_541 = %while3A_515#8) -> (i32, vector<16xf32>, vector<16xf32>, vector<16xf32>, vector<16xf32>, vector<16xf32>, vector<16xf32>, vector<16xf32>, vector<16xf32>)  : i32 {
        %add3A_542 = arith.constant 1 : i32
        %add3A_543 = arith.addi %while3A_532, %add3A_542 : i32
        %get3A_544 = arith.index_cast %add3A_543 : i32 to index
        %get3A_545 = tpu.vector_load %arg6[%get3A_544] {strides = array<i32>} : memref<344xi32, #tpu.memory_space<vmem>>, vector<16xi32>,
        %get3A_546 = vector.shape_cast %get3A_545 : vector<16xi32> to vector<16xi32>
        %slice3A_547 = vector.extract_strided_slice %get3A_546 {offsets = [0], sizes = [1], strides = [1]} : vector<16xi32> to vector<1xi32>
        %squeeze3A_548 = vector.extract %slice3A_547[0] : i32 from vector<1xi32>
        %sub3A_549 = arith.subi %while3A_533, %min3A_499 : i32
        %mul3A_550 = arith.constant 128 : i32
        %mul3A_551 = arith.muli %sub3A_549, %mul3A_550 : i32
        %sub3A_552 = arith.subi %squeeze3A_548, %min3A_499 : i32
        %mul3A_553 = arith.constant 128 : i32
        %mul3A_554 = arith.muli %sub3A_552, %mul3A_553 : i32
        %parallel_loop3A_555 = arith.constant 128 : i32
        %parallel_loop3A_556:8 = scf.for %parallel_loop3A_627 = %mul3A_551 to %mul3A_554 step %parallel_loop3A_555 iter_args(%parallel_loop3A_628 = %while3A_534, %parallel_loop3A_629 = %while3A_535, %parallel_loop3A_630 = %while3A_536, %parallel_loop3A_631 = %while3A_537, %parallel_loop3A_632 = %while3A_538, %parallel_loop3A_633 = %while3A_539, %parallel_loop3A_634 = %while3A_540, %parallel_loop3A_635 = %while3A_541) -> (vector<16xf32>, vector<16xf32>, vector<16xf32>, vector<16xf32>, vector<16xf32>, vector<16xf32>, vector<16xf32>, vector<16xf32>)  : i32 {
          %parallel_loop3A_636 = arith.constant 0 : i32
          %parallel_loop3A_637 = arith.addi %parallel_loop3A_627, %parallel_loop3A_636 : i32
          %parallel_loop3A_638 = arith.index_cast %parallel_loop3A_637 : i32 to index
          %parallel_loop3A_639 = tpu.vector_load %arg8[%parallel_loop3A_638] {strides = array<i32>} : memref<32768xf32, #tpu.memory_space<vmem>>, vector<16xf32>,
          %parallel_loop3A_640 = vector.shape_cast %parallel_loop3A_639 : vector<16xf32> to vector<16xf32>
          %parallel_loop3A_641 = arith.maximumf %parallel_loop3A_628, %parallel_loop3A_640 : vector<16xf32>
          %parallel_loop3A_642 = arith.constant 16 : i32
          %parallel_loop3A_643 = arith.addi %parallel_loop3A_627, %parallel_loop3A_642 : i32
          %parallel_loop3A_644 = arith.index_cast %parallel_loop3A_643 : i32 to index
          %parallel_loop3A_645 = tpu.vector_load %arg8[%parallel_loop3A_644] {strides = array<i32>} : memref<32768xf32, #tpu.memory_space<vmem>>, vector<16xf32>,
          %parallel_loop3A_646 = vector.shape_cast %parallel_loop3A_645 : vector<16xf32> to vector<16xf32>
          %parallel_loop3A_647 = arith.maximumf %parallel_loop3A_629, %parallel_loop3A_646 : vector<16xf32>
          %parallel_loop3A_648 = arith.constant 32 : i32
          %parallel_loop3A_649 = arith.addi %parallel_loop3A_627, %parallel_loop3A_648 : i32
          %parallel_loop3A_650 = arith.index_cast %parallel_loop3A_649 : i32 to index
          %parallel_loop3A_651 = tpu.vector_load %arg8[%parallel_loop3A_650] {strides = array<i32>} : memref<32768xf32, #tpu.memory_space<vmem>>, vector<16xf32>,
          %parallel_loop3A_652 = vector.shape_cast %parallel_loop3A_651 : vector<16xf32> to vector<16xf32>
          %parallel_loop3A_653 = arith.maximumf %parallel_loop3A_630, %parallel_loop3A_652 : vector<16xf32>
          %parallel_loop3A_654 = arith.constant 48 : i32
          %parallel_loop3A_655 = arith.addi %parallel_loop3A_627, %parallel_loop3A_654 : i32
          %parallel_loop3A_656 = arith.index_cast %parallel_loop3A_655 : i32 to index
          %parallel_loop3A_657 = tpu.vector_load %arg8[%parallel_loop3A_656] {strides = array<i32>} : memref<32768xf32, #tpu.memory_space<vmem>>, vector<16xf32>,
          %parallel_loop3A_658 = vector.shape_cast %parallel_loop3A_657 : vector<16xf32> to vector<16xf32>
          %parallel_loop3A_659 = arith.maximumf %parallel_loop3A_631, %parallel_loop3A_658 : vector<16xf32>
          %parallel_loop3A_660 = arith.constant 64 : i32
          %parallel_loop3A_661 = arith.addi %parallel_loop3A_627, %parallel_loop3A_660 : i32
          %parallel_loop3A_662 = arith.index_cast %parallel_loop3A_661 : i32 to index
          %parallel_loop3A_663 = tpu.vector_load %arg8[%parallel_loop3A_662] {strides = array<i32>} : memref<32768xf32, #tpu.memory_space<vmem>>, vector<16xf32>,
          %parallel_loop3A_664 = vector.shape_cast %parallel_loop3A_663 : vector<16xf32> to vector<16xf32>
          %parallel_loop3A_665 = arith.maximumf %parallel_loop3A_632, %parallel_loop3A_664 : vector<16xf32>
          %parallel_loop3A_666 = arith.constant 80 : i32
          %parallel_loop3A_667 = arith.addi %parallel_loop3A_627, %parallel_loop3A_666 : i32
          %parallel_loop3A_668 = arith.index_cast %parallel_loop3A_667 : i32 to index
          %parallel_loop3A_669 = tpu.vector_load %arg8[%parallel_loop3A_668] {strides = array<i32>} : memref<32768xf32, #tpu.memory_space<vmem>>, vector<16xf32>,
          %parallel_loop3A_670 = vector.shape_cast %parallel_loop3A_669 : vector<16xf32> to vector<16xf32>
          %parallel_loop3A_671 = arith.maximumf %parallel_loop3A_633, %parallel_loop3A_670 : vector<16xf32>
          %parallel_loop3A_672 = arith.constant 96 : i32
          %parallel_loop3A_673 = arith.addi %parallel_loop3A_627, %parallel_loop3A_672 : i32
          %parallel_loop3A_674 = arith.index_cast %parallel_loop3A_673 : i32 to index
          %parallel_loop3A_675 = tpu.vector_load %arg8[%parallel_loop3A_674] {strides = array<i32>} : memref<32768xf32, #tpu.memory_space<vmem>>, vector<16xf32>,
          %parallel_loop3A_676 = vector.shape_cast %parallel_loop3A_675 : vector<16xf32> to vector<16xf32>
          %parallel_loop3A_677 = arith.maximumf %parallel_loop3A_634, %parallel_loop3A_676 : vector<16xf32>
          %parallel_loop3A_678 = arith.constant 112 : i32
          %parallel_loop3A_679 = arith.addi %parallel_loop3A_627, %parallel_loop3A_678 : i32
          %parallel_loop3A_680 = arith.index_cast %parallel_loop3A_679 : i32 to index
          %parallel_loop3A_681 = tpu.vector_load %arg8[%parallel_loop3A_680] {strides = array<i32>} : memref<32768xf32, #tpu.memory_space<vmem>>, vector<16xf32>,
          %parallel_loop3A_682 = vector.shape_cast %parallel_loop3A_681 : vector<16xf32> to vector<16xf32>
          %parallel_loop3A_683 = arith.maximumf %parallel_loop3A_635, %parallel_loop3A_682 : vector<16xf32>
          scf.yield %parallel_loop3A_641, %parallel_loop3A_647, %parallel_loop3A_653, %parallel_loop3A_659, %parallel_loop3A_665, %parallel_loop3A_671, %parallel_loop3A_677, %parallel_loop3A_683 : vector<16xf32>, vector<16xf32>, vector<16xf32>, vector<16xf32>, vector<16xf32>, vector<16xf32>, vector<16xf32>, vector<16xf32>
        } {sc.loop_unroll_factor = 8 : i64, sc.parallel_access}
        %get3A_557 = arith.index_cast %while3A_532 : i32 to index
        %get3A_558 = tpu.vector_load %arg6[%get3A_557] {strides = array<i32>} : memref<344xi32, #tpu.memory_space<vmem>>, vector<16xi32>,
        %get3A_559 = vector.shape_cast %get3A_558 : vector<16xi32> to vector<16xi32>
        %slice3A_560 = vector.extract_strided_slice %get3A_559 {offsets = [0], sizes = [1], strides = [1]} : vector<16xi32> to vector<1xi32>
        %squeeze3A_561 = vector.extract %slice3A_560[0] : i32 from vector<1xi32>
        %lt3A_562 = arith.cmpi slt, %squeeze3A_561, %squeeze3A_548 : i32
        %broadcast_in_dim3A_563 = arith.constant 0.000000e+00 : f32
        %broadcast_in_dim3A_564 = vector.broadcast %broadcast_in_dim3A_563 : f32 to vector<16xf32>
        %select_n3A_565 = arith.select %lt3A_562, %parallel_loop3A_556#0, %broadcast_in_dim3A_564 : vector<16xf32>
        %swap3A_566 = arith.index_cast %while3A_532 : i32 to index
        %swap3A_567 = arith.constant 0 : index
        %swap3A_568 = tpu.vector_load %arg9[%swap3A_566, %swap3A_567] {strides = array<i32>} : memref<320x128xf32, #tpu.memory_space<vmem>>, vector<1x16xf32>,
        %swap3A_569 = vector.shape_cast %swap3A_568 : vector<1x16xf32> to vector<16xf32>
        %swap3A_570 = vector.shape_cast %select_n3A_565 : vector<16xf32> to vector<1x16xf32>
        tpu.vector_store %arg9[%swap3A_566, %swap3A_567], %swap3A_570 {strides = array<i32>} : memref<320x128xf32, #tpu.memory_space<vmem>>, vector<1x16xf32>,
        %broadcast_in_dim3A_571 = arith.constant 0.000000e+00 : f32
        %broadcast_in_dim3A_572 = vector.broadcast %broadcast_in_dim3A_571 : f32 to vector<16xf32>
        %select_n3A_573 = arith.select %lt3A_562, %parallel_loop3A_556#1, %broadcast_in_dim3A_572 : vector<16xf32>
        %swap3A_574 = arith.index_cast %while3A_532 : i32 to index
        %swap3A_575 = arith.constant 16 : index
        %swap3A_576 = tpu.vector_load %arg9[%swap3A_574, %swap3A_575] {strides = array<i32>} : memref<320x128xf32, #tpu.memory_space<vmem>>, vector<1x16xf32>,
        %swap3A_577 = vector.shape_cast %swap3A_576 : vector<1x16xf32> to vector<16xf32>
        %swap3A_578 = vector.shape_cast %select_n3A_573 : vector<16xf32> to vector<1x16xf32>
        tpu.vector_store %arg9[%swap3A_574, %swap3A_575], %swap3A_578 {strides = array<i32>} : memref<320x128xf32, #tpu.memory_space<vmem>>, vector<1x16xf32>,
        %broadcast_in_dim3A_579 = arith.constant 0.000000e+00 : f32
        %broadcast_in_dim3A_580 = vector.broadcast %broadcast_in_dim3A_579 : f32 to vector<16xf32>
        %select_n3A_581 = arith.select %lt3A_562, %parallel_loop3A_556#2, %broadcast_in_dim3A_580 : vector<16xf32>
        %swap3A_582 = arith.index_cast %while3A_532 : i32 to index
        %swap3A_583 = arith.constant 32 : index
        %swap3A_584 = tpu.vector_load %arg9[%swap3A_582, %swap3A_583] {strides = array<i32>} : memref<320x128xf32, #tpu.memory_space<vmem>>, vector<1x16xf32>,
        %swap3A_585 = vector.shape_cast %swap3A_584 : vector<1x16xf32> to vector<16xf32>
        %swap3A_586 = vector.shape_cast %select_n3A_581 : vector<16xf32> to vector<1x16xf32>
        tpu.vector_store %arg9[%swap3A_582, %swap3A_583], %swap3A_586 {strides = array<i32>} : memref<320x128xf32, #tpu.memory_space<vmem>>, vector<1x16xf32>,
        %broadcast_in_dim3A_587 = arith.constant 0.000000e+00 : f32
        %broadcast_in_dim3A_588 = vector.broadcast %broadcast_in_dim3A_587 : f32 to vector<16xf32>
        %select_n3A_589 = arith.select %lt3A_562, %parallel_loop3A_556#3, %broadcast_in_dim3A_588 : vector<16xf32>
        %swap3A_590 = arith.index_cast %while3A_532 : i32 to index
        %swap3A_591 = arith.constant 48 : index
        %swap3A_592 = tpu.vector_load %arg9[%swap3A_590, %swap3A_591] {strides = array<i32>} : memref<320x128xf32, #tpu.memory_space<vmem>>, vector<1x16xf32>,
        %swap3A_593 = vector.shape_cast %swap3A_592 : vector<1x16xf32> to vector<16xf32>
        %swap3A_594 = vector.shape_cast %select_n3A_589 : vector<16xf32> to vector<1x16xf32>
        tpu.vector_store %arg9[%swap3A_590, %swap3A_591], %swap3A_594 {strides = array<i32>} : memref<320x128xf32, #tpu.memory_space<vmem>>, vector<1x16xf32>,
        %broadcast_in_dim3A_595 = arith.constant 0.000000e+00 : f32
        %broadcast_in_dim3A_596 = vector.broadcast %broadcast_in_dim3A_595 : f32 to vector<16xf32>
        %select_n3A_597 = arith.select %lt3A_562, %parallel_loop3A_556#4, %broadcast_in_dim3A_596 : vector<16xf32>
        %swap3A_598 = arith.index_cast %while3A_532 : i32 to index
        %swap3A_599 = arith.constant 64 : index
        %swap3A_600 = tpu.vector_load %arg9[%swap3A_598, %swap3A_599] {strides = array<i32>} : memref<320x128xf32, #tpu.memory_space<vmem>>, vector<1x16xf32>,
        %swap3A_601 = vector.shape_cast %swap3A_600 : vector<1x16xf32> to vector<16xf32>
        %swap3A_602 = vector.shape_cast %select_n3A_597 : vector<16xf32> to vector<1x16xf32>
        tpu.vector_store %arg9[%swap3A_598, %swap3A_599], %swap3A_602 {strides = array<i32>} : memref<320x128xf32, #tpu.memory_space<vmem>>, vector<1x16xf32>,
        %broadcast_in_dim3A_603 = arith.constant 0.000000e+00 : f32
        %broadcast_in_dim3A_604 = vector.broadcast %broadcast_in_dim3A_603 : f32 to vector<16xf32>
        %select_n3A_605 = arith.select %lt3A_562, %parallel_loop3A_556#5, %broadcast_in_dim3A_604 : vector<16xf32>
        %swap3A_606 = arith.index_cast %while3A_532 : i32 to index
        %swap3A_607 = arith.constant 80 : index
        %swap3A_608 = tpu.vector_load %arg9[%swap3A_606, %swap3A_607] {strides = array<i32>} : memref<320x128xf32, #tpu.memory_space<vmem>>, vector<1x16xf32>,
        %swap3A_609 = vector.shape_cast %swap3A_608 : vector<1x16xf32> to vector<16xf32>
        %swap3A_610 = vector.shape_cast %select_n3A_605 : vector<16xf32> to vector<1x16xf32>
        tpu.vector_store %arg9[%swap3A_606, %swap3A_607], %swap3A_610 {strides = array<i32>} : memref<320x128xf32, #tpu.memory_space<vmem>>, vector<1x16xf32>,
        %broadcast_in_dim3A_611 = arith.constant 0.000000e+00 : f32
        %broadcast_in_dim3A_612 = vector.broadcast %broadcast_in_dim3A_611 : f32 to vector<16xf32>
        %select_n3A_613 = arith.select %lt3A_562, %parallel_loop3A_556#6, %broadcast_in_dim3A_612 : vector<16xf32>
        %swap3A_614 = arith.index_cast %while3A_532 : i32 to index
        %swap3A_615 = arith.constant 96 : index
        %swap3A_616 = tpu.vector_load %arg9[%swap3A_614, %swap3A_615] {strides = array<i32>} : memref<320x128xf32, #tpu.memory_space<vmem>>, vector<1x16xf32>,
        %swap3A_617 = vector.shape_cast %swap3A_616 : vector<1x16xf32> to vector<16xf32>
        %swap3A_618 = vector.shape_cast %select_n3A_613 : vector<16xf32> to vector<1x16xf32>
        tpu.vector_store %arg9[%swap3A_614, %swap3A_615], %swap3A_618 {strides = array<i32>} : memref<320x128xf32, #tpu.memory_space<vmem>>, vector<1x16xf32>,
        %broadcast_in_dim3A_619 = arith.constant 0.000000e+00 : f32
        %broadcast_in_dim3A_620 = vector.broadcast %broadcast_in_dim3A_619 : f32 to vector<16xf32>
        %select_n3A_621 = arith.select %lt3A_562, %parallel_loop3A_556#7, %broadcast_in_dim3A_620 : vector<16xf32>
        %swap3A_622 = arith.index_cast %while3A_532 : i32 to index
        %swap3A_623 = arith.constant 112 : index
        %swap3A_624 = tpu.vector_load %arg9[%swap3A_622, %swap3A_623] {strides = array<i32>} : memref<320x128xf32, #tpu.memory_space<vmem>>, vector<1x16xf32>,
        %swap3A_625 = vector.shape_cast %swap3A_624 : vector<1x16xf32> to vector<16xf32>
        %swap3A_626 = vector.shape_cast %select_n3A_621 : vector<16xf32> to vector<1x16xf32>
        tpu.vector_store %arg9[%swap3A_622, %swap3A_623], %swap3A_626 {strides = array<i32>} : memref<320x128xf32, #tpu.memory_space<vmem>>, vector<1x16xf32>,
        scf.yield %squeeze3A_548, %broadcast_in_dim3A_56, %broadcast_in_dim3A_56, %broadcast_in_dim3A_56, %broadcast_in_dim3A_56, %broadcast_in_dim3A_56, %broadcast_in_dim3A_56, %broadcast_in_dim3A_56, %broadcast_in_dim3A_56 : i32, vector<16xf32>, vector<16xf32>, vector<16xf32>, vector<16xf32>, vector<16xf32>, vector<16xf32>, vector<16xf32>, vector<16xf32>
      }
      %sub3A_518 = arith.subi %while3A_517#0, %min3A_499 : i32
      %mul3A_519 = arith.constant 128 : i32
      %mul3A_520 = arith.muli %sub3A_518, %mul3A_519 : i32
      %sub3A_521 = arith.subi %min3A_497, %min3A_499 : i32
      %mul3A_522 = arith.constant 128 : i32
      %mul3A_523 = arith.muli %sub3A_521, %mul3A_522 : i32
      %parallel_loop3A_524 = arith.constant 128 : i32
      %parallel_loop3A_525:8 = scf.for %parallel_loop3A_532 = %mul3A_520 to %mul3A_523 step %parallel_loop3A_524 iter_args(%parallel_loop3A_533 = %while3A_517#1, %parallel_loop3A_534 = %while3A_517#2, %parallel_loop3A_535 = %while3A_517#3, %parallel_loop3A_536 = %while3A_517#4, %parallel_loop3A_537 = %while3A_517#5, %parallel_loop3A_538 = %while3A_517#6, %parallel_loop3A_539 = %while3A_517#7, %parallel_loop3A_540 = %while3A_517#8) -> (vector<16xf32>, vector<16xf32>, vector<16xf32>, vector<16xf32>, vector<16xf32>, vector<16xf32>, vector<16xf32>, vector<16xf32>)  : i32 {
        %parallel_loop3A_541 = arith.constant 0 : i32
        %parallel_loop3A_542 = arith.addi %parallel_loop3A_532, %parallel_loop3A_541 : i32
        %parallel_loop3A_543 = arith.index_cast %parallel_loop3A_542 : i32 to index
        %parallel_loop3A_544 = tpu.vector_load %arg8[%parallel_loop3A_543] {strides = array<i32>} : memref<32768xf32, #tpu.memory_space<vmem>>, vector<16xf32>,
        %parallel_loop3A_545 = vector.shape_cast %parallel_loop3A_544 : vector<16xf32> to vector<16xf32>
        %parallel_loop3A_546 = arith.maximumf %parallel_loop3A_533, %parallel_loop3A_545 : vector<16xf32>
        %parallel_loop3A_547 = arith.constant 16 : i32
        %parallel_loop3A_548 = arith.addi %parallel_loop3A_532, %parallel_loop3A_547 : i32
        %parallel_loop3A_549 = arith.index_cast %parallel_loop3A_548 : i32 to index
        %parallel_loop3A_550 = tpu.vector_load %arg8[%parallel_loop3A_549] {strides = array<i32>} : memref<32768xf32, #tpu.memory_space<vmem>>, vector<16xf32>,
        %parallel_loop3A_551 = vector.shape_cast %parallel_loop3A_550 : vector<16xf32> to vector<16xf32>
        %parallel_loop3A_552 = arith.maximumf %parallel_loop3A_534, %parallel_loop3A_551 : vector<16xf32>
        %parallel_loop3A_553 = arith.constant 32 : i32
        %parallel_loop3A_554 = arith.addi %parallel_loop3A_532, %parallel_loop3A_553 : i32
        %parallel_loop3A_555 = arith.index_cast %parallel_loop3A_554 : i32 to index
        %parallel_loop3A_556 = tpu.vector_load %arg8[%parallel_loop3A_555] {strides = array<i32>} : memref<32768xf32, #tpu.memory_space<vmem>>, vector<16xf32>,
        %parallel_loop3A_557 = vector.shape_cast %parallel_loop3A_556 : vector<16xf32> to vector<16xf32>
        %parallel_loop3A_558 = arith.maximumf %parallel_loop3A_535, %parallel_loop3A_557 : vector<16xf32>
        %parallel_loop3A_559 = arith.constant 48 : i32
        %parallel_loop3A_560 = arith.addi %parallel_loop3A_532, %parallel_loop3A_559 : i32
        %parallel_loop3A_561 = arith.index_cast %parallel_loop3A_560 : i32 to index
        %parallel_loop3A_562 = tpu.vector_load %arg8[%parallel_loop3A_561] {strides = array<i32>} : memref<32768xf32, #tpu.memory_space<vmem>>, vector<16xf32>,
        %parallel_loop3A_563 = vector.shape_cast %parallel_loop3A_562 : vector<16xf32> to vector<16xf32>
        %parallel_loop3A_564 = arith.maximumf %parallel_loop3A_536, %parallel_loop3A_563 : vector<16xf32>
        %parallel_loop3A_565 = arith.constant 64 : i32
        %parallel_loop3A_566 = arith.addi %parallel_loop3A_532, %parallel_loop3A_565 : i32
        %parallel_loop3A_567 = arith.index_cast %parallel_loop3A_566 : i32 to index
        %parallel_loop3A_568 = tpu.vector_load %arg8[%parallel_loop3A_567] {strides = array<i32>} : memref<32768xf32, #tpu.memory_space<vmem>>, vector<16xf32>,
        %parallel_loop3A_569 = vector.shape_cast %parallel_loop3A_568 : vector<16xf32> to vector<16xf32>
        %parallel_loop3A_570 = arith.maximumf %parallel_loop3A_537, %parallel_loop3A_569 : vector<16xf32>
        %parallel_loop3A_571 = arith.constant 80 : i32
        %parallel_loop3A_572 = arith.addi %parallel_loop3A_532, %parallel_loop3A_571 : i32
        %parallel_loop3A_573 = arith.index_cast %parallel_loop3A_572 : i32 to index
        %parallel_loop3A_574 = tpu.vector_load %arg8[%parallel_loop3A_573] {strides = array<i32>} : memref<32768xf32, #tpu.memory_space<vmem>>, vector<16xf32>,
        %parallel_loop3A_575 = vector.shape_cast %parallel_loop3A_574 : vector<16xf32> to vector<16xf32>
        %parallel_loop3A_576 = arith.maximumf %parallel_loop3A_538, %parallel_loop3A_575 : vector<16xf32>
        %parallel_loop3A_577 = arith.constant 96 : i32
        %parallel_loop3A_578 = arith.addi %parallel_loop3A_532, %parallel_loop3A_577 : i32
        %parallel_loop3A_579 = arith.index_cast %parallel_loop3A_578 : i32 to index
        %parallel_loop3A_580 = tpu.vector_load %arg8[%parallel_loop3A_579] {strides = array<i32>} : memref<32768xf32, #tpu.memory_space<vmem>>, vector<16xf32>,
        %parallel_loop3A_581 = vector.shape_cast %parallel_loop3A_580 : vector<16xf32> to vector<16xf32>
        %parallel_loop3A_582 = arith.maximumf %parallel_loop3A_539, %parallel_loop3A_581 : vector<16xf32>
        %parallel_loop3A_583 = arith.constant 112 : i32
        %parallel_loop3A_584 = arith.addi %parallel_loop3A_532, %parallel_loop3A_583 : i32
        %parallel_loop3A_585 = arith.index_cast %parallel_loop3A_584 : i32 to index
        %parallel_loop3A_586 = tpu.vector_load %arg8[%parallel_loop3A_585] {strides = array<i32>} : memref<32768xf32, #tpu.memory_space<vmem>>, vector<16xf32>,
        %parallel_loop3A_587 = vector.shape_cast %parallel_loop3A_586 : vector<16xf32> to vector<16xf32>
        %parallel_loop3A_588 = arith.maximumf %parallel_loop3A_540, %parallel_loop3A_587 : vector<16xf32>
        scf.yield %parallel_loop3A_546, %parallel_loop3A_552, %parallel_loop3A_558, %parallel_loop3A_564, %parallel_loop3A_570, %parallel_loop3A_576, %parallel_loop3A_582, %parallel_loop3A_588 : vector<16xf32>, vector<16xf32>, vector<16xf32>, vector<16xf32>, vector<16xf32>, vector<16xf32>, vector<16xf32>, vector<16xf32>
      } {sc.loop_unroll_factor = 8 : i64, sc.parallel_access}
      %add3A_526 = arith.constant 2 : i32
      %add3A_527 = arith.addi %add3A_486, %add3A_526 : i32
      %lt3A_528 = arith.cmpi slt, %add3A_527, %select_n3A_55 : i32
      %convert_element_type3A_529 = arith.extui %lt3A_528 : i1 to i32
      %cond3A_530 = arith.constant 0 : i32
      %cond3A_531 = arith.cmpi ne, %convert_element_type3A_529, %cond3A_530 : i32
      scf.if %cond3A_531 {
        %mul3A_532 = arith.constant 256 : i32
        %mul3A_533 = arith.muli %add3A_527, %mul3A_532 : i32
        %add3A_534 = arith.addi %mul3A_28, %mul3A_533 : i32
        %min3A_535 = arith.constant 319744 : i32
        %min3A_536 = arith.minsi %add3A_534, %min3A_535 : i32
        %mul3A_537 = arith.constant 128 : i32
        %mul3A_538 = arith.muli %min3A_536, %mul3A_537 : i32
        %dma_start3A = tpu.memref_slice %arg2[%mul3A_538] : memref<40960000xf32, #tpu.memory_space<hbm>> -> memref<32768xf32, #tpu.memory_space<hbm>>
        %dma_start3A_539 = tpu.memref_slice %arg2[%mul3A_538] : memref<40960000xf32, #tpu.memory_space<hbm>> -> memref<32768xf32, #tpu.memory_space<hbm>>
        tpu.enqueue_dma source(%dma_start3A_539 : memref<32768xf32, #tpu.memory_space<hbm>>) target(%arg8 : memref<32768xf32, #tpu.memory_space<vmem>>) target_semaphore(%arg12 : memref<!tpu.dma_semaphore, #tpu.memory_space<semaphore_mem>>)
      } else {
      }
      scf.yield %scan3A_506#0, %parallel_loop3A_525#0, %parallel_loop3A_525#1, %parallel_loop3A_525#2, %parallel_loop3A_525#3, %parallel_loop3A_525#4, %parallel_loop3A_525#5, %parallel_loop3A_525#6, %parallel_loop3A_525#7 : i32, vector<16xf32>, vector<16xf32>, vector<16xf32>, vector<16xf32>, vector<16xf32>, vector<16xf32>, vector<16xf32>, vector<16xf32>
    }
    %while3A_418 = arith.constant 1 : i32
    %while3A_419:9 = scf.for %while3A_430 = %while3A_415 to %while3A_411 step %while3A_418 iter_args(%while3A_431 = %while3A_417#0, %while3A_432 = %while3A_417#1, %while3A_433 = %while3A_417#2, %while3A_434 = %while3A_417#3, %while3A_435 = %while3A_417#4, %while3A_436 = %while3A_417#5, %while3A_437 = %while3A_417#6, %while3A_438 = %while3A_417#7, %while3A_439 = %while3A_417#8) -> (i32, vector<16xf32>, vector<16xf32>, vector<16xf32>, vector<16xf32>, vector<16xf32>, vector<16xf32>, vector<16xf32>, vector<16xf32>)  : i32 {
      %mul3A_440 = arith.constant 2 : i32
      %mul3A_441 = arith.muli %while3A_430, %mul3A_440 : i32
      %add3A_442 = arith.constant 0 : i32
      %add3A_443 = arith.addi %mul3A_441, %add3A_442 : i32
      %lt3A = arith.cmpi slt, %add3A_443, %select_n3A_55 : i32
      %convert_element_type3A_444 = arith.extui %lt3A : i1 to i32
      %cond3A_445 = arith.constant 0 : i32
      %cond3A_446 = arith.cmpi ne, %convert_element_type3A_444, %cond3A_445 : i32
      scf.if %cond3A_446 {
        %dma_wait3A = arith.constant 0 : i32
        %dma_wait3A_532 = tpu.memref_slice %arg2[%dma_wait3A] : memref<40960000xf32, #tpu.memory_space<hbm>> -> memref<32768xf32, #tpu.memory_space<hbm>>
        %dma_wait3A_533 = arith.constant 0 : i32
        %dma_wait3A_534 = tpu.memref_slice %arg2[%dma_wait3A_533] : memref<40960000xf32, #tpu.memory_space<hbm>> -> memref<32768xf32, #tpu.memory_space<hbm>>
        tpu.wait_dma2 semaphore(%arg11 : memref<!tpu.dma_semaphore, #tpu.memory_space<semaphore_mem>>) src(%dma_wait3A_534 : memref<32768xf32, #tpu.memory_space<hbm>>) dst(%arg7 : memref<32768xf32, #tpu.memory_space<vmem>>)
      } else {
      }
      %mul3A_447 = arith.constant 256 : i32
      %mul3A_448 = arith.muli %add3A_443, %mul3A_447 : i32
      %add3A_449 = arith.addi %mul3A_28, %mul3A_448 : i32
      %max3A = arith.maxsi %add3A_449, %squeeze3A : i32
      %add3A_450 = arith.constant 256 : i32
      %add3A_451 = arith.addi %add3A_449, %add3A_450 : i32
      %min3A_452 = arith.minsi %add3A_451, %squeeze3A_10 : i32
      %min3A_453 = arith.constant 319744 : i32
      %min3A_454 = arith.minsi %add3A_449, %min3A_453 : i32
      %scan3A = arith.constant 0 : i32
      %scan3A_455 = arith.constant 320 : i32
      %scan3A_456 = arith.constant 0 : i32
      %scan3A_457 = arith.constant 9 : i32
      %scan3A_458 = arith.addi %scan3A_456, %scan3A_457 : i32
      %scan3A_459 = arith.constant 1 : i32
      %scan3A_460:2 = scf.for %scan3A_532 = %scan3A_456 to %scan3A_458 step %scan3A_459 iter_args(%scan3A_533 = %scan3A, %scan3A_534 = %scan3A_455) -> (i32, i32)  : i32 {
        %add3A_535 = arith.addi %scan3A_533, %scan3A_534 : i32
        %jit3A_536 = arith.constant 2 : i32
        %div3A_537 = arith.divsi %add3A_535, %jit3A_536 : i32
        %sign3A_538 = arith.constant 0 : i32
        %sign3A_539 = arith.cmpi sgt, %add3A_535, %sign3A_538 : i32
        %sign3A_540 = arith.extui %sign3A_539 : i1 to i32
        %sign3A_541 = arith.constant 0 : i32
        %sign3A_542 = arith.cmpi slt, %add3A_535, %sign3A_541 : i32
        %sign3A_543 = arith.extui %sign3A_542 : i1 to i32
        %sign3A_544 = arith.subi %sign3A_540, %sign3A_543 : i32
        %sign3A_545 = arith.constant 0 : i32
        %sign3A_546 = arith.cmpi sgt, %jit3A_536, %sign3A_545 : i32
        %sign3A_547 = arith.extui %sign3A_546 : i1 to i32
        %sign3A_548 = arith.constant 0 : i32
        %sign3A_549 = arith.cmpi slt, %jit3A_536, %sign3A_548 : i32
        %sign3A_550 = arith.extui %sign3A_549 : i1 to i32
        %sign3A_551 = arith.subi %sign3A_547, %sign3A_550 : i32
        %ne3A_552 = arith.cmpi ne, %sign3A_544, %sign3A_551 : i32
        %rem3A_553 = arith.remsi %add3A_535, %jit3A_536 : i32
        %ne3A_554 = arith.constant 0 : i32
        %ne3A_555 = arith.cmpi ne, %rem3A_553, %ne3A_554 : i32
        %and3A_556 = arith.andi %ne3A_552, %ne3A_555 : i1
        %sub3A_557 = arith.constant 1 : i32
        %sub3A_558 = arith.subi %div3A_537, %sub3A_557 : i32
        %select_n3A_559 = arith.select %and3A_556, %sub3A_558, %div3A_537 : i32
        %lt3A_560 = arith.cmpi slt, %scan3A_533, %scan3A_534 : i32
        %add3A_561 = arith.constant 1 : i32
        %add3A_562 = arith.addi %select_n3A_559, %add3A_561 : i32
        %get3A_563 = arith.index_cast %add3A_562 : i32 to index
        %get3A_564 = tpu.vector_load %arg6[%get3A_563] {strides = array<i32>} : memref<344xi32, #tpu.memory_space<vmem>>, vector<16xi32>,
        %get3A_565 = vector.shape_cast %get3A_564 : vector<16xi32> to vector<16xi32>
        %slice3A_566 = vector.extract_strided_slice %get3A_565 {offsets = [0], sizes = [1], strides = [1]} : vector<16xi32> to vector<1xi32>
        %squeeze3A_567 = vector.extract %slice3A_566[0] : i32 from vector<1xi32>
        %le3A = arith.cmpi sle, %squeeze3A_567, %min3A_452 : i32
        %and3A_568 = arith.andi %lt3A_560, %le3A : i1
        %add3A_569 = arith.constant 1 : i32
        %add3A_570 = arith.addi %select_n3A_559, %add3A_569 : i32
        %select_n3A_571 = arith.select %and3A_568, %add3A_570, %scan3A_533 : i32
        %not3A = arith.constant true
        %not3A_572 = arith.xori %and3A_568, %not3A : i1
        %and3A_573 = arith.andi %lt3A_560, %not3A_572 : i1
        %select_n3A_574 = arith.select %and3A_573, %select_n3A_559, %scan3A_534 : i32
        scf.yield %select_n3A_571, %select_n3A_574 : i32, i32
      }
      %scan3A_461 = arith.constant 9 : i32
      %while3A_462 = arith.subi %scan3A_460#0, %while3A_431 : i32
      %while3A_463 = arith.addi %while3A_431, %while3A_462 : i32
      %while3A_464 = arith.constant 1 : i32
      %while3A_465 = arith.divsi %while3A_462, %while3A_464 : i32
      %while3A_466 = arith.muli %while3A_465, %while3A_464 : i32
      %while3A_467 = arith.addi %while3A_431, %while3A_466 : i32
      %while3A_468 = arith.constant 1 : i32
      %while3A_469:9 = scf.for %while3A_532 = %while3A_431 to %while3A_467 step %while3A_468 iter_args(%while3A_533 = %max3A, %while3A_534 = %while3A_432, %while3A_535 = %while3A_433, %while3A_536 = %while3A_434, %while3A_537 = %while3A_435, %while3A_538 = %while3A_436, %while3A_539 = %while3A_437, %while3A_540 = %while3A_438, %while3A_541 = %while3A_439) -> (i32, vector<16xf32>, vector<16xf32>, vector<16xf32>, vector<16xf32>, vector<16xf32>, vector<16xf32>, vector<16xf32>, vector<16xf32>)  : i32 {
        %add3A_542 = arith.constant 1 : i32
        %add3A_543 = arith.addi %while3A_532, %add3A_542 : i32
        %get3A_544 = arith.index_cast %add3A_543 : i32 to index
        %get3A_545 = tpu.vector_load %arg6[%get3A_544] {strides = array<i32>} : memref<344xi32, #tpu.memory_space<vmem>>, vector<16xi32>,
        %get3A_546 = vector.shape_cast %get3A_545 : vector<16xi32> to vector<16xi32>
        %slice3A_547 = vector.extract_strided_slice %get3A_546 {offsets = [0], sizes = [1], strides = [1]} : vector<16xi32> to vector<1xi32>
        %squeeze3A_548 = vector.extract %slice3A_547[0] : i32 from vector<1xi32>
        %sub3A_549 = arith.subi %while3A_533, %min3A_454 : i32
        %mul3A_550 = arith.constant 128 : i32
        %mul3A_551 = arith.muli %sub3A_549, %mul3A_550 : i32
        %sub3A_552 = arith.subi %squeeze3A_548, %min3A_454 : i32
        %mul3A_553 = arith.constant 128 : i32
        %mul3A_554 = arith.muli %sub3A_552, %mul3A_553 : i32
        %parallel_loop3A_555 = arith.constant 128 : i32
        %parallel_loop3A_556:8 = scf.for %parallel_loop3A_627 = %mul3A_551 to %mul3A_554 step %parallel_loop3A_555 iter_args(%parallel_loop3A_628 = %while3A_534, %parallel_loop3A_629 = %while3A_535, %parallel_loop3A_630 = %while3A_536, %parallel_loop3A_631 = %while3A_537, %parallel_loop3A_632 = %while3A_538, %parallel_loop3A_633 = %while3A_539, %parallel_loop3A_634 = %while3A_540, %parallel_loop3A_635 = %while3A_541) -> (vector<16xf32>, vector<16xf32>, vector<16xf32>, vector<16xf32>, vector<16xf32>, vector<16xf32>, vector<16xf32>, vector<16xf32>)  : i32 {
          %parallel_loop3A_636 = arith.constant 0 : i32
          %parallel_loop3A_637 = arith.addi %parallel_loop3A_627, %parallel_loop3A_636 : i32
          %parallel_loop3A_638 = arith.index_cast %parallel_loop3A_637 : i32 to index
          %parallel_loop3A_639 = tpu.vector_load %arg7[%parallel_loop3A_638] {strides = array<i32>} : memref<32768xf32, #tpu.memory_space<vmem>>, vector<16xf32>,
          %parallel_loop3A_640 = vector.shape_cast %parallel_loop3A_639 : vector<16xf32> to vector<16xf32>
          %parallel_loop3A_641 = arith.maximumf %parallel_loop3A_628, %parallel_loop3A_640 : vector<16xf32>
          %parallel_loop3A_642 = arith.constant 16 : i32
          %parallel_loop3A_643 = arith.addi %parallel_loop3A_627, %parallel_loop3A_642 : i32
          %parallel_loop3A_644 = arith.index_cast %parallel_loop3A_643 : i32 to index
          %parallel_loop3A_645 = tpu.vector_load %arg7[%parallel_loop3A_644] {strides = array<i32>} : memref<32768xf32, #tpu.memory_space<vmem>>, vector<16xf32>,
          %parallel_loop3A_646 = vector.shape_cast %parallel_loop3A_645 : vector<16xf32> to vector<16xf32>
          %parallel_loop3A_647 = arith.maximumf %parallel_loop3A_629, %parallel_loop3A_646 : vector<16xf32>
          %parallel_loop3A_648 = arith.constant 32 : i32
          %parallel_loop3A_649 = arith.addi %parallel_loop3A_627, %parallel_loop3A_648 : i32
          %parallel_loop3A_650 = arith.index_cast %parallel_loop3A_649 : i32 to index
          %parallel_loop3A_651 = tpu.vector_load %arg7[%parallel_loop3A_650] {strides = array<i32>} : memref<32768xf32, #tpu.memory_space<vmem>>, vector<16xf32>,
          %parallel_loop3A_652 = vector.shape_cast %parallel_loop3A_651 : vector<16xf32> to vector<16xf32>
          %parallel_loop3A_653 = arith.maximumf %parallel_loop3A_630, %parallel_loop3A_652 : vector<16xf32>
          %parallel_loop3A_654 = arith.constant 48 : i32
          %parallel_loop3A_655 = arith.addi %parallel_loop3A_627, %parallel_loop3A_654 : i32
          %parallel_loop3A_656 = arith.index_cast %parallel_loop3A_655 : i32 to index
          %parallel_loop3A_657 = tpu.vector_load %arg7[%parallel_loop3A_656] {strides = array<i32>} : memref<32768xf32, #tpu.memory_space<vmem>>, vector<16xf32>,
          %parallel_loop3A_658 = vector.shape_cast %parallel_loop3A_657 : vector<16xf32> to vector<16xf32>
          %parallel_loop3A_659 = arith.maximumf %parallel_loop3A_631, %parallel_loop3A_658 : vector<16xf32>
          %parallel_loop3A_660 = arith.constant 64 : i32
          %parallel_loop3A_661 = arith.addi %parallel_loop3A_627, %parallel_loop3A_660 : i32
          %parallel_loop3A_662 = arith.index_cast %parallel_loop3A_661 : i32 to index
          %parallel_loop3A_663 = tpu.vector_load %arg7[%parallel_loop3A_662] {strides = array<i32>} : memref<32768xf32, #tpu.memory_space<vmem>>, vector<16xf32>,
          %parallel_loop3A_664 = vector.shape_cast %parallel_loop3A_663 : vector<16xf32> to vector<16xf32>
          %parallel_loop3A_665 = arith.maximumf %parallel_loop3A_632, %parallel_loop3A_664 : vector<16xf32>
          %parallel_loop3A_666 = arith.constant 80 : i32
          %parallel_loop3A_667 = arith.addi %parallel_loop3A_627, %parallel_loop3A_666 : i32
          %parallel_loop3A_668 = arith.index_cast %parallel_loop3A_667 : i32 to index
          %parallel_loop3A_669 = tpu.vector_load %arg7[%parallel_loop3A_668] {strides = array<i32>} : memref<32768xf32, #tpu.memory_space<vmem>>, vector<16xf32>,
          %parallel_loop3A_670 = vector.shape_cast %parallel_loop3A_669 : vector<16xf32> to vector<16xf32>
          %parallel_loop3A_671 = arith.maximumf %parallel_loop3A_633, %parallel_loop3A_670 : vector<16xf32>
          %parallel_loop3A_672 = arith.constant 96 : i32
          %parallel_loop3A_673 = arith.addi %parallel_loop3A_627, %parallel_loop3A_672 : i32
          %parallel_loop3A_674 = arith.index_cast %parallel_loop3A_673 : i32 to index
          %parallel_loop3A_675 = tpu.vector_load %arg7[%parallel_loop3A_674] {strides = array<i32>} : memref<32768xf32, #tpu.memory_space<vmem>>, vector<16xf32>,
          %parallel_loop3A_676 = vector.shape_cast %parallel_loop3A_675 : vector<16xf32> to vector<16xf32>
          %parallel_loop3A_677 = arith.maximumf %parallel_loop3A_634, %parallel_loop3A_676 : vector<16xf32>
          %parallel_loop3A_678 = arith.constant 112 : i32
          %parallel_loop3A_679 = arith.addi %parallel_loop3A_627, %parallel_loop3A_678 : i32
          %parallel_loop3A_680 = arith.index_cast %parallel_loop3A_679 : i32 to index
          %parallel_loop3A_681 = tpu.vector_load %arg7[%parallel_loop3A_680] {strides = array<i32>} : memref<32768xf32, #tpu.memory_space<vmem>>, vector<16xf32>,
          %parallel_loop3A_682 = vector.shape_cast %parallel_loop3A_681 : vector<16xf32> to vector<16xf32>
          %parallel_loop3A_683 = arith.maximumf %parallel_loop3A_635, %parallel_loop3A_682 : vector<16xf32>
          scf.yield %parallel_loop3A_641, %parallel_loop3A_647, %parallel_loop3A_653, %parallel_loop3A_659, %parallel_loop3A_665, %parallel_loop3A_671, %parallel_loop3A_677, %parallel_loop3A_683 : vector<16xf32>, vector<16xf32>, vector<16xf32>, vector<16xf32>, vector<16xf32>, vector<16xf32>, vector<16xf32>, vector<16xf32>
        } {sc.loop_unroll_factor = 8 : i64, sc.parallel_access}
        %get3A_557 = arith.index_cast %while3A_532 : i32 to index
        %get3A_558 = tpu.vector_load %arg6[%get3A_557] {strides = array<i32>} : memref<344xi32, #tpu.memory_space<vmem>>, vector<16xi32>,
        %get3A_559 = vector.shape_cast %get3A_558 : vector<16xi32> to vector<16xi32>
        %slice3A_560 = vector.extract_strided_slice %get3A_559 {offsets = [0], sizes = [1], strides = [1]} : vector<16xi32> to vector<1xi32>
        %squeeze3A_561 = vector.extract %slice3A_560[0] : i32 from vector<1xi32>
        %lt3A_562 = arith.cmpi slt, %squeeze3A_561, %squeeze3A_548 : i32
        %broadcast_in_dim3A_563 = arith.constant 0.000000e+00 : f32
        %broadcast_in_dim3A_564 = vector.broadcast %broadcast_in_dim3A_563 : f32 to vector<16xf32>
        %select_n3A_565 = arith.select %lt3A_562, %parallel_loop3A_556#0, %broadcast_in_dim3A_564 : vector<16xf32>
        %swap3A_566 = arith.index_cast %while3A_532 : i32 to index
        %swap3A_567 = arith.constant 0 : index
        %swap3A_568 = tpu.vector_load %arg9[%swap3A_566, %swap3A_567] {strides = array<i32>} : memref<320x128xf32, #tpu.memory_space<vmem>>, vector<1x16xf32>,
        %swap3A_569 = vector.shape_cast %swap3A_568 : vector<1x16xf32> to vector<16xf32>
        %swap3A_570 = vector.shape_cast %select_n3A_565 : vector<16xf32> to vector<1x16xf32>
        tpu.vector_store %arg9[%swap3A_566, %swap3A_567], %swap3A_570 {strides = array<i32>} : memref<320x128xf32, #tpu.memory_space<vmem>>, vector<1x16xf32>,
        %broadcast_in_dim3A_571 = arith.constant 0.000000e+00 : f32
        %broadcast_in_dim3A_572 = vector.broadcast %broadcast_in_dim3A_571 : f32 to vector<16xf32>
        %select_n3A_573 = arith.select %lt3A_562, %parallel_loop3A_556#1, %broadcast_in_dim3A_572 : vector<16xf32>
        %swap3A_574 = arith.index_cast %while3A_532 : i32 to index
        %swap3A_575 = arith.constant 16 : index
        %swap3A_576 = tpu.vector_load %arg9[%swap3A_574, %swap3A_575] {strides = array<i32>} : memref<320x128xf32, #tpu.memory_space<vmem>>, vector<1x16xf32>,
        %swap3A_577 = vector.shape_cast %swap3A_576 : vector<1x16xf32> to vector<16xf32>
        %swap3A_578 = vector.shape_cast %select_n3A_573 : vector<16xf32> to vector<1x16xf32>
        tpu.vector_store %arg9[%swap3A_574, %swap3A_575], %swap3A_578 {strides = array<i32>} : memref<320x128xf32, #tpu.memory_space<vmem>>, vector<1x16xf32>,
        %broadcast_in_dim3A_579 = arith.constant 0.000000e+00 : f32
        %broadcast_in_dim3A_580 = vector.broadcast %broadcast_in_dim3A_579 : f32 to vector<16xf32>
        %select_n3A_581 = arith.select %lt3A_562, %parallel_loop3A_556#2, %broadcast_in_dim3A_580 : vector<16xf32>
        %swap3A_582 = arith.index_cast %while3A_532 : i32 to index
        %swap3A_583 = arith.constant 32 : index
        %swap3A_584 = tpu.vector_load %arg9[%swap3A_582, %swap3A_583] {strides = array<i32>} : memref<320x128xf32, #tpu.memory_space<vmem>>, vector<1x16xf32>,
        %swap3A_585 = vector.shape_cast %swap3A_584 : vector<1x16xf32> to vector<16xf32>
        %swap3A_586 = vector.shape_cast %select_n3A_581 : vector<16xf32> to vector<1x16xf32>
        tpu.vector_store %arg9[%swap3A_582, %swap3A_583], %swap3A_586 {strides = array<i32>} : memref<320x128xf32, #tpu.memory_space<vmem>>, vector<1x16xf32>,
        %broadcast_in_dim3A_587 = arith.constant 0.000000e+00 : f32
        %broadcast_in_dim3A_588 = vector.broadcast %broadcast_in_dim3A_587 : f32 to vector<16xf32>
        %select_n3A_589 = arith.select %lt3A_562, %parallel_loop3A_556#3, %broadcast_in_dim3A_588 : vector<16xf32>
        %swap3A_590 = arith.index_cast %while3A_532 : i32 to index
        %swap3A_591 = arith.constant 48 : index
        %swap3A_592 = tpu.vector_load %arg9[%swap3A_590, %swap3A_591] {strides = array<i32>} : memref<320x128xf32, #tpu.memory_space<vmem>>, vector<1x16xf32>,
        %swap3A_593 = vector.shape_cast %swap3A_592 : vector<1x16xf32> to vector<16xf32>
        %swap3A_594 = vector.shape_cast %select_n3A_589 : vector<16xf32> to vector<1x16xf32>
        tpu.vector_store %arg9[%swap3A_590, %swap3A_591], %swap3A_594 {strides = array<i32>} : memref<320x128xf32, #tpu.memory_space<vmem>>, vector<1x16xf32>,
        %broadcast_in_dim3A_595 = arith.constant 0.000000e+00 : f32
        %broadcast_in_dim3A_596 = vector.broadcast %broadcast_in_dim3A_595 : f32 to vector<16xf32>
        %select_n3A_597 = arith.select %lt3A_562, %parallel_loop3A_556#4, %broadcast_in_dim3A_596 : vector<16xf32>
        %swap3A_598 = arith.index_cast %while3A_532 : i32 to index
        %swap3A_599 = arith.constant 64 : index
        %swap3A_600 = tpu.vector_load %arg9[%swap3A_598, %swap3A_599] {strides = array<i32>} : memref<320x128xf32, #tpu.memory_space<vmem>>, vector<1x16xf32>,
        %swap3A_601 = vector.shape_cast %swap3A_600 : vector<1x16xf32> to vector<16xf32>
        %swap3A_602 = vector.shape_cast %select_n3A_597 : vector<16xf32> to vector<1x16xf32>
        tpu.vector_store %arg9[%swap3A_598, %swap3A_599], %swap3A_602 {strides = array<i32>} : memref<320x128xf32, #tpu.memory_space<vmem>>, vector<1x16xf32>,
        %broadcast_in_dim3A_603 = arith.constant 0.000000e+00 : f32
        %broadcast_in_dim3A_604 = vector.broadcast %broadcast_in_dim3A_603 : f32 to vector<16xf32>
        %select_n3A_605 = arith.select %lt3A_562, %parallel_loop3A_556#5, %broadcast_in_dim3A_604 : vector<16xf32>
        %swap3A_606 = arith.index_cast %while3A_532 : i32 to index
        %swap3A_607 = arith.constant 80 : index
        %swap3A_608 = tpu.vector_load %arg9[%swap3A_606, %swap3A_607] {strides = array<i32>} : memref<320x128xf32, #tpu.memory_space<vmem>>, vector<1x16xf32>,
        %swap3A_609 = vector.shape_cast %swap3A_608 : vector<1x16xf32> to vector<16xf32>
        %swap3A_610 = vector.shape_cast %select_n3A_605 : vector<16xf32> to vector<1x16xf32>
        tpu.vector_store %arg9[%swap3A_606, %swap3A_607], %swap3A_610 {strides = array<i32>} : memref<320x128xf32, #tpu.memory_space<vmem>>, vector<1x16xf32>,
        %broadcast_in_dim3A_611 = arith.constant 0.000000e+00 : f32
        %broadcast_in_dim3A_612 = vector.broadcast %broadcast_in_dim3A_611 : f32 to vector<16xf32>
        %select_n3A_613 = arith.select %lt3A_562, %parallel_loop3A_556#6, %broadcast_in_dim3A_612 : vector<16xf32>
        %swap3A_614 = arith.index_cast %while3A_532 : i32 to index
        %swap3A_615 = arith.constant 96 : index
        %swap3A_616 = tpu.vector_load %arg9[%swap3A_614, %swap3A_615] {strides = array<i32>} : memref<320x128xf32, #tpu.memory_space<vmem>>, vector<1x16xf32>,
        %swap3A_617 = vector.shape_cast %swap3A_616 : vector<1x16xf32> to vector<16xf32>
        %swap3A_618 = vector.shape_cast %select_n3A_613 : vector<16xf32> to vector<1x16xf32>
        tpu.vector_store %arg9[%swap3A_614, %swap3A_615], %swap3A_618 {strides = array<i32>} : memref<320x128xf32, #tpu.memory_space<vmem>>, vector<1x16xf32>,
        %broadcast_in_dim3A_619 = arith.constant 0.000000e+00 : f32
        %broadcast_in_dim3A_620 = vector.broadcast %broadcast_in_dim3A_619 : f32 to vector<16xf32>
        %select_n3A_621 = arith.select %lt3A_562, %parallel_loop3A_556#7, %broadcast_in_dim3A_620 : vector<16xf32>
        %swap3A_622 = arith.index_cast %while3A_532 : i32 to index
        %swap3A_623 = arith.constant 112 : index
        %swap3A_624 = tpu.vector_load %arg9[%swap3A_622, %swap3A_623] {strides = array<i32>} : memref<320x128xf32, #tpu.memory_space<vmem>>, vector<1x16xf32>,
        %swap3A_625 = vector.shape_cast %swap3A_624 : vector<1x16xf32> to vector<16xf32>
        %swap3A_626 = vector.shape_cast %select_n3A_621 : vector<16xf32> to vector<1x16xf32>
        tpu.vector_store %arg9[%swap3A_622, %swap3A_623], %swap3A_626 {strides = array<i32>} : memref<320x128xf32, #tpu.memory_space<vmem>>, vector<1x16xf32>,
        scf.yield %squeeze3A_548, %broadcast_in_dim3A_56, %broadcast_in_dim3A_56, %broadcast_in_dim3A_56, %broadcast_in_dim3A_56, %broadcast_in_dim3A_56, %broadcast_in_dim3A_56, %broadcast_in_dim3A_56, %broadcast_in_dim3A_56 : i32, vector<16xf32>, vector<16xf32>, vector<16xf32>, vector<16xf32>, vector<16xf32>, vector<16xf32>, vector<16xf32>, vector<16xf32>
      }
      %while3A_470 = arith.constant 1 : i32
      %while3A_471:9 = scf.for %while3A_532 = %while3A_467 to %while3A_463 step %while3A_470 iter_args(%while3A_533 = %while3A_469#0, %while3A_534 = %while3A_469#1, %while3A_535 = %while3A_469#2, %while3A_536 = %while3A_469#3, %while3A_537 = %while3A_469#4, %while3A_538 = %while3A_469#5, %while3A_539 = %while3A_469#6, %while3A_540 = %while3A_469#7, %while3A_541 = %while3A_469#8) -> (i32, vector<16xf32>, vector<16xf32>, vector<16xf32>, vector<16xf32>, vector<16xf32>, vector<16xf32>, vector<16xf32>, vector<16xf32>)  : i32 {
        %add3A_542 = arith.constant 1 : i32
        %add3A_543 = arith.addi %while3A_532, %add3A_542 : i32
        %get3A_544 = arith.index_cast %add3A_543 : i32 to index
        %get3A_545 = tpu.vector_load %arg6[%get3A_544] {strides = array<i32>} : memref<344xi32, #tpu.memory_space<vmem>>, vector<16xi32>,
        %get3A_546 = vector.shape_cast %get3A_545 : vector<16xi32> to vector<16xi32>
        %slice3A_547 = vector.extract_strided_slice %get3A_546 {offsets = [0], sizes = [1], strides = [1]} : vector<16xi32> to vector<1xi32>
        %squeeze3A_548 = vector.extract %slice3A_547[0] : i32 from vector<1xi32>
        %sub3A_549 = arith.subi %while3A_533, %min3A_454 : i32
        %mul3A_550 = arith.constant 128 : i32
        %mul3A_551 = arith.muli %sub3A_549, %mul3A_550 : i32
        %sub3A_552 = arith.subi %squeeze3A_548, %min3A_454 : i32
        %mul3A_553 = arith.constant 128 : i32
        %mul3A_554 = arith.muli %sub3A_552, %mul3A_553 : i32
        %parallel_loop3A_555 = arith.constant 128 : i32
        %parallel_loop3A_556:8 = scf.for %parallel_loop3A_627 = %mul3A_551 to %mul3A_554 step %parallel_loop3A_555 iter_args(%parallel_loop3A_628 = %while3A_534, %parallel_loop3A_629 = %while3A_535, %parallel_loop3A_630 = %while3A_536, %parallel_loop3A_631 = %while3A_537, %parallel_loop3A_632 = %while3A_538, %parallel_loop3A_633 = %while3A_539, %parallel_loop3A_634 = %while3A_540, %parallel_loop3A_635 = %while3A_541) -> (vector<16xf32>, vector<16xf32>, vector<16xf32>, vector<16xf32>, vector<16xf32>, vector<16xf32>, vector<16xf32>, vector<16xf32>)  : i32 {
          %parallel_loop3A_636 = arith.constant 0 : i32
          %parallel_loop3A_637 = arith.addi %parallel_loop3A_627, %parallel_loop3A_636 : i32
          %parallel_loop3A_638 = arith.index_cast %parallel_loop3A_637 : i32 to index
          %parallel_loop3A_639 = tpu.vector_load %arg7[%parallel_loop3A_638] {strides = array<i32>} : memref<32768xf32, #tpu.memory_space<vmem>>, vector<16xf32>,
          %parallel_loop3A_640 = vector.shape_cast %parallel_loop3A_639 : vector<16xf32> to vector<16xf32>
          %parallel_loop3A_641 = arith.maximumf %parallel_loop3A_628, %parallel_loop3A_640 : vector<16xf32>
          %parallel_loop3A_642 = arith.constant 16 : i32
          %parallel_loop3A_643 = arith.addi %parallel_loop3A_627, %parallel_loop3A_642 : i32
          %parallel_loop3A_644 = arith.index_cast %parallel_loop3A_643 : i32 to index
          %parallel_loop3A_645 = tpu.vector_load %arg7[%parallel_loop3A_644] {strides = array<i32>} : memref<32768xf32, #tpu.memory_space<vmem>>, vector<16xf32>,
          %parallel_loop3A_646 = vector.shape_cast %parallel_loop3A_645 : vector<16xf32> to vector<16xf32>
          %parallel_loop3A_647 = arith.maximumf %parallel_loop3A_629, %parallel_loop3A_646 : vector<16xf32>
          %parallel_loop3A_648 = arith.constant 32 : i32
          %parallel_loop3A_649 = arith.addi %parallel_loop3A_627, %parallel_loop3A_648 : i32
          %parallel_loop3A_650 = arith.index_cast %parallel_loop3A_649 : i32 to index
          %parallel_loop3A_651 = tpu.vector_load %arg7[%parallel_loop3A_650] {strides = array<i32>} : memref<32768xf32, #tpu.memory_space<vmem>>, vector<16xf32>,
          %parallel_loop3A_652 = vector.shape_cast %parallel_loop3A_651 : vector<16xf32> to vector<16xf32>
          %parallel_loop3A_653 = arith.maximumf %parallel_loop3A_630, %parallel_loop3A_652 : vector<16xf32>
          %parallel_loop3A_654 = arith.constant 48 : i32
          %parallel_loop3A_655 = arith.addi %parallel_loop3A_627, %parallel_loop3A_654 : i32
          %parallel_loop3A_656 = arith.index_cast %parallel_loop3A_655 : i32 to index
          %parallel_loop3A_657 = tpu.vector_load %arg7[%parallel_loop3A_656] {strides = array<i32>} : memref<32768xf32, #tpu.memory_space<vmem>>, vector<16xf32>,
          %parallel_loop3A_658 = vector.shape_cast %parallel_loop3A_657 : vector<16xf32> to vector<16xf32>
          %parallel_loop3A_659 = arith.maximumf %parallel_loop3A_631, %parallel_loop3A_658 : vector<16xf32>
          %parallel_loop3A_660 = arith.constant 64 : i32
          %parallel_loop3A_661 = arith.addi %parallel_loop3A_627, %parallel_loop3A_660 : i32
          %parallel_loop3A_662 = arith.index_cast %parallel_loop3A_661 : i32 to index
          %parallel_loop3A_663 = tpu.vector_load %arg7[%parallel_loop3A_662] {strides = array<i32>} : memref<32768xf32, #tpu.memory_space<vmem>>, vector<16xf32>,
          %parallel_loop3A_664 = vector.shape_cast %parallel_loop3A_663 : vector<16xf32> to vector<16xf32>
          %parallel_loop3A_665 = arith.maximumf %parallel_loop3A_632, %parallel_loop3A_664 : vector<16xf32>
          %parallel_loop3A_666 = arith.constant 80 : i32
          %parallel_loop3A_667 = arith.addi %parallel_loop3A_627, %parallel_loop3A_666 : i32
          %parallel_loop3A_668 = arith.index_cast %parallel_loop3A_667 : i32 to index
          %parallel_loop3A_669 = tpu.vector_load %arg7[%parallel_loop3A_668] {strides = array<i32>} : memref<32768xf32, #tpu.memory_space<vmem>>, vector<16xf32>,
          %parallel_loop3A_670 = vector.shape_cast %parallel_loop3A_669 : vector<16xf32> to vector<16xf32>
          %parallel_loop3A_671 = arith.maximumf %parallel_loop3A_633, %parallel_loop3A_670 : vector<16xf32>
          %parallel_loop3A_672 = arith.constant 96 : i32
          %parallel_loop3A_673 = arith.addi %parallel_loop3A_627, %parallel_loop3A_672 : i32
          %parallel_loop3A_674 = arith.index_cast %parallel_loop3A_673 : i32 to index
          %parallel_loop3A_675 = tpu.vector_load %arg7[%parallel_loop3A_674] {strides = array<i32>} : memref<32768xf32, #tpu.memory_space<vmem>>, vector<16xf32>,
          %parallel_loop3A_676 = vector.shape_cast %parallel_loop3A_675 : vector<16xf32> to vector<16xf32>
          %parallel_loop3A_677 = arith.maximumf %parallel_loop3A_634, %parallel_loop3A_676 : vector<16xf32>
          %parallel_loop3A_678 = arith.constant 112 : i32
          %parallel_loop3A_679 = arith.addi %parallel_loop3A_627, %parallel_loop3A_678 : i32
          %parallel_loop3A_680 = arith.index_cast %parallel_loop3A_679 : i32 to index
          %parallel_loop3A_681 = tpu.vector_load %arg7[%parallel_loop3A_680] {strides = array<i32>} : memref<32768xf32, #tpu.memory_space<vmem>>, vector<16xf32>,
          %parallel_loop3A_682 = vector.shape_cast %parallel_loop3A_681 : vector<16xf32> to vector<16xf32>
          %parallel_loop3A_683 = arith.maximumf %parallel_loop3A_635, %parallel_loop3A_682 : vector<16xf32>
          scf.yield %parallel_loop3A_641, %parallel_loop3A_647, %parallel_loop3A_653, %parallel_loop3A_659, %parallel_loop3A_665, %parallel_loop3A_671, %parallel_loop3A_677, %parallel_loop3A_683 : vector<16xf32>, vector<16xf32>, vector<16xf32>, vector<16xf32>, vector<16xf32>, vector<16xf32>, vector<16xf32>, vector<16xf32>
        } {sc.loop_unroll_factor = 8 : i64, sc.parallel_access}
        %get3A_557 = arith.index_cast %while3A_532 : i32 to index
        %get3A_558 = tpu.vector_load %arg6[%get3A_557] {strides = array<i32>} : memref<344xi32, #tpu.memory_space<vmem>>, vector<16xi32>,
        %get3A_559 = vector.shape_cast %get3A_558 : vector<16xi32> to vector<16xi32>
        %slice3A_560 = vector.extract_strided_slice %get3A_559 {offsets = [0], sizes = [1], strides = [1]} : vector<16xi32> to vector<1xi32>
        %squeeze3A_561 = vector.extract %slice3A_560[0] : i32 from vector<1xi32>
        %lt3A_562 = arith.cmpi slt, %squeeze3A_561, %squeeze3A_548 : i32
        %broadcast_in_dim3A_563 = arith.constant 0.000000e+00 : f32
        %broadcast_in_dim3A_564 = vector.broadcast %broadcast_in_dim3A_563 : f32 to vector<16xf32>
        %select_n3A_565 = arith.select %lt3A_562, %parallel_loop3A_556#0, %broadcast_in_dim3A_564 : vector<16xf32>
        %swap3A_566 = arith.index_cast %while3A_532 : i32 to index
        %swap3A_567 = arith.constant 0 : index
        %swap3A_568 = tpu.vector_load %arg9[%swap3A_566, %swap3A_567] {strides = array<i32>} : memref<320x128xf32, #tpu.memory_space<vmem>>, vector<1x16xf32>,
        %swap3A_569 = vector.shape_cast %swap3A_568 : vector<1x16xf32> to vector<16xf32>
        %swap3A_570 = vector.shape_cast %select_n3A_565 : vector<16xf32> to vector<1x16xf32>
        tpu.vector_store %arg9[%swap3A_566, %swap3A_567], %swap3A_570 {strides = array<i32>} : memref<320x128xf32, #tpu.memory_space<vmem>>, vector<1x16xf32>,
        %broadcast_in_dim3A_571 = arith.constant 0.000000e+00 : f32
        %broadcast_in_dim3A_572 = vector.broadcast %broadcast_in_dim3A_571 : f32 to vector<16xf32>
        %select_n3A_573 = arith.select %lt3A_562, %parallel_loop3A_556#1, %broadcast_in_dim3A_572 : vector<16xf32>
        %swap3A_574 = arith.index_cast %while3A_532 : i32 to index
        %swap3A_575 = arith.constant 16 : index
        %swap3A_576 = tpu.vector_load %arg9[%swap3A_574, %swap3A_575] {strides = array<i32>} : memref<320x128xf32, #tpu.memory_space<vmem>>, vector<1x16xf32>,
        %swap3A_577 = vector.shape_cast %swap3A_576 : vector<1x16xf32> to vector<16xf32>
        %swap3A_578 = vector.shape_cast %select_n3A_573 : vector<16xf32> to vector<1x16xf32>
        tpu.vector_store %arg9[%swap3A_574, %swap3A_575], %swap3A_578 {strides = array<i32>} : memref<320x128xf32, #tpu.memory_space<vmem>>, vector<1x16xf32>,
        %broadcast_in_dim3A_579 = arith.constant 0.000000e+00 : f32
        %broadcast_in_dim3A_580 = vector.broadcast %broadcast_in_dim3A_579 : f32 to vector<16xf32>
        %select_n3A_581 = arith.select %lt3A_562, %parallel_loop3A_556#2, %broadcast_in_dim3A_580 : vector<16xf32>
        %swap3A_582 = arith.index_cast %while3A_532 : i32 to index
        %swap3A_583 = arith.constant 32 : index
        %swap3A_584 = tpu.vector_load %arg9[%swap3A_582, %swap3A_583] {strides = array<i32>} : memref<320x128xf32, #tpu.memory_space<vmem>>, vector<1x16xf32>,
        %swap3A_585 = vector.shape_cast %swap3A_584 : vector<1x16xf32> to vector<16xf32>
        %swap3A_586 = vector.shape_cast %select_n3A_581 : vector<16xf32> to vector<1x16xf32>
        tpu.vector_store %arg9[%swap3A_582, %swap3A_583], %swap3A_586 {strides = array<i32>} : memref<320x128xf32, #tpu.memory_space<vmem>>, vector<1x16xf32>,
        %broadcast_in_dim3A_587 = arith.constant 0.000000e+00 : f32
        %broadcast_in_dim3A_588 = vector.broadcast %broadcast_in_dim3A_587 : f32 to vector<16xf32>
        %select_n3A_589 = arith.select %lt3A_562, %parallel_loop3A_556#3, %broadcast_in_dim3A_588 : vector<16xf32>
        %swap3A_590 = arith.index_cast %while3A_532 : i32 to index
        %swap3A_591 = arith.constant 48 : index
        %swap3A_592 = tpu.vector_load %arg9[%swap3A_590, %swap3A_591] {strides = array<i32>} : memref<320x128xf32, #tpu.memory_space<vmem>>, vector<1x16xf32>,
        %swap3A_593 = vector.shape_cast %swap3A_592 : vector<1x16xf32> to vector<16xf32>
        %swap3A_594 = vector.shape_cast %select_n3A_589 : vector<16xf32> to vector<1x16xf32>
        tpu.vector_store %arg9[%swap3A_590, %swap3A_591], %swap3A_594 {strides = array<i32>} : memref<320x128xf32, #tpu.memory_space<vmem>>, vector<1x16xf32>,
        %broadcast_in_dim3A_595 = arith.constant 0.000000e+00 : f32
        %broadcast_in_dim3A_596 = vector.broadcast %broadcast_in_dim3A_595 : f32 to vector<16xf32>
        %select_n3A_597 = arith.select %lt3A_562, %parallel_loop3A_556#4, %broadcast_in_dim3A_596 : vector<16xf32>
        %swap3A_598 = arith.index_cast %while3A_532 : i32 to index
        %swap3A_599 = arith.constant 64 : index
        %swap3A_600 = tpu.vector_load %arg9[%swap3A_598, %swap3A_599] {strides = array<i32>} : memref<320x128xf32, #tpu.memory_space<vmem>>, vector<1x16xf32>,
        %swap3A_601 = vector.shape_cast %swap3A_600 : vector<1x16xf32> to vector<16xf32>
        %swap3A_602 = vector.shape_cast %select_n3A_597 : vector<16xf32> to vector<1x16xf32>
        tpu.vector_store %arg9[%swap3A_598, %swap3A_599], %swap3A_602 {strides = array<i32>} : memref<320x128xf32, #tpu.memory_space<vmem>>, vector<1x16xf32>,
        %broadcast_in_dim3A_603 = arith.constant 0.000000e+00 : f32
        %broadcast_in_dim3A_604 = vector.broadcast %broadcast_in_dim3A_603 : f32 to vector<16xf32>
        %select_n3A_605 = arith.select %lt3A_562, %parallel_loop3A_556#5, %broadcast_in_dim3A_604 : vector<16xf32>
        %swap3A_606 = arith.index_cast %while3A_532 : i32 to index
        %swap3A_607 = arith.constant 80 : index
        %swap3A_608 = tpu.vector_load %arg9[%swap3A_606, %swap3A_607] {strides = array<i32>} : memref<320x128xf32, #tpu.memory_space<vmem>>, vector<1x16xf32>,
        %swap3A_609 = vector.shape_cast %swap3A_608 : vector<1x16xf32> to vector<16xf32>
        %swap3A_610 = vector.shape_cast %select_n3A_605 : vector<16xf32> to vector<1x16xf32>
        tpu.vector_store %arg9[%swap3A_606, %swap3A_607], %swap3A_610 {strides = array<i32>} : memref<320x128xf32, #tpu.memory_space<vmem>>, vector<1x16xf32>,
        %broadcast_in_dim3A_611 = arith.constant 0.000000e+00 : f32
        %broadcast_in_dim3A_612 = vector.broadcast %broadcast_in_dim3A_611 : f32 to vector<16xf32>
        %select_n3A_613 = arith.select %lt3A_562, %parallel_loop3A_556#6, %broadcast_in_dim3A_612 : vector<16xf32>
        %swap3A_614 = arith.index_cast %while3A_532 : i32 to index
        %swap3A_615 = arith.constant 96 : index
        %swap3A_616 = tpu.vector_load %arg9[%swap3A_614, %swap3A_615] {strides = array<i32>} : memref<320x128xf32, #tpu.memory_space<vmem>>, vector<1x16xf32>,
        %swap3A_617 = vector.shape_cast %swap3A_616 : vector<1x16xf32> to vector<16xf32>
        %swap3A_618 = vector.shape_cast %select_n3A_613 : vector<16xf32> to vector<1x16xf32>
        tpu.vector_store %arg9[%swap3A_614, %swap3A_615], %swap3A_618 {strides = array<i32>} : memref<320x128xf32, #tpu.memory_space<vmem>>, vector<1x16xf32>,
        %broadcast_in_dim3A_619 = arith.constant 0.000000e+00 : f32
        %broadcast_in_dim3A_620 = vector.broadcast %broadcast_in_dim3A_619 : f32 to vector<16xf32>
        %select_n3A_621 = arith.select %lt3A_562, %parallel_loop3A_556#7, %broadcast_in_dim3A_620 : vector<16xf32>
        %swap3A_622 = arith.index_cast %while3A_532 : i32 to index
        %swap3A_623 = arith.constant 112 : index
        %swap3A_624 = tpu.vector_load %arg9[%swap3A_622, %swap3A_623] {strides = array<i32>} : memref<320x128xf32, #tpu.memory_space<vmem>>, vector<1x16xf32>,
        %swap3A_625 = vector.shape_cast %swap3A_624 : vector<1x16xf32> to vector<16xf32>
        %swap3A_626 = vector.shape_cast %select_n3A_621 : vector<16xf32> to vector<1x16xf32>
        tpu.vector_store %arg9[%swap3A_622, %swap3A_623], %swap3A_626 {strides = array<i32>} : memref<320x128xf32, #tpu.memory_space<vmem>>, vector<1x16xf32>,
        scf.yield %squeeze3A_548, %broadcast_in_dim3A_56, %broadcast_in_dim3A_56, %broadcast_in_dim3A_56, %broadcast_in_dim3A_56, %broadcast_in_dim3A_56, %broadcast_in_dim3A_56, %broadcast_in_dim3A_56, %broadcast_in_dim3A_56 : i32, vector<16xf32>, vector<16xf32>, vector<16xf32>, vector<16xf32>, vector<16xf32>, vector<16xf32>, vector<16xf32>, vector<16xf32>
      }
      %sub3A_472 = arith.subi %while3A_471#0, %min3A_454 : i32
      %mul3A_473 = arith.constant 128 : i32
      %mul3A_474 = arith.muli %sub3A_472, %mul3A_473 : i32
      %sub3A_475 = arith.subi %min3A_452, %min3A_454 : i32
      %mul3A_476 = arith.constant 128 : i32
      %mul3A_477 = arith.muli %sub3A_475, %mul3A_476 : i32
      %parallel_loop3A = arith.constant 128 : i32
      %parallel_loop3A_478:8 = scf.for %parallel_loop3A_532 = %mul3A_474 to %mul3A_477 step %parallel_loop3A iter_args(%parallel_loop3A_533 = %while3A_471#1, %parallel_loop3A_534 = %while3A_471#2, %parallel_loop3A_535 = %while3A_471#3, %parallel_loop3A_536 = %while3A_471#4, %parallel_loop3A_537 = %while3A_471#5, %parallel_loop3A_538 = %while3A_471#6, %parallel_loop3A_539 = %while3A_471#7, %parallel_loop3A_540 = %while3A_471#8) -> (vector<16xf32>, vector<16xf32>, vector<16xf32>, vector<16xf32>, vector<16xf32>, vector<16xf32>, vector<16xf32>, vector<16xf32>)  : i32 {
        %parallel_loop3A_541 = arith.constant 0 : i32
        %parallel_loop3A_542 = arith.addi %parallel_loop3A_532, %parallel_loop3A_541 : i32
        %parallel_loop3A_543 = arith.index_cast %parallel_loop3A_542 : i32 to index
        %parallel_loop3A_544 = tpu.vector_load %arg7[%parallel_loop3A_543] {strides = array<i32>} : memref<32768xf32, #tpu.memory_space<vmem>>, vector<16xf32>,
        %parallel_loop3A_545 = vector.shape_cast %parallel_loop3A_544 : vector<16xf32> to vector<16xf32>
        %parallel_loop3A_546 = arith.maximumf %parallel_loop3A_533, %parallel_loop3A_545 : vector<16xf32>
        %parallel_loop3A_547 = arith.constant 16 : i32
        %parallel_loop3A_548 = arith.addi %parallel_loop3A_532, %parallel_loop3A_547 : i32
        %parallel_loop3A_549 = arith.index_cast %parallel_loop3A_548 : i32 to index
        %parallel_loop3A_550 = tpu.vector_load %arg7[%parallel_loop3A_549] {strides = array<i32>} : memref<32768xf32, #tpu.memory_space<vmem>>, vector<16xf32>,
        %parallel_loop3A_551 = vector.shape_cast %parallel_loop3A_550 : vector<16xf32> to vector<16xf32>
        %parallel_loop3A_552 = arith.maximumf %parallel_loop3A_534, %parallel_loop3A_551 : vector<16xf32>
        %parallel_loop3A_553 = arith.constant 32 : i32
        %parallel_loop3A_554 = arith.addi %parallel_loop3A_532, %parallel_loop3A_553 : i32
        %parallel_loop3A_555 = arith.index_cast %parallel_loop3A_554 : i32 to index
        %parallel_loop3A_556 = tpu.vector_load %arg7[%parallel_loop3A_555] {strides = array<i32>} : memref<32768xf32, #tpu.memory_space<vmem>>, vector<16xf32>,
        %parallel_loop3A_557 = vector.shape_cast %parallel_loop3A_556 : vector<16xf32> to vector<16xf32>
        %parallel_loop3A_558 = arith.maximumf %parallel_loop3A_535, %parallel_loop3A_557 : vector<16xf32>
        %parallel_loop3A_559 = arith.constant 48 : i32
        %parallel_loop3A_560 = arith.addi %parallel_loop3A_532, %parallel_loop3A_559 : i32
        %parallel_loop3A_561 = arith.index_cast %parallel_loop3A_560 : i32 to index
        %parallel_loop3A_562 = tpu.vector_load %arg7[%parallel_loop3A_561] {strides = array<i32>} : memref<32768xf32, #tpu.memory_space<vmem>>, vector<16xf32>,
        %parallel_loop3A_563 = vector.shape_cast %parallel_loop3A_562 : vector<16xf32> to vector<16xf32>
        %parallel_loop3A_564 = arith.maximumf %parallel_loop3A_536, %parallel_loop3A_563 : vector<16xf32>
        %parallel_loop3A_565 = arith.constant 64 : i32
        %parallel_loop3A_566 = arith.addi %parallel_loop3A_532, %parallel_loop3A_565 : i32
        %parallel_loop3A_567 = arith.index_cast %parallel_loop3A_566 : i32 to index
        %parallel_loop3A_568 = tpu.vector_load %arg7[%parallel_loop3A_567] {strides = array<i32>} : memref<32768xf32, #tpu.memory_space<vmem>>, vector<16xf32>,
        %parallel_loop3A_569 = vector.shape_cast %parallel_loop3A_568 : vector<16xf32> to vector<16xf32>
        %parallel_loop3A_570 = arith.maximumf %parallel_loop3A_537, %parallel_loop3A_569 : vector<16xf32>
        %parallel_loop3A_571 = arith.constant 80 : i32
        %parallel_loop3A_572 = arith.addi %parallel_loop3A_532, %parallel_loop3A_571 : i32
        %parallel_loop3A_573 = arith.index_cast %parallel_loop3A_572 : i32 to index
        %parallel_loop3A_574 = tpu.vector_load %arg7[%parallel_loop3A_573] {strides = array<i32>} : memref<32768xf32, #tpu.memory_space<vmem>>, vector<16xf32>,
        %parallel_loop3A_575 = vector.shape_cast %parallel_loop3A_574 : vector<16xf32> to vector<16xf32>
        %parallel_loop3A_576 = arith.maximumf %parallel_loop3A_538, %parallel_loop3A_575 : vector<16xf32>
        %parallel_loop3A_577 = arith.constant 96 : i32
        %parallel_loop3A_578 = arith.addi %parallel_loop3A_532, %parallel_loop3A_577 : i32
        %parallel_loop3A_579 = arith.index_cast %parallel_loop3A_578 : i32 to index
        %parallel_loop3A_580 = tpu.vector_load %arg7[%parallel_loop3A_579] {strides = array<i32>} : memref<32768xf32, #tpu.memory_space<vmem>>, vector<16xf32>,
        %parallel_loop3A_581 = vector.shape_cast %parallel_loop3A_580 : vector<16xf32> to vector<16xf32>
        %parallel_loop3A_582 = arith.maximumf %parallel_loop3A_539, %parallel_loop3A_581 : vector<16xf32>
        %parallel_loop3A_583 = arith.constant 112 : i32
        %parallel_loop3A_584 = arith.addi %parallel_loop3A_532, %parallel_loop3A_583 : i32
        %parallel_loop3A_585 = arith.index_cast %parallel_loop3A_584 : i32 to index
        %parallel_loop3A_586 = tpu.vector_load %arg7[%parallel_loop3A_585] {strides = array<i32>} : memref<32768xf32, #tpu.memory_space<vmem>>, vector<16xf32>,
        %parallel_loop3A_587 = vector.shape_cast %parallel_loop3A_586 : vector<16xf32> to vector<16xf32>
        %parallel_loop3A_588 = arith.maximumf %parallel_loop3A_540, %parallel_loop3A_587 : vector<16xf32>
        scf.yield %parallel_loop3A_546, %parallel_loop3A_552, %parallel_loop3A_558, %parallel_loop3A_564, %parallel_loop3A_570, %parallel_loop3A_576, %parallel_loop3A_582, %parallel_loop3A_588 : vector<16xf32>, vector<16xf32>, vector<16xf32>, vector<16xf32>, vector<16xf32>, vector<16xf32>, vector<16xf32>, vector<16xf32>
      } {sc.loop_unroll_factor = 8 : i64, sc.parallel_access}
      %add3A_479 = arith.constant 2 : i32
      %add3A_480 = arith.addi %add3A_443, %add3A_479 : i32
      %lt3A_481 = arith.cmpi slt, %add3A_480, %select_n3A_55 : i32
      %convert_element_type3A_482 = arith.extui %lt3A_481 : i1 to i32
      %cond3A_483 = arith.constant 0 : i32
      %cond3A_484 = arith.cmpi ne, %convert_element_type3A_482, %cond3A_483 : i32
      scf.if %cond3A_484 {
        %mul3A_532 = arith.constant 256 : i32
        %mul3A_533 = arith.muli %add3A_480, %mul3A_532 : i32
        %add3A_534 = arith.addi %mul3A_28, %mul3A_533 : i32
        %min3A_535 = arith.constant 319744 : i32
        %min3A_536 = arith.minsi %add3A_534, %min3A_535 : i32
        %mul3A_537 = arith.constant 128 : i32
        %mul3A_538 = arith.muli %min3A_536, %mul3A_537 : i32
        %dma_start3A = tpu.memref_slice %arg2[%mul3A_538] : memref<40960000xf32, #tpu.memory_space<hbm>> -> memref<32768xf32, #tpu.memory_space<hbm>>
        %dma_start3A_539 = tpu.memref_slice %arg2[%mul3A_538] : memref<40960000xf32, #tpu.memory_space<hbm>> -> memref<32768xf32, #tpu.memory_space<hbm>>
        tpu.enqueue_dma source(%dma_start3A_539 : memref<32768xf32, #tpu.memory_space<hbm>>) target(%arg7 : memref<32768xf32, #tpu.memory_space<vmem>>) target_semaphore(%arg11 : memref<!tpu.dma_semaphore, #tpu.memory_space<semaphore_mem>>)
      } else {
      }
      %add3A_485 = arith.constant 1 : i32
      %add3A_486 = arith.addi %mul3A_441, %add3A_485 : i32
      %lt3A_487 = arith.cmpi slt, %add3A_486, %select_n3A_55 : i32
      %convert_element_type3A_488 = arith.extui %lt3A_487 : i1 to i32
      %cond3A_489 = arith.constant 0 : i32
      %cond3A_490 = arith.cmpi ne, %convert_element_type3A_488, %cond3A_489 : i32
      scf.if %cond3A_490 {
        %dma_wait3A = arith.constant 0 : i32
        %dma_wait3A_532 = tpu.memref_slice %arg2[%dma_wait3A] : memref<40960000xf32, #tpu.memory_space<hbm>> -> memref<32768xf32, #tpu.memory_space<hbm>>
        %dma_wait3A_533 = arith.constant 0 : i32
        %dma_wait3A_534 = tpu.memref_slice %arg2[%dma_wait3A_533] : memref<40960000xf32, #tpu.memory_space<hbm>> -> memref<32768xf32, #tpu.memory_space<hbm>>
        tpu.wait_dma2 semaphore(%arg12 : memref<!tpu.dma_semaphore, #tpu.memory_space<semaphore_mem>>) src(%dma_wait3A_534 : memref<32768xf32, #tpu.memory_space<hbm>>) dst(%arg8 : memref<32768xf32, #tpu.memory_space<vmem>>)
      } else {
      }
      %mul3A_491 = arith.constant 256 : i32
      %mul3A_492 = arith.muli %add3A_486, %mul3A_491 : i32
      %add3A_493 = arith.addi %mul3A_28, %mul3A_492 : i32
      %max3A_494 = arith.maxsi %add3A_493, %squeeze3A : i32
      %add3A_495 = arith.constant 256 : i32
      %add3A_496 = arith.addi %add3A_493, %add3A_495 : i32
      %min3A_497 = arith.minsi %add3A_496, %squeeze3A_10 : i32
      %min3A_498 = arith.constant 319744 : i32
      %min3A_499 = arith.minsi %add3A_493, %min3A_498 : i32
      %scan3A_500 = arith.constant 0 : i32
      %scan3A_501 = arith.constant 320 : i32
      %scan3A_502 = arith.constant 0 : i32
      %scan3A_503 = arith.constant 9 : i32
      %scan3A_504 = arith.addi %scan3A_502, %scan3A_503 : i32
      %scan3A_505 = arith.constant 1 : i32
      %scan3A_506:2 = scf.for %scan3A_532 = %scan3A_502 to %scan3A_504 step %scan3A_505 iter_args(%scan3A_533 = %scan3A_500, %scan3A_534 = %scan3A_501) -> (i32, i32)  : i32 {
        %add3A_535 = arith.addi %scan3A_533, %scan3A_534 : i32
        %jit3A_536 = arith.constant 2 : i32
        %div3A_537 = arith.divsi %add3A_535, %jit3A_536 : i32
        %sign3A_538 = arith.constant 0 : i32
        %sign3A_539 = arith.cmpi sgt, %add3A_535, %sign3A_538 : i32
        %sign3A_540 = arith.extui %sign3A_539 : i1 to i32
        %sign3A_541 = arith.constant 0 : i32
        %sign3A_542 = arith.cmpi slt, %add3A_535, %sign3A_541 : i32
        %sign3A_543 = arith.extui %sign3A_542 : i1 to i32
        %sign3A_544 = arith.subi %sign3A_540, %sign3A_543 : i32
        %sign3A_545 = arith.constant 0 : i32
        %sign3A_546 = arith.cmpi sgt, %jit3A_536, %sign3A_545 : i32
        %sign3A_547 = arith.extui %sign3A_546 : i1 to i32
        %sign3A_548 = arith.constant 0 : i32
        %sign3A_549 = arith.cmpi slt, %jit3A_536, %sign3A_548 : i32
        %sign3A_550 = arith.extui %sign3A_549 : i1 to i32
        %sign3A_551 = arith.subi %sign3A_547, %sign3A_550 : i32
        %ne3A_552 = arith.cmpi ne, %sign3A_544, %sign3A_551 : i32
        %rem3A_553 = arith.remsi %add3A_535, %jit3A_536 : i32
        %ne3A_554 = arith.constant 0 : i32
        %ne3A_555 = arith.cmpi ne, %rem3A_553, %ne3A_554 : i32
        %and3A_556 = arith.andi %ne3A_552, %ne3A_555 : i1
        %sub3A_557 = arith.constant 1 : i32
        %sub3A_558 = arith.subi %div3A_537, %sub3A_557 : i32
        %select_n3A_559 = arith.select %and3A_556, %sub3A_558, %div3A_537 : i32
        %lt3A_560 = arith.cmpi slt, %scan3A_533, %scan3A_534 : i32
        %add3A_561 = arith.constant 1 : i32
        %add3A_562 = arith.addi %select_n3A_559, %add3A_561 : i32
        %get3A_563 = arith.index_cast %add3A_562 : i32 to index
        %get3A_564 = tpu.vector_load %arg6[%get3A_563] {strides = array<i32>} : memref<344xi32, #tpu.memory_space<vmem>>, vector<16xi32>,
        %get3A_565 = vector.shape_cast %get3A_564 : vector<16xi32> to vector<16xi32>
        %slice3A_566 = vector.extract_strided_slice %get3A_565 {offsets = [0], sizes = [1], strides = [1]} : vector<16xi32> to vector<1xi32>
        %squeeze3A_567 = vector.extract %slice3A_566[0] : i32 from vector<1xi32>
        %le3A = arith.cmpi sle, %squeeze3A_567, %min3A_497 : i32
        %and3A_568 = arith.andi %lt3A_560, %le3A : i1
        %add3A_569 = arith.constant 1 : i32
        %add3A_570 = arith.addi %select_n3A_559, %add3A_569 : i32
        %select_n3A_571 = arith.select %and3A_568, %add3A_570, %scan3A_533 : i32
        %not3A = arith.constant true
        %not3A_572 = arith.xori %and3A_568, %not3A : i1
        %and3A_573 = arith.andi %lt3A_560, %not3A_572 : i1
        %select_n3A_574 = arith.select %and3A_573, %select_n3A_559, %scan3A_534 : i32
        scf.yield %select_n3A_571, %select_n3A_574 : i32, i32
      }
      %scan3A_507 = arith.constant 9 : i32
      %while3A_508 = arith.subi %scan3A_506#0, %scan3A_460#0 : i32
      %while3A_509 = arith.addi %scan3A_460#0, %while3A_508 : i32
      %while3A_510 = arith.constant 1 : i32
      %while3A_511 = arith.divsi %while3A_508, %while3A_510 : i32
      %while3A_512 = arith.muli %while3A_511, %while3A_510 : i32
      %while3A_513 = arith.addi %scan3A_460#0, %while3A_512 : i32
      %while3A_514 = arith.constant 1 : i32
      %while3A_515:9 = scf.for %while3A_532 = %scan3A_460#0 to %while3A_513 step %while3A_514 iter_args(%while3A_533 = %max3A_494, %while3A_534 = %parallel_loop3A_478#0, %while3A_535 = %parallel_loop3A_478#1, %while3A_536 = %parallel_loop3A_478#2, %while3A_537 = %parallel_loop3A_478#3, %while3A_538 = %parallel_loop3A_478#4, %while3A_539 = %parallel_loop3A_478#5, %while3A_540 = %parallel_loop3A_478#6, %while3A_541 = %parallel_loop3A_478#7) -> (i32, vector<16xf32>, vector<16xf32>, vector<16xf32>, vector<16xf32>, vector<16xf32>, vector<16xf32>, vector<16xf32>, vector<16xf32>)  : i32 {
        %add3A_542 = arith.constant 1 : i32
        %add3A_543 = arith.addi %while3A_532, %add3A_542 : i32
        %get3A_544 = arith.index_cast %add3A_543 : i32 to index
        %get3A_545 = tpu.vector_load %arg6[%get3A_544] {strides = array<i32>} : memref<344xi32, #tpu.memory_space<vmem>>, vector<16xi32>,
        %get3A_546 = vector.shape_cast %get3A_545 : vector<16xi32> to vector<16xi32>
        %slice3A_547 = vector.extract_strided_slice %get3A_546 {offsets = [0], sizes = [1], strides = [1]} : vector<16xi32> to vector<1xi32>
        %squeeze3A_548 = vector.extract %slice3A_547[0] : i32 from vector<1xi32>
        %sub3A_549 = arith.subi %while3A_533, %min3A_499 : i32
        %mul3A_550 = arith.constant 128 : i32
        %mul3A_551 = arith.muli %sub3A_549, %mul3A_550 : i32
        %sub3A_552 = arith.subi %squeeze3A_548, %min3A_499 : i32
        %mul3A_553 = arith.constant 128 : i32
        %mul3A_554 = arith.muli %sub3A_552, %mul3A_553 : i32
        %parallel_loop3A_555 = arith.constant 128 : i32
        %parallel_loop3A_556:8 = scf.for %parallel_loop3A_627 = %mul3A_551 to %mul3A_554 step %parallel_loop3A_555 iter_args(%parallel_loop3A_628 = %while3A_534, %parallel_loop3A_629 = %while3A_535, %parallel_loop3A_630 = %while3A_536, %parallel_loop3A_631 = %while3A_537, %parallel_loop3A_632 = %while3A_538, %parallel_loop3A_633 = %while3A_539, %parallel_loop3A_634 = %while3A_540, %parallel_loop3A_635 = %while3A_541) -> (vector<16xf32>, vector<16xf32>, vector<16xf32>, vector<16xf32>, vector<16xf32>, vector<16xf32>, vector<16xf32>, vector<16xf32>)  : i32 {
          %parallel_loop3A_636 = arith.constant 0 : i32
          %parallel_loop3A_637 = arith.addi %parallel_loop3A_627, %parallel_loop3A_636 : i32
          %parallel_loop3A_638 = arith.index_cast %parallel_loop3A_637 : i32 to index
          %parallel_loop3A_639 = tpu.vector_load %arg8[%parallel_loop3A_638] {strides = array<i32>} : memref<32768xf32, #tpu.memory_space<vmem>>, vector<16xf32>,
          %parallel_loop3A_640 = vector.shape_cast %parallel_loop3A_639 : vector<16xf32> to vector<16xf32>
          %parallel_loop3A_641 = arith.maximumf %parallel_loop3A_628, %parallel_loop3A_640 : vector<16xf32>
          %parallel_loop3A_642 = arith.constant 16 : i32
          %parallel_loop3A_643 = arith.addi %parallel_loop3A_627, %parallel_loop3A_642 : i32
          %parallel_loop3A_644 = arith.index_cast %parallel_loop3A_643 : i32 to index
          %parallel_loop3A_645 = tpu.vector_load %arg8[%parallel_loop3A_644] {strides = array<i32>} : memref<32768xf32, #tpu.memory_space<vmem>>, vector<16xf32>,
          %parallel_loop3A_646 = vector.shape_cast %parallel_loop3A_645 : vector<16xf32> to vector<16xf32>
          %parallel_loop3A_647 = arith.maximumf %parallel_loop3A_629, %parallel_loop3A_646 : vector<16xf32>
          %parallel_loop3A_648 = arith.constant 32 : i32
          %parallel_loop3A_649 = arith.addi %parallel_loop3A_627, %parallel_loop3A_648 : i32
          %parallel_loop3A_650 = arith.index_cast %parallel_loop3A_649 : i32 to index
          %parallel_loop3A_651 = tpu.vector_load %arg8[%parallel_loop3A_650] {strides = array<i32>} : memref<32768xf32, #tpu.memory_space<vmem>>, vector<16xf32>,
          %parallel_loop3A_652 = vector.shape_cast %parallel_loop3A_651 : vector<16xf32> to vector<16xf32>
          %parallel_loop3A_653 = arith.maximumf %parallel_loop3A_630, %parallel_loop3A_652 : vector<16xf32>
          %parallel_loop3A_654 = arith.constant 48 : i32
          %parallel_loop3A_655 = arith.addi %parallel_loop3A_627, %parallel_loop3A_654 : i32
          %parallel_loop3A_656 = arith.index_cast %parallel_loop3A_655 : i32 to index
          %parallel_loop3A_657 = tpu.vector_load %arg8[%parallel_loop3A_656] {strides = array<i32>} : memref<32768xf32, #tpu.memory_space<vmem>>, vector<16xf32>,
          %parallel_loop3A_658 = vector.shape_cast %parallel_loop3A_657 : vector<16xf32> to vector<16xf32>
          %parallel_loop3A_659 = arith.maximumf %parallel_loop3A_631, %parallel_loop3A_658 : vector<16xf32>
          %parallel_loop3A_660 = arith.constant 64 : i32
          %parallel_loop3A_661 = arith.addi %parallel_loop3A_627, %parallel_loop3A_660 : i32
          %parallel_loop3A_662 = arith.index_cast %parallel_loop3A_661 : i32 to index
          %parallel_loop3A_663 = tpu.vector_load %arg8[%parallel_loop3A_662] {strides = array<i32>} : memref<32768xf32, #tpu.memory_space<vmem>>, vector<16xf32>,
          %parallel_loop3A_664 = vector.shape_cast %parallel_loop3A_663 : vector<16xf32> to vector<16xf32>
          %parallel_loop3A_665 = arith.maximumf %parallel_loop3A_632, %parallel_loop3A_664 : vector<16xf32>
          %parallel_loop3A_666 = arith.constant 80 : i32
          %parallel_loop3A_667 = arith.addi %parallel_loop3A_627, %parallel_loop3A_666 : i32
          %parallel_loop3A_668 = arith.index_cast %parallel_loop3A_667 : i32 to index
          %parallel_loop3A_669 = tpu.vector_load %arg8[%parallel_loop3A_668] {strides = array<i32>} : memref<32768xf32, #tpu.memory_space<vmem>>, vector<16xf32>,
          %parallel_loop3A_670 = vector.shape_cast %parallel_loop3A_669 : vector<16xf32> to vector<16xf32>
          %parallel_loop3A_671 = arith.maximumf %parallel_loop3A_633, %parallel_loop3A_670 : vector<16xf32>
          %parallel_loop3A_672 = arith.constant 96 : i32
          %parallel_loop3A_673 = arith.addi %parallel_loop3A_627, %parallel_loop3A_672 : i32
          %parallel_loop3A_674 = arith.index_cast %parallel_loop3A_673 : i32 to index
          %parallel_loop3A_675 = tpu.vector_load %arg8[%parallel_loop3A_674] {strides = array<i32>} : memref<32768xf32, #tpu.memory_space<vmem>>, vector<16xf32>,
          %parallel_loop3A_676 = vector.shape_cast %parallel_loop3A_675 : vector<16xf32> to vector<16xf32>
          %parallel_loop3A_677 = arith.maximumf %parallel_loop3A_634, %parallel_loop3A_676 : vector<16xf32>
          %parallel_loop3A_678 = arith.constant 112 : i32
          %parallel_loop3A_679 = arith.addi %parallel_loop3A_627, %parallel_loop3A_678 : i32
          %parallel_loop3A_680 = arith.index_cast %parallel_loop3A_679 : i32 to index
          %parallel_loop3A_681 = tpu.vector_load %arg8[%parallel_loop3A_680] {strides = array<i32>} : memref<32768xf32, #tpu.memory_space<vmem>>, vector<16xf32>,
          %parallel_loop3A_682 = vector.shape_cast %parallel_loop3A_681 : vector<16xf32> to vector<16xf32>
          %parallel_loop3A_683 = arith.maximumf %parallel_loop3A_635, %parallel_loop3A_682 : vector<16xf32>
          scf.yield %parallel_loop3A_641, %parallel_loop3A_647, %parallel_loop3A_653, %parallel_loop3A_659, %parallel_loop3A_665, %parallel_loop3A_671, %parallel_loop3A_677, %parallel_loop3A_683 : vector<16xf32>, vector<16xf32>, vector<16xf32>, vector<16xf32>, vector<16xf32>, vector<16xf32>, vector<16xf32>, vector<16xf32>
        } {sc.loop_unroll_factor = 8 : i64, sc.parallel_access}
        %get3A_557 = arith.index_cast %while3A_532 : i32 to index
        %get3A_558 = tpu.vector_load %arg6[%get3A_557] {strides = array<i32>} : memref<344xi32, #tpu.memory_space<vmem>>, vector<16xi32>,
        %get3A_559 = vector.shape_cast %get3A_558 : vector<16xi32> to vector<16xi32>
        %slice3A_560 = vector.extract_strided_slice %get3A_559 {offsets = [0], sizes = [1], strides = [1]} : vector<16xi32> to vector<1xi32>
        %squeeze3A_561 = vector.extract %slice3A_560[0] : i32 from vector<1xi32>
        %lt3A_562 = arith.cmpi slt, %squeeze3A_561, %squeeze3A_548 : i32
        %broadcast_in_dim3A_563 = arith.constant 0.000000e+00 : f32
        %broadcast_in_dim3A_564 = vector.broadcast %broadcast_in_dim3A_563 : f32 to vector<16xf32>
        %select_n3A_565 = arith.select %lt3A_562, %parallel_loop3A_556#0, %broadcast_in_dim3A_564 : vector<16xf32>
        %swap3A_566 = arith.index_cast %while3A_532 : i32 to index
        %swap3A_567 = arith.constant 0 : index
        %swap3A_568 = tpu.vector_load %arg9[%swap3A_566, %swap3A_567] {strides = array<i32>} : memref<320x128xf32, #tpu.memory_space<vmem>>, vector<1x16xf32>,
        %swap3A_569 = vector.shape_cast %swap3A_568 : vector<1x16xf32> to vector<16xf32>
        %swap3A_570 = vector.shape_cast %select_n3A_565 : vector<16xf32> to vector<1x16xf32>
        tpu.vector_store %arg9[%swap3A_566, %swap3A_567], %swap3A_570 {strides = array<i32>} : memref<320x128xf32, #tpu.memory_space<vmem>>, vector<1x16xf32>,
        %broadcast_in_dim3A_571 = arith.constant 0.000000e+00 : f32
        %broadcast_in_dim3A_572 = vector.broadcast %broadcast_in_dim3A_571 : f32 to vector<16xf32>
        %select_n3A_573 = arith.select %lt3A_562, %parallel_loop3A_556#1, %broadcast_in_dim3A_572 : vector<16xf32>
        %swap3A_574 = arith.index_cast %while3A_532 : i32 to index
        %swap3A_575 = arith.constant 16 : index
        %swap3A_576 = tpu.vector_load %arg9[%swap3A_574, %swap3A_575] {strides = array<i32>} : memref<320x128xf32, #tpu.memory_space<vmem>>, vector<1x16xf32>,
        %swap3A_577 = vector.shape_cast %swap3A_576 : vector<1x16xf32> to vector<16xf32>
        %swap3A_578 = vector.shape_cast %select_n3A_573 : vector<16xf32> to vector<1x16xf32>
        tpu.vector_store %arg9[%swap3A_574, %swap3A_575], %swap3A_578 {strides = array<i32>} : memref<320x128xf32, #tpu.memory_space<vmem>>, vector<1x16xf32>,
        %broadcast_in_dim3A_579 = arith.constant 0.000000e+00 : f32
        %broadcast_in_dim3A_580 = vector.broadcast %broadcast_in_dim3A_579 : f32 to vector<16xf32>
        %select_n3A_581 = arith.select %lt3A_562, %parallel_loop3A_556#2, %broadcast_in_dim3A_580 : vector<16xf32>
        %swap3A_582 = arith.index_cast %while3A_532 : i32 to index
        %swap3A_583 = arith.constant 32 : index
        %swap3A_584 = tpu.vector_load %arg9[%swap3A_582, %swap3A_583] {strides = array<i32>} : memref<320x128xf32, #tpu.memory_space<vmem>>, vector<1x16xf32>,
        %swap3A_585 = vector.shape_cast %swap3A_584 : vector<1x16xf32> to vector<16xf32>
        %swap3A_586 = vector.shape_cast %select_n3A_581 : vector<16xf32> to vector<1x16xf32>
        tpu.vector_store %arg9[%swap3A_582, %swap3A_583], %swap3A_586 {strides = array<i32>} : memref<320x128xf32, #tpu.memory_space<vmem>>, vector<1x16xf32>,
        %broadcast_in_dim3A_587 = arith.constant 0.000000e+00 : f32
        %broadcast_in_dim3A_588 = vector.broadcast %broadcast_in_dim3A_587 : f32 to vector<16xf32>
        %select_n3A_589 = arith.select %lt3A_562, %parallel_loop3A_556#3, %broadcast_in_dim3A_588 : vector<16xf32>
        %swap3A_590 = arith.index_cast %while3A_532 : i32 to index
        %swap3A_591 = arith.constant 48 : index
        %swap3A_592 = tpu.vector_load %arg9[%swap3A_590, %swap3A_591] {strides = array<i32>} : memref<320x128xf32, #tpu.memory_space<vmem>>, vector<1x16xf32>,
        %swap3A_593 = vector.shape_cast %swap3A_592 : vector<1x16xf32> to vector<16xf32>
        %swap3A_594 = vector.shape_cast %select_n3A_589 : vector<16xf32> to vector<1x16xf32>
        tpu.vector_store %arg9[%swap3A_590, %swap3A_591], %swap3A_594 {strides = array<i32>} : memref<320x128xf32, #tpu.memory_space<vmem>>, vector<1x16xf32>,
        %broadcast_in_dim3A_595 = arith.constant 0.000000e+00 : f32
        %broadcast_in_dim3A_596 = vector.broadcast %broadcast_in_dim3A_595 : f32 to vector<16xf32>
        %select_n3A_597 = arith.select %lt3A_562, %parallel_loop3A_556#4, %broadcast_in_dim3A_596 : vector<16xf32>
        %swap3A_598 = arith.index_cast %while3A_532 : i32 to index
        %swap3A_599 = arith.constant 64 : index
        %swap3A_600 = tpu.vector_load %arg9[%swap3A_598, %swap3A_599] {strides = array<i32>} : memref<320x128xf32, #tpu.memory_space<vmem>>, vector<1x16xf32>,
        %swap3A_601 = vector.shape_cast %swap3A_600 : vector<1x16xf32> to vector<16xf32>
        %swap3A_602 = vector.shape_cast %select_n3A_597 : vector<16xf32> to vector<1x16xf32>
        tpu.vector_store %arg9[%swap3A_598, %swap3A_599], %swap3A_602 {strides = array<i32>} : memref<320x128xf32, #tpu.memory_space<vmem>>, vector<1x16xf32>,
        %broadcast_in_dim3A_603 = arith.constant 0.000000e+00 : f32
        %broadcast_in_dim3A_604 = vector.broadcast %broadcast_in_dim3A_603 : f32 to vector<16xf32>
        %select_n3A_605 = arith.select %lt3A_562, %parallel_loop3A_556#5, %broadcast_in_dim3A_604 : vector<16xf32>
        %swap3A_606 = arith.index_cast %while3A_532 : i32 to index
        %swap3A_607 = arith.constant 80 : index
        %swap3A_608 = tpu.vector_load %arg9[%swap3A_606, %swap3A_607] {strides = array<i32>} : memref<320x128xf32, #tpu.memory_space<vmem>>, vector<1x16xf32>,
        %swap3A_609 = vector.shape_cast %swap3A_608 : vector<1x16xf32> to vector<16xf32>
        %swap3A_610 = vector.shape_cast %select_n3A_605 : vector<16xf32> to vector<1x16xf32>
        tpu.vector_store %arg9[%swap3A_606, %swap3A_607], %swap3A_610 {strides = array<i32>} : memref<320x128xf32, #tpu.memory_space<vmem>>, vector<1x16xf32>,
        %broadcast_in_dim3A_611 = arith.constant 0.000000e+00 : f32
        %broadcast_in_dim3A_612 = vector.broadcast %broadcast_in_dim3A_611 : f32 to vector<16xf32>
        %select_n3A_613 = arith.select %lt3A_562, %parallel_loop3A_556#6, %broadcast_in_dim3A_612 : vector<16xf32>
        %swap3A_614 = arith.index_cast %while3A_532 : i32 to index
        %swap3A_615 = arith.constant 96 : index
        %swap3A_616 = tpu.vector_load %arg9[%swap3A_614, %swap3A_615] {strides = array<i32>} : memref<320x128xf32, #tpu.memory_space<vmem>>, vector<1x16xf32>,
        %swap3A_617 = vector.shape_cast %swap3A_616 : vector<1x16xf32> to vector<16xf32>
        %swap3A_618 = vector.shape_cast %select_n3A_613 : vector<16xf32> to vector<1x16xf32>
        tpu.vector_store %arg9[%swap3A_614, %swap3A_615], %swap3A_618 {strides = array<i32>} : memref<320x128xf32, #tpu.memory_space<vmem>>, vector<1x16xf32>,
        %broadcast_in_dim3A_619 = arith.constant 0.000000e+00 : f32
        %broadcast_in_dim3A_620 = vector.broadcast %broadcast_in_dim3A_619 : f32 to vector<16xf32>
        %select_n3A_621 = arith.select %lt3A_562, %parallel_loop3A_556#7, %broadcast_in_dim3A_620 : vector<16xf32>
        %swap3A_622 = arith.index_cast %while3A_532 : i32 to index
        %swap3A_623 = arith.constant 112 : index
        %swap3A_624 = tpu.vector_load %arg9[%swap3A_622, %swap3A_623] {strides = array<i32>} : memref<320x128xf32, #tpu.memory_space<vmem>>, vector<1x16xf32>,
        %swap3A_625 = vector.shape_cast %swap3A_624 : vector<1x16xf32> to vector<16xf32>
        %swap3A_626 = vector.shape_cast %select_n3A_621 : vector<16xf32> to vector<1x16xf32>
        tpu.vector_store %arg9[%swap3A_622, %swap3A_623], %swap3A_626 {strides = array<i32>} : memref<320x128xf32, #tpu.memory_space<vmem>>, vector<1x16xf32>,
        scf.yield %squeeze3A_548, %broadcast_in_dim3A_56, %broadcast_in_dim3A_56, %broadcast_in_dim3A_56, %broadcast_in_dim3A_56, %broadcast_in_dim3A_56, %broadcast_in_dim3A_56, %broadcast_in_dim3A_56, %broadcast_in_dim3A_56 : i32, vector<16xf32>, vector<16xf32>, vector<16xf32>, vector<16xf32>, vector<16xf32>, vector<16xf32>, vector<16xf32>, vector<16xf32>
      }
      %while3A_516 = arith.constant 1 : i32
      %while3A_517:9 = scf.for %while3A_532 = %while3A_513 to %while3A_509 step %while3A_516 iter_args(%while3A_533 = %while3A_515#0, %while3A_534 = %while3A_515#1, %while3A_535 = %while3A_515#2, %while3A_536 = %while3A_515#3, %while3A_537 = %while3A_515#4, %while3A_538 = %while3A_515#5, %while3A_539 = %while3A_515#6, %while3A_540 = %while3A_515#7, %while3A_541 = %while3A_515#8) -> (i32, vector<16xf32>, vector<16xf32>, vector<16xf32>, vector<16xf32>, vector<16xf32>, vector<16xf32>, vector<16xf32>, vector<16xf32>)  : i32 {
        %add3A_542 = arith.constant 1 : i32
        %add3A_543 = arith.addi %while3A_532, %add3A_542 : i32
        %get3A_544 = arith.index_cast %add3A_543 : i32 to index
        %get3A_545 = tpu.vector_load %arg6[%get3A_544] {strides = array<i32>} : memref<344xi32, #tpu.memory_space<vmem>>, vector<16xi32>,
        %get3A_546 = vector.shape_cast %get3A_545 : vector<16xi32> to vector<16xi32>
        %slice3A_547 = vector.extract_strided_slice %get3A_546 {offsets = [0], sizes = [1], strides = [1]} : vector<16xi32> to vector<1xi32>
        %squeeze3A_548 = vector.extract %slice3A_547[0] : i32 from vector<1xi32>
        %sub3A_549 = arith.subi %while3A_533, %min3A_499 : i32
        %mul3A_550 = arith.constant 128 : i32
        %mul3A_551 = arith.muli %sub3A_549, %mul3A_550 : i32
        %sub3A_552 = arith.subi %squeeze3A_548, %min3A_499 : i32
        %mul3A_553 = arith.constant 128 : i32
        %mul3A_554 = arith.muli %sub3A_552, %mul3A_553 : i32
        %parallel_loop3A_555 = arith.constant 128 : i32
        %parallel_loop3A_556:8 = scf.for %parallel_loop3A_627 = %mul3A_551 to %mul3A_554 step %parallel_loop3A_555 iter_args(%parallel_loop3A_628 = %while3A_534, %parallel_loop3A_629 = %while3A_535, %parallel_loop3A_630 = %while3A_536, %parallel_loop3A_631 = %while3A_537, %parallel_loop3A_632 = %while3A_538, %parallel_loop3A_633 = %while3A_539, %parallel_loop3A_634 = %while3A_540, %parallel_loop3A_635 = %while3A_541) -> (vector<16xf32>, vector<16xf32>, vector<16xf32>, vector<16xf32>, vector<16xf32>, vector<16xf32>, vector<16xf32>, vector<16xf32>)  : i32 {
          %parallel_loop3A_636 = arith.constant 0 : i32
          %parallel_loop3A_637 = arith.addi %parallel_loop3A_627, %parallel_loop3A_636 : i32
          %parallel_loop3A_638 = arith.index_cast %parallel_loop3A_637 : i32 to index
          %parallel_loop3A_639 = tpu.vector_load %arg8[%parallel_loop3A_638] {strides = array<i32>} : memref<32768xf32, #tpu.memory_space<vmem>>, vector<16xf32>,
          %parallel_loop3A_640 = vector.shape_cast %parallel_loop3A_639 : vector<16xf32> to vector<16xf32>
          %parallel_loop3A_641 = arith.maximumf %parallel_loop3A_628, %parallel_loop3A_640 : vector<16xf32>
          %parallel_loop3A_642 = arith.constant 16 : i32
          %parallel_loop3A_643 = arith.addi %parallel_loop3A_627, %parallel_loop3A_642 : i32
          %parallel_loop3A_644 = arith.index_cast %parallel_loop3A_643 : i32 to index
          %parallel_loop3A_645 = tpu.vector_load %arg8[%parallel_loop3A_644] {strides = array<i32>} : memref<32768xf32, #tpu.memory_space<vmem>>, vector<16xf32>,
          %parallel_loop3A_646 = vector.shape_cast %parallel_loop3A_645 : vector<16xf32> to vector<16xf32>
          %parallel_loop3A_647 = arith.maximumf %parallel_loop3A_629, %parallel_loop3A_646 : vector<16xf32>
          %parallel_loop3A_648 = arith.constant 32 : i32
          %parallel_loop3A_649 = arith.addi %parallel_loop3A_627, %parallel_loop3A_648 : i32
          %parallel_loop3A_650 = arith.index_cast %parallel_loop3A_649 : i32 to index
          %parallel_loop3A_651 = tpu.vector_load %arg8[%parallel_loop3A_650] {strides = array<i32>} : memref<32768xf32, #tpu.memory_space<vmem>>, vector<16xf32>,
          %parallel_loop3A_652 = vector.shape_cast %parallel_loop3A_651 : vector<16xf32> to vector<16xf32>
          %parallel_loop3A_653 = arith.maximumf %parallel_loop3A_630, %parallel_loop3A_652 : vector<16xf32>
          %parallel_loop3A_654 = arith.constant 48 : i32
          %parallel_loop3A_655 = arith.addi %parallel_loop3A_627, %parallel_loop3A_654 : i32
          %parallel_loop3A_656 = arith.index_cast %parallel_loop3A_655 : i32 to index
          %parallel_loop3A_657 = tpu.vector_load %arg8[%parallel_loop3A_656] {strides = array<i32>} : memref<32768xf32, #tpu.memory_space<vmem>>, vector<16xf32>,
          %parallel_loop3A_658 = vector.shape_cast %parallel_loop3A_657 : vector<16xf32> to vector<16xf32>
          %parallel_loop3A_659 = arith.maximumf %parallel_loop3A_631, %parallel_loop3A_658 : vector<16xf32>
          %parallel_loop3A_660 = arith.constant 64 : i32
          %parallel_loop3A_661 = arith.addi %parallel_loop3A_627, %parallel_loop3A_660 : i32
          %parallel_loop3A_662 = arith.index_cast %parallel_loop3A_661 : i32 to index
          %parallel_loop3A_663 = tpu.vector_load %arg8[%parallel_loop3A_662] {strides = array<i32>} : memref<32768xf32, #tpu.memory_space<vmem>>, vector<16xf32>,
          %parallel_loop3A_664 = vector.shape_cast %parallel_loop3A_663 : vector<16xf32> to vector<16xf32>
          %parallel_loop3A_665 = arith.maximumf %parallel_loop3A_632, %parallel_loop3A_664 : vector<16xf32>
          %parallel_loop3A_666 = arith.constant 80 : i32
          %parallel_loop3A_667 = arith.addi %parallel_loop3A_627, %parallel_loop3A_666 : i32
          %parallel_loop3A_668 = arith.index_cast %parallel_loop3A_667 : i32 to index
          %parallel_loop3A_669 = tpu.vector_load %arg8[%parallel_loop3A_668] {strides = array<i32>} : memref<32768xf32, #tpu.memory_space<vmem>>, vector<16xf32>,
          %parallel_loop3A_670 = vector.shape_cast %parallel_loop3A_669 : vector<16xf32> to vector<16xf32>
          %parallel_loop3A_671 = arith.maximumf %parallel_loop3A_633, %parallel_loop3A_670 : vector<16xf32>
          %parallel_loop3A_672 = arith.constant 96 : i32
          %parallel_loop3A_673 = arith.addi %parallel_loop3A_627, %parallel_loop3A_672 : i32
          %parallel_loop3A_674 = arith.index_cast %parallel_loop3A_673 : i32 to index
          %parallel_loop3A_675 = tpu.vector_load %arg8[%parallel_loop3A_674] {strides = array<i32>} : memref<32768xf32, #tpu.memory_space<vmem>>, vector<16xf32>,
          %parallel_loop3A_676 = vector.shape_cast %parallel_loop3A_675 : vector<16xf32> to vector<16xf32>
          %parallel_loop3A_677 = arith.maximumf %parallel_loop3A_634, %parallel_loop3A_676 : vector<16xf32>
          %parallel_loop3A_678 = arith.constant 112 : i32
          %parallel_loop3A_679 = arith.addi %parallel_loop3A_627, %parallel_loop3A_678 : i32
          %parallel_loop3A_680 = arith.index_cast %parallel_loop3A_679 : i32 to index
          %parallel_loop3A_681 = tpu.vector_load %arg8[%parallel_loop3A_680] {strides = array<i32>} : memref<32768xf32, #tpu.memory_space<vmem>>, vector<16xf32>,
          %parallel_loop3A_682 = vector.shape_cast %parallel_loop3A_681 : vector<16xf32> to vector<16xf32>
          %parallel_loop3A_683 = arith.maximumf %parallel_loop3A_635, %parallel_loop3A_682 : vector<16xf32>
          scf.yield %parallel_loop3A_641, %parallel_loop3A_647, %parallel_loop3A_653, %parallel_loop3A_659, %parallel_loop3A_665, %parallel_loop3A_671, %parallel_loop3A_677, %parallel_loop3A_683 : vector<16xf32>, vector<16xf32>, vector<16xf32>, vector<16xf32>, vector<16xf32>, vector<16xf32>, vector<16xf32>, vector<16xf32>
        } {sc.loop_unroll_factor = 8 : i64, sc.parallel_access}
        %get3A_557 = arith.index_cast %while3A_532 : i32 to index
        %get3A_558 = tpu.vector_load %arg6[%get3A_557] {strides = array<i32>} : memref<344xi32, #tpu.memory_space<vmem>>, vector<16xi32>,
        %get3A_559 = vector.shape_cast %get3A_558 : vector<16xi32> to vector<16xi32>
        %slice3A_560 = vector.extract_strided_slice %get3A_559 {offsets = [0], sizes = [1], strides = [1]} : vector<16xi32> to vector<1xi32>
        %squeeze3A_561 = vector.extract %slice3A_560[0] : i32 from vector<1xi32>
        %lt3A_562 = arith.cmpi slt, %squeeze3A_561, %squeeze3A_548 : i32
        %broadcast_in_dim3A_563 = arith.constant 0.000000e+00 : f32
        %broadcast_in_dim3A_564 = vector.broadcast %broadcast_in_dim3A_563 : f32 to vector<16xf32>
        %select_n3A_565 = arith.select %lt3A_562, %parallel_loop3A_556#0, %broadcast_in_dim3A_564 : vector<16xf32>
        %swap3A_566 = arith.index_cast %while3A_532 : i32 to index
        %swap3A_567 = arith.constant 0 : index
        %swap3A_568 = tpu.vector_load %arg9[%swap3A_566, %swap3A_567] {strides = array<i32>} : memref<320x128xf32, #tpu.memory_space<vmem>>, vector<1x16xf32>,
        %swap3A_569 = vector.shape_cast %swap3A_568 : vector<1x16xf32> to vector<16xf32>
        %swap3A_570 = vector.shape_cast %select_n3A_565 : vector<16xf32> to vector<1x16xf32>
        tpu.vector_store %arg9[%swap3A_566, %swap3A_567], %swap3A_570 {strides = array<i32>} : memref<320x128xf32, #tpu.memory_space<vmem>>, vector<1x16xf32>,
        %broadcast_in_dim3A_571 = arith.constant 0.000000e+00 : f32
        %broadcast_in_dim3A_572 = vector.broadcast %broadcast_in_dim3A_571 : f32 to vector<16xf32>
        %select_n3A_573 = arith.select %lt3A_562, %parallel_loop3A_556#1, %broadcast_in_dim3A_572 : vector<16xf32>
        %swap3A_574 = arith.index_cast %while3A_532 : i32 to index
        %swap3A_575 = arith.constant 16 : index
        %swap3A_576 = tpu.vector_load %arg9[%swap3A_574, %swap3A_575] {strides = array<i32>} : memref<320x128xf32, #tpu.memory_space<vmem>>, vector<1x16xf32>,
        %swap3A_577 = vector.shape_cast %swap3A_576 : vector<1x16xf32> to vector<16xf32>
        %swap3A_578 = vector.shape_cast %select_n3A_573 : vector<16xf32> to vector<1x16xf32>
        tpu.vector_store %arg9[%swap3A_574, %swap3A_575], %swap3A_578 {strides = array<i32>} : memref<320x128xf32, #tpu.memory_space<vmem>>, vector<1x16xf32>,
        %broadcast_in_dim3A_579 = arith.constant 0.000000e+00 : f32
        %broadcast_in_dim3A_580 = vector.broadcast %broadcast_in_dim3A_579 : f32 to vector<16xf32>
        %select_n3A_581 = arith.select %lt3A_562, %parallel_loop3A_556#2, %broadcast_in_dim3A_580 : vector<16xf32>
        %swap3A_582 = arith.index_cast %while3A_532 : i32 to index
        %swap3A_583 = arith.constant 32 : index
        %swap3A_584 = tpu.vector_load %arg9[%swap3A_582, %swap3A_583] {strides = array<i32>} : memref<320x128xf32, #tpu.memory_space<vmem>>, vector<1x16xf32>,
        %swap3A_585 = vector.shape_cast %swap3A_584 : vector<1x16xf32> to vector<16xf32>
        %swap3A_586 = vector.shape_cast %select_n3A_581 : vector<16xf32> to vector<1x16xf32>
        tpu.vector_store %arg9[%swap3A_582, %swap3A_583], %swap3A_586 {strides = array<i32>} : memref<320x128xf32, #tpu.memory_space<vmem>>, vector<1x16xf32>,
        %broadcast_in_dim3A_587 = arith.constant 0.000000e+00 : f32
        %broadcast_in_dim3A_588 = vector.broadcast %broadcast_in_dim3A_587 : f32 to vector<16xf32>
        %select_n3A_589 = arith.select %lt3A_562, %parallel_loop3A_556#3, %broadcast_in_dim3A_588 : vector<16xf32>
        %swap3A_590 = arith.index_cast %while3A_532 : i32 to index
        %swap3A_591 = arith.constant 48 : index
        %swap3A_592 = tpu.vector_load %arg9[%swap3A_590, %swap3A_591] {strides = array<i32>} : memref<320x128xf32, #tpu.memory_space<vmem>>, vector<1x16xf32>,
        %swap3A_593 = vector.shape_cast %swap3A_592 : vector<1x16xf32> to vector<16xf32>
        %swap3A_594 = vector.shape_cast %select_n3A_589 : vector<16xf32> to vector<1x16xf32>
        tpu.vector_store %arg9[%swap3A_590, %swap3A_591], %swap3A_594 {strides = array<i32>} : memref<320x128xf32, #tpu.memory_space<vmem>>, vector<1x16xf32>,
        %broadcast_in_dim3A_595 = arith.constant 0.000000e+00 : f32
        %broadcast_in_dim3A_596 = vector.broadcast %broadcast_in_dim3A_595 : f32 to vector<16xf32>
        %select_n3A_597 = arith.select %lt3A_562, %parallel_loop3A_556#4, %broadcast_in_dim3A_596 : vector<16xf32>
        %swap3A_598 = arith.index_cast %while3A_532 : i32 to index
        %swap3A_599 = arith.constant 64 : index
        %swap3A_600 = tpu.vector_load %arg9[%swap3A_598, %swap3A_599] {strides = array<i32>} : memref<320x128xf32, #tpu.memory_space<vmem>>, vector<1x16xf32>,
        %swap3A_601 = vector.shape_cast %swap3A_600 : vector<1x16xf32> to vector<16xf32>
        %swap3A_602 = vector.shape_cast %select_n3A_597 : vector<16xf32> to vector<1x16xf32>
        tpu.vector_store %arg9[%swap3A_598, %swap3A_599], %swap3A_602 {strides = array<i32>} : memref<320x128xf32, #tpu.memory_space<vmem>>, vector<1x16xf32>,
        %broadcast_in_dim3A_603 = arith.constant 0.000000e+00 : f32
        %broadcast_in_dim3A_604 = vector.broadcast %broadcast_in_dim3A_603 : f32 to vector<16xf32>
        %select_n3A_605 = arith.select %lt3A_562, %parallel_loop3A_556#5, %broadcast_in_dim3A_604 : vector<16xf32>
        %swap3A_606 = arith.index_cast %while3A_532 : i32 to index
        %swap3A_607 = arith.constant 80 : index
        %swap3A_608 = tpu.vector_load %arg9[%swap3A_606, %swap3A_607] {strides = array<i32>} : memref<320x128xf32, #tpu.memory_space<vmem>>, vector<1x16xf32>,
        %swap3A_609 = vector.shape_cast %swap3A_608 : vector<1x16xf32> to vector<16xf32>
        %swap3A_610 = vector.shape_cast %select_n3A_605 : vector<16xf32> to vector<1x16xf32>
        tpu.vector_store %arg9[%swap3A_606, %swap3A_607], %swap3A_610 {strides = array<i32>} : memref<320x128xf32, #tpu.memory_space<vmem>>, vector<1x16xf32>,
        %broadcast_in_dim3A_611 = arith.constant 0.000000e+00 : f32
        %broadcast_in_dim3A_612 = vector.broadcast %broadcast_in_dim3A_611 : f32 to vector<16xf32>
        %select_n3A_613 = arith.select %lt3A_562, %parallel_loop3A_556#6, %broadcast_in_dim3A_612 : vector<16xf32>
        %swap3A_614 = arith.index_cast %while3A_532 : i32 to index
        %swap3A_615 = arith.constant 96 : index
        %swap3A_616 = tpu.vector_load %arg9[%swap3A_614, %swap3A_615] {strides = array<i32>} : memref<320x128xf32, #tpu.memory_space<vmem>>, vector<1x16xf32>,
        %swap3A_617 = vector.shape_cast %swap3A_616 : vector<1x16xf32> to vector<16xf32>
        %swap3A_618 = vector.shape_cast %select_n3A_613 : vector<16xf32> to vector<1x16xf32>
        tpu.vector_store %arg9[%swap3A_614, %swap3A_615], %swap3A_618 {strides = array<i32>} : memref<320x128xf32, #tpu.memory_space<vmem>>, vector<1x16xf32>,
        %broadcast_in_dim3A_619 = arith.constant 0.000000e+00 : f32
        %broadcast_in_dim3A_620 = vector.broadcast %broadcast_in_dim3A_619 : f32 to vector<16xf32>
        %select_n3A_621 = arith.select %lt3A_562, %parallel_loop3A_556#7, %broadcast_in_dim3A_620 : vector<16xf32>
        %swap3A_622 = arith.index_cast %while3A_532 : i32 to index
        %swap3A_623 = arith.constant 112 : index
        %swap3A_624 = tpu.vector_load %arg9[%swap3A_622, %swap3A_623] {strides = array<i32>} : memref<320x128xf32, #tpu.memory_space<vmem>>, vector<1x16xf32>,
        %swap3A_625 = vector.shape_cast %swap3A_624 : vector<1x16xf32> to vector<16xf32>
        %swap3A_626 = vector.shape_cast %select_n3A_621 : vector<16xf32> to vector<1x16xf32>
        tpu.vector_store %arg9[%swap3A_622, %swap3A_623], %swap3A_626 {strides = array<i32>} : memref<320x128xf32, #tpu.memory_space<vmem>>, vector<1x16xf32>,
        scf.yield %squeeze3A_548, %broadcast_in_dim3A_56, %broadcast_in_dim3A_56, %broadcast_in_dim3A_56, %broadcast_in_dim3A_56, %broadcast_in_dim3A_56, %broadcast_in_dim3A_56, %broadcast_in_dim3A_56, %broadcast_in_dim3A_56 : i32, vector<16xf32>, vector<16xf32>, vector<16xf32>, vector<16xf32>, vector<16xf32>, vector<16xf32>, vector<16xf32>, vector<16xf32>
      }
      %sub3A_518 = arith.subi %while3A_517#0, %min3A_499 : i32
      %mul3A_519 = arith.constant 128 : i32
      %mul3A_520 = arith.muli %sub3A_518, %mul3A_519 : i32
      %sub3A_521 = arith.subi %min3A_497, %min3A_499 : i32
      %mul3A_522 = arith.constant 128 : i32
      %mul3A_523 = arith.muli %sub3A_521, %mul3A_522 : i32
      %parallel_loop3A_524 = arith.constant 128 : i32
      %parallel_loop3A_525:8 = scf.for %parallel_loop3A_532 = %mul3A_520 to %mul3A_523 step %parallel_loop3A_524 iter_args(%parallel_loop3A_533 = %while3A_517#1, %parallel_loop3A_534 = %while3A_517#2, %parallel_loop3A_535 = %while3A_517#3, %parallel_loop3A_536 = %while3A_517#4, %parallel_loop3A_537 = %while3A_517#5, %parallel_loop3A_538 = %while3A_517#6, %parallel_loop3A_539 = %while3A_517#7, %parallel_loop3A_540 = %while3A_517#8) -> (vector<16xf32>, vector<16xf32>, vector<16xf32>, vector<16xf32>, vector<16xf32>, vector<16xf32>, vector<16xf32>, vector<16xf32>)  : i32 {
        %parallel_loop3A_541 = arith.constant 0 : i32
        %parallel_loop3A_542 = arith.addi %parallel_loop3A_532, %parallel_loop3A_541 : i32
        %parallel_loop3A_543 = arith.index_cast %parallel_loop3A_542 : i32 to index
        %parallel_loop3A_544 = tpu.vector_load %arg8[%parallel_loop3A_543] {strides = array<i32>} : memref<32768xf32, #tpu.memory_space<vmem>>, vector<16xf32>,
        %parallel_loop3A_545 = vector.shape_cast %parallel_loop3A_544 : vector<16xf32> to vector<16xf32>
        %parallel_loop3A_546 = arith.maximumf %parallel_loop3A_533, %parallel_loop3A_545 : vector<16xf32>
        %parallel_loop3A_547 = arith.constant 16 : i32
        %parallel_loop3A_548 = arith.addi %parallel_loop3A_532, %parallel_loop3A_547 : i32
        %parallel_loop3A_549 = arith.index_cast %parallel_loop3A_548 : i32 to index
        %parallel_loop3A_550 = tpu.vector_load %arg8[%parallel_loop3A_549] {strides = array<i32>} : memref<32768xf32, #tpu.memory_space<vmem>>, vector<16xf32>,
        %parallel_loop3A_551 = vector.shape_cast %parallel_loop3A_550 : vector<16xf32> to vector<16xf32>
        %parallel_loop3A_552 = arith.maximumf %parallel_loop3A_534, %parallel_loop3A_551 : vector<16xf32>
        %parallel_loop3A_553 = arith.constant 32 : i32
        %parallel_loop3A_554 = arith.addi %parallel_loop3A_532, %parallel_loop3A_553 : i32
        %parallel_loop3A_555 = arith.index_cast %parallel_loop3A_554 : i32 to index
        %parallel_loop3A_556 = tpu.vector_load %arg8[%parallel_loop3A_555] {strides = array<i32>} : memref<32768xf32, #tpu.memory_space<vmem>>, vector<16xf32>,
        %parallel_loop3A_557 = vector.shape_cast %parallel_loop3A_556 : vector<16xf32> to vector<16xf32>
        %parallel_loop3A_558 = arith.maximumf %parallel_loop3A_535, %parallel_loop3A_557 : vector<16xf32>
        %parallel_loop3A_559 = arith.constant 48 : i32
        %parallel_loop3A_560 = arith.addi %parallel_loop3A_532, %parallel_loop3A_559 : i32
        %parallel_loop3A_561 = arith.index_cast %parallel_loop3A_560 : i32 to index
        %parallel_loop3A_562 = tpu.vector_load %arg8[%parallel_loop3A_561] {strides = array<i32>} : memref<32768xf32, #tpu.memory_space<vmem>>, vector<16xf32>,
        %parallel_loop3A_563 = vector.shape_cast %parallel_loop3A_562 : vector<16xf32> to vector<16xf32>
        %parallel_loop3A_564 = arith.maximumf %parallel_loop3A_536, %parallel_loop3A_563 : vector<16xf32>
        %parallel_loop3A_565 = arith.constant 64 : i32
        %parallel_loop3A_566 = arith.addi %parallel_loop3A_532, %parallel_loop3A_565 : i32
        %parallel_loop3A_567 = arith.index_cast %parallel_loop3A_566 : i32 to index
        %parallel_loop3A_568 = tpu.vector_load %arg8[%parallel_loop3A_567] {strides = array<i32>} : memref<32768xf32, #tpu.memory_space<vmem>>, vector<16xf32>,
        %parallel_loop3A_569 = vector.shape_cast %parallel_loop3A_568 : vector<16xf32> to vector<16xf32>
        %parallel_loop3A_570 = arith.maximumf %parallel_loop3A_537, %parallel_loop3A_569 : vector<16xf32>
        %parallel_loop3A_571 = arith.constant 80 : i32
        %parallel_loop3A_572 = arith.addi %parallel_loop3A_532, %parallel_loop3A_571 : i32
        %parallel_loop3A_573 = arith.index_cast %parallel_loop3A_572 : i32 to index
        %parallel_loop3A_574 = tpu.vector_load %arg8[%parallel_loop3A_573] {strides = array<i32>} : memref<32768xf32, #tpu.memory_space<vmem>>, vector<16xf32>,
        %parallel_loop3A_575 = vector.shape_cast %parallel_loop3A_574 : vector<16xf32> to vector<16xf32>
        %parallel_loop3A_576 = arith.maximumf %parallel_loop3A_538, %parallel_loop3A_575 : vector<16xf32>
        %parallel_loop3A_577 = arith.constant 96 : i32
        %parallel_loop3A_578 = arith.addi %parallel_loop3A_532, %parallel_loop3A_577 : i32
        %parallel_loop3A_579 = arith.index_cast %parallel_loop3A_578 : i32 to index
        %parallel_loop3A_580 = tpu.vector_load %arg8[%parallel_loop3A_579] {strides = array<i32>} : memref<32768xf32, #tpu.memory_space<vmem>>, vector<16xf32>,
        %parallel_loop3A_581 = vector.shape_cast %parallel_loop3A_580 : vector<16xf32> to vector<16xf32>
        %parallel_loop3A_582 = arith.maximumf %parallel_loop3A_539, %parallel_loop3A_581 : vector<16xf32>
        %parallel_loop3A_583 = arith.constant 112 : i32
        %parallel_loop3A_584 = arith.addi %parallel_loop3A_532, %parallel_loop3A_583 : i32
        %parallel_loop3A_585 = arith.index_cast %parallel_loop3A_584 : i32 to index
        %parallel_loop3A_586 = tpu.vector_load %arg8[%parallel_loop3A_585] {strides = array<i32>} : memref<32768xf32, #tpu.memory_space<vmem>>, vector<16xf32>,
        %parallel_loop3A_587 = vector.shape_cast %parallel_loop3A_586 : vector<16xf32> to vector<16xf32>
        %parallel_loop3A_588 = arith.maximumf %parallel_loop3A_540, %parallel_loop3A_587 : vector<16xf32>
        scf.yield %parallel_loop3A_546, %parallel_loop3A_552, %parallel_loop3A_558, %parallel_loop3A_564, %parallel_loop3A_570, %parallel_loop3A_576, %parallel_loop3A_582, %parallel_loop3A_588 : vector<16xf32>, vector<16xf32>, vector<16xf32>, vector<16xf32>, vector<16xf32>, vector<16xf32>, vector<16xf32>, vector<16xf32>
      } {sc.loop_unroll_factor = 8 : i64, sc.parallel_access}
      %add3A_526 = arith.constant 2 : i32
      %add3A_527 = arith.addi %add3A_486, %add3A_526 : i32
      %lt3A_528 = arith.cmpi slt, %add3A_527, %select_n3A_55 : i32
      %convert_element_type3A_529 = arith.extui %lt3A_528 : i1 to i32
      %cond3A_530 = arith.constant 0 : i32
      %cond3A_531 = arith.cmpi ne, %convert_element_type3A_529, %cond3A_530 : i32
      scf.if %cond3A_531 {
        %mul3A_532 = arith.constant 256 : i32
        %mul3A_533 = arith.muli %add3A_527, %mul3A_532 : i32
        %add3A_534 = arith.addi %mul3A_28, %mul3A_533 : i32
        %min3A_535 = arith.constant 319744 : i32
        %min3A_536 = arith.minsi %add3A_534, %min3A_535 : i32
        %mul3A_537 = arith.constant 128 : i32
        %mul3A_538 = arith.muli %min3A_536, %mul3A_537 : i32
        %dma_start3A = tpu.memref_slice %arg2[%mul3A_538] : memref<40960000xf32, #tpu.memory_space<hbm>> -> memref<32768xf32, #tpu.memory_space<hbm>>
        %dma_start3A_539 = tpu.memref_slice %arg2[%mul3A_538] : memref<40960000xf32, #tpu.memory_space<hbm>> -> memref<32768xf32, #tpu.memory_space<hbm>>
        tpu.enqueue_dma source(%dma_start3A_539 : memref<32768xf32, #tpu.memory_space<hbm>>) target(%arg8 : memref<32768xf32, #tpu.memory_space<vmem>>) target_semaphore(%arg12 : memref<!tpu.dma_semaphore, #tpu.memory_space<semaphore_mem>>)
      } else {
      }
      scf.yield %scan3A_506#0, %parallel_loop3A_525#0, %parallel_loop3A_525#1, %parallel_loop3A_525#2, %parallel_loop3A_525#3, %parallel_loop3A_525#4, %parallel_loop3A_525#5, %parallel_loop3A_525#6, %parallel_loop3A_525#7 : i32, vector<16xf32>, vector<16xf32>, vector<16xf32>, vector<16xf32>, vector<16xf32>, vector<16xf32>, vector<16xf32>, vector<16xf32>
    }
    %while3A_420 = arith.constant 0 : i32
    %while3A_421 = arith.constant 320 : i32
    %while3A_422 = arith.subi %while3A_421, %while3A_419#0 : i32
    %while3A_423 = arith.addi %while3A_419#0, %while3A_422 : i32
    %while3A_424 = arith.constant 1 : i32
    %while3A_425 = arith.divsi %while3A_422, %while3A_424 : i32
    %while3A_426 = arith.muli %while3A_425, %while3A_424 : i32
    %while3A_427 = arith.addi %while3A_419#0, %while3A_426 : i32
    %while3A_428 = arith.constant 1 : i32
    scf.for %while3A_430 = %while3A_419#0 to %while3A_427 step %while3A_428  : i32 {
      %broadcast_in_dim3A_431 = arith.constant 0.000000e+00 : f32
      %broadcast_in_dim3A_432 = vector.broadcast %broadcast_in_dim3A_431 : f32 to vector<16xf32>
      %swap3A_433 = arith.index_cast %while3A_430 : i32 to index
      %swap3A_434 = arith.constant 0 : index
      %swap3A_435 = tpu.vector_load %arg9[%swap3A_433, %swap3A_434] {strides = array<i32>} : memref<320x128xf32, #tpu.memory_space<vmem>>, vector<1x16xf32>,
      %swap3A_436 = vector.shape_cast %swap3A_435 : vector<1x16xf32> to vector<16xf32>
      %swap3A_437 = vector.shape_cast %broadcast_in_dim3A_432 : vector<16xf32> to vector<1x16xf32>
      tpu.vector_store %arg9[%swap3A_433, %swap3A_434], %swap3A_437 {strides = array<i32>} : memref<320x128xf32, #tpu.memory_space<vmem>>, vector<1x16xf32>,
      %broadcast_in_dim3A_438 = arith.constant 0.000000e+00 : f32
      %broadcast_in_dim3A_439 = vector.broadcast %broadcast_in_dim3A_438 : f32 to vector<16xf32>
      %swap3A_440 = arith.index_cast %while3A_430 : i32 to index
      %swap3A_441 = arith.constant 16 : index
      %swap3A_442 = tpu.vector_load %arg9[%swap3A_440, %swap3A_441] {strides = array<i32>} : memref<320x128xf32, #tpu.memory_space<vmem>>, vector<1x16xf32>,
      %swap3A_443 = vector.shape_cast %swap3A_442 : vector<1x16xf32> to vector<16xf32>
      %swap3A_444 = vector.shape_cast %broadcast_in_dim3A_439 : vector<16xf32> to vector<1x16xf32>
      tpu.vector_store %arg9[%swap3A_440, %swap3A_441], %swap3A_444 {strides = array<i32>} : memref<320x128xf32, #tpu.memory_space<vmem>>, vector<1x16xf32>,
      %broadcast_in_dim3A_445 = arith.constant 0.000000e+00 : f32
      %broadcast_in_dim3A_446 = vector.broadcast %broadcast_in_dim3A_445 : f32 to vector<16xf32>
      %swap3A_447 = arith.index_cast %while3A_430 : i32 to index
      %swap3A_448 = arith.constant 32 : index
      %swap3A_449 = tpu.vector_load %arg9[%swap3A_447, %swap3A_448] {strides = array<i32>} : memref<320x128xf32, #tpu.memory_space<vmem>>, vector<1x16xf32>,
      %swap3A_450 = vector.shape_cast %swap3A_449 : vector<1x16xf32> to vector<16xf32>
      %swap3A_451 = vector.shape_cast %broadcast_in_dim3A_446 : vector<16xf32> to vector<1x16xf32>
      tpu.vector_store %arg9[%swap3A_447, %swap3A_448], %swap3A_451 {strides = array<i32>} : memref<320x128xf32, #tpu.memory_space<vmem>>, vector<1x16xf32>,
      %broadcast_in_dim3A_452 = arith.constant 0.000000e+00 : f32
      %broadcast_in_dim3A_453 = vector.broadcast %broadcast_in_dim3A_452 : f32 to vector<16xf32>
      %swap3A_454 = arith.index_cast %while3A_430 : i32 to index
      %swap3A_455 = arith.constant 48 : index
      %swap3A_456 = tpu.vector_load %arg9[%swap3A_454, %swap3A_455] {strides = array<i32>} : memref<320x128xf32, #tpu.memory_space<vmem>>, vector<1x16xf32>,
      %swap3A_457 = vector.shape_cast %swap3A_456 : vector<1x16xf32> to vector<16xf32>
      %swap3A_458 = vector.shape_cast %broadcast_in_dim3A_453 : vector<16xf32> to vector<1x16xf32>
      tpu.vector_store %arg9[%swap3A_454, %swap3A_455], %swap3A_458 {strides = array<i32>} : memref<320x128xf32, #tpu.memory_space<vmem>>, vector<1x16xf32>,
      %broadcast_in_dim3A_459 = arith.constant 0.000000e+00 : f32
      %broadcast_in_dim3A_460 = vector.broadcast %broadcast_in_dim3A_459 : f32 to vector<16xf32>
      %swap3A_461 = arith.index_cast %while3A_430 : i32 to index
      %swap3A_462 = arith.constant 64 : index
      %swap3A_463 = tpu.vector_load %arg9[%swap3A_461, %swap3A_462] {strides = array<i32>} : memref<320x128xf32, #tpu.memory_space<vmem>>, vector<1x16xf32>,
      %swap3A_464 = vector.shape_cast %swap3A_463 : vector<1x16xf32> to vector<16xf32>
      %swap3A_465 = vector.shape_cast %broadcast_in_dim3A_460 : vector<16xf32> to vector<1x16xf32>
      tpu.vector_store %arg9[%swap3A_461, %swap3A_462], %swap3A_465 {strides = array<i32>} : memref<320x128xf32, #tpu.memory_space<vmem>>, vector<1x16xf32>,
      %broadcast_in_dim3A_466 = arith.constant 0.000000e+00 : f32
      %broadcast_in_dim3A_467 = vector.broadcast %broadcast_in_dim3A_466 : f32 to vector<16xf32>
      %swap3A_468 = arith.index_cast %while3A_430 : i32 to index
      %swap3A_469 = arith.constant 80 : index
      %swap3A_470 = tpu.vector_load %arg9[%swap3A_468, %swap3A_469] {strides = array<i32>} : memref<320x128xf32, #tpu.memory_space<vmem>>, vector<1x16xf32>,
      %swap3A_471 = vector.shape_cast %swap3A_470 : vector<1x16xf32> to vector<16xf32>
      %swap3A_472 = vector.shape_cast %broadcast_in_dim3A_467 : vector<16xf32> to vector<1x16xf32>
      tpu.vector_store %arg9[%swap3A_468, %swap3A_469], %swap3A_472 {strides = array<i32>} : memref<320x128xf32, #tpu.memory_space<vmem>>, vector<1x16xf32>,
      %broadcast_in_dim3A_473 = arith.constant 0.000000e+00 : f32
      %broadcast_in_dim3A_474 = vector.broadcast %broadcast_in_dim3A_473 : f32 to vector<16xf32>
      %swap3A_475 = arith.index_cast %while3A_430 : i32 to index
      %swap3A_476 = arith.constant 96 : index
      %swap3A_477 = tpu.vector_load %arg9[%swap3A_475, %swap3A_476] {strides = array<i32>} : memref<320x128xf32, #tpu.memory_space<vmem>>, vector<1x16xf32>,
      %swap3A_478 = vector.shape_cast %swap3A_477 : vector<1x16xf32> to vector<16xf32>
      %swap3A_479 = vector.shape_cast %broadcast_in_dim3A_474 : vector<16xf32> to vector<1x16xf32>
      tpu.vector_store %arg9[%swap3A_475, %swap3A_476], %swap3A_479 {strides = array<i32>} : memref<320x128xf32, #tpu.memory_space<vmem>>, vector<1x16xf32>,
      %broadcast_in_dim3A_480 = arith.constant 0.000000e+00 : f32
      %broadcast_in_dim3A_481 = vector.broadcast %broadcast_in_dim3A_480 : f32 to vector<16xf32>
      %swap3A_482 = arith.index_cast %while3A_430 : i32 to index
      %swap3A_483 = arith.constant 112 : index
      %swap3A_484 = tpu.vector_load %arg9[%swap3A_482, %swap3A_483] {strides = array<i32>} : memref<320x128xf32, #tpu.memory_space<vmem>>, vector<1x16xf32>,
      %swap3A_485 = vector.shape_cast %swap3A_484 : vector<1x16xf32> to vector<16xf32>
      %swap3A_486 = vector.shape_cast %broadcast_in_dim3A_481 : vector<16xf32> to vector<1x16xf32>
      tpu.vector_store %arg9[%swap3A_482, %swap3A_483], %swap3A_486 {strides = array<i32>} : memref<320x128xf32, #tpu.memory_space<vmem>>, vector<1x16xf32>,
    }
    %while3A_429 = arith.constant 1 : i32
    scf.for %while3A_430 = %while3A_427 to %while3A_423 step %while3A_429  : i32 {
      %broadcast_in_dim3A_431 = arith.constant 0.000000e+00 : f32
      %broadcast_in_dim3A_432 = vector.broadcast %broadcast_in_dim3A_431 : f32 to vector<16xf32>
      %swap3A_433 = arith.index_cast %while3A_430 : i32 to index
      %swap3A_434 = arith.constant 0 : index
      %swap3A_435 = tpu.vector_load %arg9[%swap3A_433, %swap3A_434] {strides = array<i32>} : memref<320x128xf32, #tpu.memory_space<vmem>>, vector<1x16xf32>,
      %swap3A_436 = vector.shape_cast %swap3A_435 : vector<1x16xf32> to vector<16xf32>
      %swap3A_437 = vector.shape_cast %broadcast_in_dim3A_432 : vector<16xf32> to vector<1x16xf32>
      tpu.vector_store %arg9[%swap3A_433, %swap3A_434], %swap3A_437 {strides = array<i32>} : memref<320x128xf32, #tpu.memory_space<vmem>>, vector<1x16xf32>,
      %broadcast_in_dim3A_438 = arith.constant 0.000000e+00 : f32
      %broadcast_in_dim3A_439 = vector.broadcast %broadcast_in_dim3A_438 : f32 to vector<16xf32>
      %swap3A_440 = arith.index_cast %while3A_430 : i32 to index
      %swap3A_441 = arith.constant 16 : index
      %swap3A_442 = tpu.vector_load %arg9[%swap3A_440, %swap3A_441] {strides = array<i32>} : memref<320x128xf32, #tpu.memory_space<vmem>>, vector<1x16xf32>,
      %swap3A_443 = vector.shape_cast %swap3A_442 : vector<1x16xf32> to vector<16xf32>
      %swap3A_444 = vector.shape_cast %broadcast_in_dim3A_439 : vector<16xf32> to vector<1x16xf32>
      tpu.vector_store %arg9[%swap3A_440, %swap3A_441], %swap3A_444 {strides = array<i32>} : memref<320x128xf32, #tpu.memory_space<vmem>>, vector<1x16xf32>,
      %broadcast_in_dim3A_445 = arith.constant 0.000000e+00 : f32
      %broadcast_in_dim3A_446 = vector.broadcast %broadcast_in_dim3A_445 : f32 to vector<16xf32>
      %swap3A_447 = arith.index_cast %while3A_430 : i32 to index
      %swap3A_448 = arith.constant 32 : index
      %swap3A_449 = tpu.vector_load %arg9[%swap3A_447, %swap3A_448] {strides = array<i32>} : memref<320x128xf32, #tpu.memory_space<vmem>>, vector<1x16xf32>,
      %swap3A_450 = vector.shape_cast %swap3A_449 : vector<1x16xf32> to vector<16xf32>
      %swap3A_451 = vector.shape_cast %broadcast_in_dim3A_446 : vector<16xf32> to vector<1x16xf32>
      tpu.vector_store %arg9[%swap3A_447, %swap3A_448], %swap3A_451 {strides = array<i32>} : memref<320x128xf32, #tpu.memory_space<vmem>>, vector<1x16xf32>,
      %broadcast_in_dim3A_452 = arith.constant 0.000000e+00 : f32
      %broadcast_in_dim3A_453 = vector.broadcast %broadcast_in_dim3A_452 : f32 to vector<16xf32>
      %swap3A_454 = arith.index_cast %while3A_430 : i32 to index
      %swap3A_455 = arith.constant 48 : index
      %swap3A_456 = tpu.vector_load %arg9[%swap3A_454, %swap3A_455] {strides = array<i32>} : memref<320x128xf32, #tpu.memory_space<vmem>>, vector<1x16xf32>,
      %swap3A_457 = vector.shape_cast %swap3A_456 : vector<1x16xf32> to vector<16xf32>
      %swap3A_458 = vector.shape_cast %broadcast_in_dim3A_453 : vector<16xf32> to vector<1x16xf32>
      tpu.vector_store %arg9[%swap3A_454, %swap3A_455], %swap3A_458 {strides = array<i32>} : memref<320x128xf32, #tpu.memory_space<vmem>>, vector<1x16xf32>,
      %broadcast_in_dim3A_459 = arith.constant 0.000000e+00 : f32
      %broadcast_in_dim3A_460 = vector.broadcast %broadcast_in_dim3A_459 : f32 to vector<16xf32>
      %swap3A_461 = arith.index_cast %while3A_430 : i32 to index
      %swap3A_462 = arith.constant 64 : index
      %swap3A_463 = tpu.vector_load %arg9[%swap3A_461, %swap3A_462] {strides = array<i32>} : memref<320x128xf32, #tpu.memory_space<vmem>>, vector<1x16xf32>,
      %swap3A_464 = vector.shape_cast %swap3A_463 : vector<1x16xf32> to vector<16xf32>
      %swap3A_465 = vector.shape_cast %broadcast_in_dim3A_460 : vector<16xf32> to vector<1x16xf32>
      tpu.vector_store %arg9[%swap3A_461, %swap3A_462], %swap3A_465 {strides = array<i32>} : memref<320x128xf32, #tpu.memory_space<vmem>>, vector<1x16xf32>,
      %broadcast_in_dim3A_466 = arith.constant 0.000000e+00 : f32
      %broadcast_in_dim3A_467 = vector.broadcast %broadcast_in_dim3A_466 : f32 to vector<16xf32>
      %swap3A_468 = arith.index_cast %while3A_430 : i32 to index
      %swap3A_469 = arith.constant 80 : index
      %swap3A_470 = tpu.vector_load %arg9[%swap3A_468, %swap3A_469] {strides = array<i32>} : memref<320x128xf32, #tpu.memory_space<vmem>>, vector<1x16xf32>,
      %swap3A_471 = vector.shape_cast %swap3A_470 : vector<1x16xf32> to vector<16xf32>
      %swap3A_472 = vector.shape_cast %broadcast_in_dim3A_467 : vector<16xf32> to vector<1x16xf32>
      tpu.vector_store %arg9[%swap3A_468, %swap3A_469], %swap3A_472 {strides = array<i32>} : memref<320x128xf32, #tpu.memory_space<vmem>>, vector<1x16xf32>,
      %broadcast_in_dim3A_473 = arith.constant 0.000000e+00 : f32
      %broadcast_in_dim3A_474 = vector.broadcast %broadcast_in_dim3A_473 : f32 to vector<16xf32>
      %swap3A_475 = arith.index_cast %while3A_430 : i32 to index
      %swap3A_476 = arith.constant 96 : index
      %swap3A_477 = tpu.vector_load %arg9[%swap3A_475, %swap3A_476] {strides = array<i32>} : memref<320x128xf32, #tpu.memory_space<vmem>>, vector<1x16xf32>,
      %swap3A_478 = vector.shape_cast %swap3A_477 : vector<1x16xf32> to vector<16xf32>
      %swap3A_479 = vector.shape_cast %broadcast_in_dim3A_474 : vector<16xf32> to vector<1x16xf32>
      tpu.vector_store %arg9[%swap3A_475, %swap3A_476], %swap3A_479 {strides = array<i32>} : memref<320x128xf32, #tpu.memory_space<vmem>>, vector<1x16xf32>,
      %broadcast_in_dim3A_480 = arith.constant 0.000000e+00 : f32
      %broadcast_in_dim3A_481 = vector.broadcast %broadcast_in_dim3A_480 : f32 to vector<16xf32>
      %swap3A_482 = arith.index_cast %while3A_430 : i32 to index
      %swap3A_483 = arith.constant 112 : index
      %swap3A_484 = tpu.vector_load %arg9[%swap3A_482, %swap3A_483] {strides = array<i32>} : memref<320x128xf32, #tpu.memory_space<vmem>>, vector<1x16xf32>,
      %swap3A_485 = vector.shape_cast %swap3A_484 : vector<1x16xf32> to vector<16xf32>
      %swap3A_486 = vector.shape_cast %broadcast_in_dim3A_481 : vector<16xf32> to vector<1x16xf32>
      tpu.vector_store %arg9[%swap3A_482, %swap3A_483], %swap3A_486 {strides = array<i32>} : memref<320x128xf32, #tpu.memory_space<vmem>>, vector<1x16xf32>,
    }
    "tpu.region"() ({
      %run_scoped3A = tpu.sem_alloc : memref<!tpu.dma_semaphore, #tpu.memory_space<semaphore_mem>>
      %dma_start3A = arith.constant 0 : i32
      %dma_start3A_430 = tpu.memref_slice %arg4[%min3A_3, %dma_start3A] : memref<10000x128xf32, #tpu.memory_space<hbm>> -> memref<320x128xf32, #tpu.memory_space<hbm>>
      %dma_start3A_431 = arith.constant 0 : i32
      %dma_start3A_432 = tpu.memref_slice %arg4[%min3A_3, %dma_start3A_431] : memref<10000x128xf32, #tpu.memory_space<hbm>> -> memref<320x128xf32, #tpu.memory_space<hbm>>
      tpu.enqueue_dma source(%arg9 : memref<320x128xf32, #tpu.memory_space<vmem>>) target(%dma_start3A_432 : memref<320x128xf32, #tpu.memory_space<hbm>>) target_semaphore(%run_scoped3A : memref<!tpu.dma_semaphore, #tpu.memory_space<semaphore_mem>>)
      %dma_wait3A = arith.constant 0 : i32
      %dma_wait3A_433 = tpu.memref_slice %arg4[%min3A_3, %dma_wait3A] : memref<10000x128xf32, #tpu.memory_space<hbm>> -> memref<320x128xf32, #tpu.memory_space<hbm>>
      %dma_wait3A_434 = arith.constant 0 : i32
      %dma_wait3A_435 = tpu.memref_slice %arg4[%min3A_3, %dma_wait3A_434] : memref<10000x128xf32, #tpu.memory_space<hbm>> -> memref<320x128xf32, #tpu.memory_space<hbm>>
      tpu.wait_dma2 semaphore(%run_scoped3A : memref<!tpu.dma_semaphore, #tpu.memory_space<semaphore_mem>>) src(%arg9 : memref<320x128xf32, #tpu.memory_space<vmem>>) dst(%dma_wait3A_435 : memref<320x128xf32, #tpu.memory_space<hbm>>)
      tpu.yield
    }) : () -> ()
    "tpu.region"() ({
      %run_scoped3A = tpu.sem_alloc : memref<!tpu.dma_semaphore, #tpu.memory_space<semaphore_mem>>
      %dma_start3A = tpu.memref_slice %arg5[%min3A_3] : memref<10000xi32, #tpu.memory_space<hbm>> -> memref<320xi32, #tpu.memory_space<hbm>>
      %dma_start3A_430 = tpu.memref_slice %arg5[%min3A_3] : memref<10000xi32, #tpu.memory_space<hbm>> -> memref<320xi32, #tpu.memory_space<hbm>>
      tpu.enqueue_dma source(%arg10 : memref<320xi32, #tpu.memory_space<vmem>>) target(%dma_start3A_430 : memref<320xi32, #tpu.memory_space<hbm>>) target_semaphore(%run_scoped3A : memref<!tpu.dma_semaphore, #tpu.memory_space<semaphore_mem>>)
      %dma_wait3A = tpu.memref_slice %arg5[%min3A_3] : memref<10000xi32, #tpu.memory_space<hbm>> -> memref<320xi32, #tpu.memory_space<hbm>>
      %dma_wait3A_431 = tpu.memref_slice %arg5[%min3A_3] : memref<10000xi32, #tpu.memory_space<hbm>> -> memref<320xi32, #tpu.memory_space<hbm>>
      tpu.wait_dma2 semaphore(%run_scoped3A : memref<!tpu.dma_semaphore, #tpu.memory_space<semaphore_mem>>) src(%arg10 : memref<320xi32, #tpu.memory_space<vmem>>) dst(%dma_wait3A_431 : memref<320xi32, #tpu.memory_space<hbm>>)
      tpu.yield
    }) : () -> ()
    return
  }
}

</mosaic_0001>

<sc_bundles>
// kernel: kernel.3.cloned.1.call-start
scs
__scs_entry_jumppad:
0x0: {  	(pc) =	sbr.rel $0x88, $3  }
0x1: {  	(tag) =	ssettag $0x0;
	lr =	simm.s32 $0x1  }
0x2: {  	[smem:$0x3F9F] =	sst lr;
	_ =	strace $0xD0000000  }
0x3: {  	_ = 	snop  }
0x4: {  	_ = 	snop  }
0x5: {  	_ = 	snop  }
0x6: {  	_ = 	snop  }
0x7: {  	_ = 	snop  }
__scs_overlays_trampoline_lowered:
0x8: {  	[smem:$0x3FAE] =	sst s0  }
0x9: {  	[smem:$0x3FAF] =	sst s1  }
0xa: {  	[smem:$0x3FB0] =	sst s2  }
0xb: {  	[smem:$0x3FB1] =	sst s3  }
0xc: {  	[smem:$0x3FB2] =	sst s4  }
0xd: {  	[smem:$0x3FB3] =	sst s5  }
0xe: {  	[smem:$0x3FB4] =	sst s6  }
0xf: {  	[smem:$0x3FB5] =	sst s7  }
0x10: {  	[smem:$0x3FB6] =	sst s8  }
0x11: {  	[smem:$0x3FB7] =	sst s9;
	s0 =	simm.s32 @!p0 $0x0  }
0x12: {  	s1 =	sld [smem:$0x3F9D];
	s0 =	simm.s32 @p0 $0x1  }
0x13: {  	[smem:$0x3FB8] =	sst s0;
	s0 =	simm.s32 @!p1 $0x0  }
0x14: {  	s2 =	sld [smem:$0x3F9C];
	s0 =	simm.s32 @p1 $0x1  }
0x15: {  	[smem:$0x3FB9] =	sst s0;
	s0 =	simm.s32 @!p2 $0x0  }
0x16: {  	s3 =	sld [smem:$0x3FDB];
	s0 =	simm.s32 @p2 $0x1  }
0x17: {  	s4 =	simm.s32 $0x1BF5;
	[smem:$0x3FBB] =	sst s0  }
0x18: {  	s0 =	sld [smem:$0x3F9E];
	_ =	swait.ge [sflag:s4], $0x0  }
0x19: {  	s7 =	sld [smem:$0x3F9F]  }
0x1a: {  	s8 =	sadd.s32 $0xFFFFE003, lr  }
0x1b: {  	s9 =	sadd.s32 $0xFFFFFEF7, lr;
	s5 =	simm.s32 $0xFFFFFFFF;
	p2 =	slt.u32 s8, $0xFFFFF086  }
0x1c: {  	p1 =	slt.u32 s9, $0xF7A;
	s5 =	simm.s32 @!p2 $0x0  }
0x1d: {  	s5 =	simm.s32 @p1 $0x1;
	p0 =	seq.s32 s7, s2  }
0x1e: {  	s7 =	smul.u32 @!p0 $0xF7A, s2;
	p2 =	seq.s32 @!p0 s5, $0x0  }
0x1f: {  	s9 =	smul.u32 $0xF7A, s1;
	s8 =	simm.s32 @!p0 $0x1BF5;
	p2 =	por !p2, p0  }
0x20: {  	[sflag:s8] =	ssyncset.s32 @!p0 $0xFFFFF086;
	s6 =	sadd.s32 @!p0 s3, s7;
	s7 =	simm.s32 @!p0 $0x108  }
0x21: {  	s3 =	sadd.s32 s3, s9;
	s6 =	sadd.s32 @!p0 $0x88, s6;
	s7 =	simm.s32 @p2 $0x1082  }
0x22: {  	[simem:s7], [sflag:s8] =	dma.local @!p0 [hbm:s6], $0xF7A  }
0x23: {  	s9 =	sor.u32 $0xD0000000, s2;
	s6 =	simm.s32 $0x108;
	_ =	swait.ge @!p0 [sflag:s8], $0x0  }
0x24: {  	s3 =	sadd.s32 $0x88, s3;
	s6 =	simm.s32 @!p1 $0x1082;
	[sflag:s4] =	ssyncset.s32 $0xFFFFF086  }
0x25: {  	[simem:s6], [sflag:s4] =	dma.local [hbm:s3], $0xF7A  }
0x26: {  	[smem:$0x3F9F] =	sst s1;
	(tag) =	ssettag s2;
	_ =	strace s9  }
0x27: {  	s1 =	sld [smem:$0x3FAF]  }
0x28: {  	s2 =	sld [smem:$0x3FB0]  }
0x29: {  	s4 =	sld [smem:$0x3FB2]  }
0x2a: {  	p0 =	seq.s32 s5, $0x0;
	s5 =	sld [smem:$0x3FB3]  }
0x2b: {  	s6 =	sld [smem:$0x3FB4]  }
0x2c: {  	s7 =	sld [smem:$0x3FB5]  }
0x2d: {  	s3 =	simm.s32 $0x108;
	s8 =	sld [smem:$0x3FB6]  }
0x2e: {  	s3 =	simm.s32 @!p0 $0x1082;
	s9 =	sld [smem:$0x3FB7]  }
0x2f: {  	lr =	sadd.s32 s0, s3;
	s0 =	sld [smem:$0x3FAE]  }
0x30: {  	s3 =	sld [smem:$0x3FB1]  }
0x31: {  	[smem:$0x3FBA] =	sst s10  }
0x32: {  	s10 =	sld [smem:$0x3FB8];
	_ =	sdelay $0x3  }
0x33: {  	p0 =	seq.s32 s10, $0x1;
	s10 =	sld [smem:$0x3FBA];
	_ =	sdelay $0x3  }
0x34: {  	[smem:$0x3FBA] =	sst s10  }
0x35: {  	s10 =	sld [smem:$0x3FB9];
	_ =	sdelay $0x3  }
0x36: {  	p1 =	seq.s32 s10, $0x1;
	s10 =	sld [smem:$0x3FBA];
	_ =	sdelay $0x3  }
0x37: {  	[smem:$0x3FBA] =	sst s10  }
0x38: {  	s10 =	sld [smem:$0x3FBB]  }
0x39: {  	_ = 	snop;
	(pc) =	sbr.ind lr, $3  }
0x3a: {  	_ = 	snop  }
0x3b: {  	_ = 	snop  }
0x3c: {  	p2 =	seq.s32 s10, $0x1;
	s10 =	sld [smem:$0x3FBA]  }
0x3d: {  	_ =	shalt  }
0x3e: {  	_ =	shalt  }
0x3f: {  	_ =	shalt  }
0x40: {  	_ =	shalt  }
0x41: {  	_ =	shalt  }
0x42: {  	_ =	shalt  }
0x43: {  	_ =	shalt  }
0x44: {  	_ =	shalt  }
0x45: {  	_ =	shalt  }
0x46: {  	_ =	shalt  }
0x47: {  	_ =	shalt  }
0x48: {  	_ =	shalt  }
0x49: {  	_ =	shalt  }
0x4a: {  	_ =	shalt  }
0x4b: {  	_ =	shalt  }
0x4c: {  	_ =	shalt  }
0x4d: {  	_ =	shalt  }
0x4e: {  	_ =	shalt  }
0x4f: {  	_ =	shalt  }
0x50: {  	_ =	shalt  }
0x51: {  	_ =	shalt  }
0x52: {  	_ =	shalt  }
0x53: {  	_ =	shalt  }
0x54: {  	_ =	shalt  }
0x55: {  	_ =	shalt  }
0x56: {  	_ =	shalt  }
0x57: {  	_ =	shalt  }
0x58: {  	_ =	shalt  }
0x59: {  	_ =	shalt  }
0x5a: {  	_ =	shalt  }
0x5b: {  	_ =	shalt  }
0x5c: {  	_ =	shalt  }
0x5d: {  	_ =	shalt  }
0x5e: {  	_ =	shalt  }
0x5f: {  	_ =	shalt  }
0x60: {  	_ =	shalt  }
0x61: {  	_ =	shalt  }
0x62: {  	_ =	shalt  }
0x63: {  	_ =	shalt  }
0x64: {  	_ =	shalt  }
0x65: {  	_ =	shalt  }
0x66: {  	_ =	shalt  }
0x67: {  	_ =	shalt  }
0x68: {  	_ =	shalt  }
0x69: {  	_ =	shalt  }
0x6a: {  	_ =	shalt  }
0x6b: {  	_ =	shalt  }
0x6c: {  	_ =	shalt  }
0x6d: {  	_ =	shalt  }
0x6e: {  	_ =	shalt  }
0x6f: {  	_ =	shalt  }
0x70: {  	_ =	shalt  }
0x71: {  	_ =	shalt  }
0x72: {  	_ =	shalt  }
0x73: {  	_ =	shalt  }
0x74: {  	_ =	shalt  }
0x75: {  	_ =	shalt  }
0x76: {  	_ =	shalt  }
0x77: {  	_ =	shalt  }
0x78: {  	_ =	shalt  }
0x79: {  	_ =	shalt  }
0x7a: {  	_ =	shalt  }
0x7b: {  	_ =	shalt  }
0x7c: {  	_ =	shalt  }
0x7d: {  	_ =	shalt  }
0x7e: {  	_ =	shalt  }
0x7f: {  	_ =	shalt  }
0x80: {  	_ =	shalt  }
0x81: {  	_ =	shalt  }
0x82: {  	_ =	shalt  }
0x83: {  	_ =	shalt  }
0x84: {  	_ =	shalt  }
0x85: {  	_ =	shalt  }
0x86: {  	_ =	shalt  }
0x87: {  	_ =	shalt  }
.Lfunc_end0:
.L_simem_size_0:
called_computation_lowered:
.L_overlay_start_0:
0x88: {  	s2 =	sld [smem:$0x3FD9]  }
0x89: {  	s3 =	sld [smem:$0x3FFE];
	_ =	sdelay $0x1  }
0x8a: {  	s1 =	srdreg.scid  }
0x8b: {  	s0 =	sand.u32 $0x1, s1  }
0x8c: {  	s14 =	sshll.u32 s0, $0xA;
	s2 =	sadd.s32 s3, s2  }
0x8d: {  	s2 =	sadd.s32 s2, s14  }
0x8e: {  	[smem:$0x3FC6] =	sst s2  }
0x8f: {  	_ = 	snop  }
0x90: {  	s2 =	sld [smem:$0x3FD0];
	_ =	sdelay $0x2  }
0x91: {  	s4 =	simm.s32 $0xA;
	s5 =	simm.s32 $0x10;
	s15 =	sld [smem:$0x3FC9]  }
0x92: {  	[smem:s5], [sflag:s4] =	dma.local [hbm:s2], $0x1  }
0x93: {  	_ =	swait.eq [sflag:s4], $0x1  }
0x94: {  	[sflag:s4] =	ssyncset.done $0x0  }
0x95: {  	[sflag:s4] =	ssyncadd.s32 $0xFFFFFFFF  }
0x96: {  	s16 =	sld [smem:$0x10];
	(tm) =	ssettm $0x1  }
0x97: {  	s17 =	sld [smem:$0x3FFB];
	_ =	sdelay $0x3  }
0x98: {  	_ =	strace s17  }
0x99: {  	s4 =	sld [smem:$0x3FFC];
	_ =	sdelay $0x3  }
0x9a: {  	_ =	strace s4  }
0x9b: {  	s4 =	sld [smem:$0x3FFD];
	_ =	sdelay $0x3  }
0x9c: {  	_ =	strace s4  }
0x9d: {  	_ =	strace $0x8FFFFFFF  }
0x9e: {  	s18 =	sld [smem:$0x3FDB];
	_ =	sdelay $0x1  }
0x9f: {  	s19 =	simm.s32 $_scs_section_size  }
0xa0: {  	s6 =	simm.s32 $_size__tile_overlayer_lowered;
	s7 =	simm.s32 $_tile_overlayer_lowered  }
0xa1: {  	s22 =	simm.s32 $0x1BFF;
	s21 =	sshll.u32 s7, $0x1;
	s4 =	sadd.s32 s19, s18  }
0xa2: {  	s8 =	simm.s32 $0x0;
	s20 =	sshll.u32 s6, $0x1;
	s6 =	sadd.s32 s21, s4  }
0xa3: {  	[timem:s8], [sflag:s22] =	dma.local [hbm:s6], s20  }
0xa4: {  	_ =	swait.ge [sflag:s22], s20  }
0xa5: {  	s5 =	ssub.s32 $0x0, s20;
	[sflag:s22] =	ssyncset.done $0x0  }
0xa6: {  	[sflag:s22] =	ssyncadd.s32 s5;
	_ =	sdelay $0x1  }
0xa7: {  	s23 =	simm.s32 $0x1B8B  }
0xa8: {  	_ =	swait.ge [sflag:s23], $0x1  }
0xa9: {  	[sflag:s23] =	ssyncset.done $0x0  }
0xaa: {  	s25 =	simm.s32 $0x1B8E;
	s24 =	sld [smem:$0x3FFE];
	[sflag:s23] =	ssyncadd.s32 $0xFFFFFFFF  }
0xab: {  	s26 =	simm.s32 $execute0_lowered;
	[smem:$0x3FD2] =	sst s25  }
0xac: {  	s6 =	sshll.u32 s26, $0x1;
	_ =	strace $0x80000046;
	[dreg:$0x1] =	wrdreg $0xFFFFFFFF  }
0xad: {  	s28 =	simm.s32 $_size_execute0_lowered;
	s4 =	sadd.s32 s4, s6;
	[dreg:$0x0] =	wrdreg $0x0  }
0xae: {  	s6 =	sshll.u32 s28, $0x1;
	[dreg:$0x2] =	wrdreg s4  }
0xaf: {  	[dreg:$0x3] =	wrdreg s6  }
0xb0: {  	[dreg:$0x4] =	wrdreg $0xC0  }
0xb1: {  	_ =	task [dreg:s8], $0x5FFFF  }
0xb2: {  	[dreg:$0x1] =	wrdreg $0xFFFFFFFF  }
0xb3: {  	[dreg:$0x0] =	wrdreg $0x60  }
0xb4: {  	[dreg:$0x2] =	wrdreg s15  }
0xb5: {  	[dreg:$0x3] =	wrdreg s24  }
0xb6: {  	[dreg:$0x4] =	wrdreg s16  }
0xb7: {  	[dreg:$0x5] =	wrdreg $0x9  }
0xb8: {  	_ =	task.clear_ibuf [dreg:s8], $0x6FFFF;
	_ =	strace $0x90000046  }
0xb9: {  	s29 =	simm.s32 $0x9;
	_ =	strace $0x80000048  }
0xba: {  	_ =	swait.ge [sflag:s29], $0x1  }
0xbb: {  	[sflag:s29] =	ssyncadd.s32 $0xFFFFFFFF  }
0xbc: {  	_ =	strace $0x90000048  }
0xbd: {  	_ =	sfence  }
0xbe: {  	s30 =	sld [smem:$0x0];
	_ =	sdelay $0x2  }
0xbf: {  	s31 =	sshll.u32 s1, $0xD;
	s1 =	sshrl.u32 s1, $0x2  }
0xc0: {  	s3 =	sand.u32 $0x4000, s31;
	s1 =	sadd.s32 s1, s30  }
0xc1: {  	s0 =	sor.u32 s3, s0;
	s1 =	sshll.u32 s1, $0x11  }
0xc2: {  	s0 =	sor.u32 s1, s0  }
0xc3: {  	s0 =	sadd.s32 $0x8F2B, s0  }
0xc4: {  	[sflag:s0] =	ssyncadd.remote.s32 $0x1  }
0xc5: {  	_ =	sfence.sel $0xFFFF  }
0xc6: {  	[dreg:$0x0] =	wrdreg $0xFFFFFFFF;
	(pc) =	sbr.abs _section_cstart, $3  }
0xc7: {  	[dreg:$0x1] =	wrdreg $0xFFFFFFFF  }
0xc8: {  	_ =	task.clear_ibuf [dreg:s8], $0x2FFFF;
	_ =	strace $0x9FFFFFFF  }
0xc9: {  	(tm) =	ssettm $0x7FFFFFFF  }
tec
execute0_lowered:
.L_overlay_start_1:
0x0: {  	(tag) =	ssettag $0x1  }
0x1: {  	s2 =	srdreg.scid;
	s0 =	stileid.u32  }
0x2: {  	s1 =	rddreg [dreg:$0x0];
	s4 =	sand.u32 $0x1, s2;
	s30 =	sshll.u32 s0, $0x1  }
0x3: {  	s5 =	rddreg [dreg:$0x1];
	s2 =	sor.u32 s4, s30  }
0x4: {  	s6 =	rddreg [dreg:$0x2];
	s3 =	simm.s32 $0x0;
	s7 =	smul.u32 $0x140, s2  }
0x5: {  	s10 =	simm.s32 $0x1A180;
	s11 =	simm.s32 $0x0;
	[smem:$0x7FF] =	sst s3  }
.Ltmp0:
0x6: {  	s4 =	ssub.s32 $0x2, s4;
	s7 =	smin.u32 s7, $0x25D0;
	(pc) =	sbr.rel .LBB2_1-.Ltmp0, $4  }
0x7: {  	_ =	strace $0x80000047;
	s31 =	sshrl.u32 s4, $0x1;
	s8 =	sshrl.u32 s7, $0x3  }
0x8: {  	s9 =	ssub.s32 s4, s31;
	s7 =	sshll.u32 s7, $0x4;
	s8 =	sadd.s32 s8, s5  }
0x9: {  	s5 =	sadd.s32 s6, s7;
	s7 =	smax.u32 s9, $0x1;
	s9 =	simm.s32 $0x10180  }
0xa: {  	v0 =	vimm.s32 $0x0;
	v1 =	vimm.f32 $0.0e+00;
	s4 =	sadd.s32 $0x800, s8;
	s6 =	sadd.s32 $0xE00, s8;
	s8 =	simm.s32 $0x3  }
.LBB2_15:
0xb: {  	[tilespmem:s12+$0xFFFFFFD0] =	vst v1  }
.LBB2_16:
0xc: {  	[hbm4b:s5+s3] =	stream.linear.scatter [tilespmem:s9], [sflag:$0x3], $0xA000, $0x38;
	[tilespmem:$0x1A300] =	vst v63  }
0xd: {  	s11 =	sadd.s32 $0x1, s11;
	_ =	swait.ge [sflag:s8], $0xA000  }
0xe: {  	p0 =	sne.s32 s11, s7;
	[sflag:s8] =	ssyncset.done $0x0  }
.Ltmp1:
0xf: {  	[sflag:s8] =	ssyncadd.s32 $0xFFFF6000;
	(pc) =	sbr.rel @!p0 .LBB2_17-.Ltmp1, $4  }
0x10: {  	[hbm4b:s6+s3] =	stream.linear.scatter [tilespmem:s10], [sflag:$0x3], $0x140, $0x38;
	[tilespmem:$0x1A300] =	vst v63  }
0x11: {  	_ =	swait.ge [sflag:s8], $0x140  }
0x12: {  	[sflag:s8] =	ssyncset.done $0x0  }
0x13: {  	[sflag:s8] =	ssyncadd.s32 $0xFFFFFEC0  }
.LBB2_1:
0x14: {  	[tilespmem:s3], [sflag:$0x3] =	stream.linear.gather [hbm4b:s4+s3], $0x158, $0x38;
	[tilespmem:$0x1A300] =	vst v63  }
0x15: {  	_ =	swait.ge [sflag:s8], $0x158  }
0x16: {  	[sflag:s8] =	ssyncset.done $0x0  }
0x17: {  	[sflag:s8] =	ssyncadd.s32 $0xFFFFFEA8  }
0x18: {  	v2 =	vld [tilespmem:$0x0];
	_ =	sdelay $0x4  }
0x19: {  	(v2sf) =	vpush v2, $0x0;
	_ =	sdelay $0x1  }
0x1a: {  	v2 =	vld [tilespmem:$0x140];
	_ =	sdelay $0x4  }
0x1b: {  	(v2sf) =	vpush v2, $0x0;
	_ =	sdelay $0x7  }
0x1c: {  	s12 =	spop (v2sf)  }
0x1d: {  	s13 =	sand.u32 $0x7, s12  }
0x1e: {  	s14 =	sshra.s32 s12, $0x1F;
	p0 =	slt.s32 s12, $0x1;
	p1 =	sne.s32 s13, $0x0  }
0x1f: {  	s26 =	sshrl.u32 s14, $0x1D;
	p0 =	por !p0, !p1  }
0x20: {  	s14 =	simm.s32 $0x1;
	s13 =	sadd.s32 s26, s12;
	p0 =	por !p0, !p0  }
0x21: {  	s13 =	sshrl.u32 s13, $0x3;
	s14 =	simm.s32 @!p0 $0x0  }
0x22: {  	s14 =	ssub.s32 s13, s14  }
0x23: {  	s13 =	spop (v2sf);
	s14 =	sshll.u32 s14, $0x3  }
0x24: {  	s15 =	ssub.s32 s13, s14  }
0x25: {  	s15 =	sadd.s32 $0xFF, s15  }
0x26: {  	s16 =	sand.u32 $0xFF, s15  }
0x27: {  	s17 =	sshra.s32 s15, $0x1F;
	p3 =	slt.s32 s15, $0x1;
	p4 =	sne.s32 s16, $0x0  }
0x28: {  	s28 =	sshrl.u32 s17, $0x18;
	p0 =	por !p3, !p4  }
0x29: {  	s16 =	simm.s32 $0x1;
	s15 =	sadd.s32 s28, s15;
	p0 =	por !p0, !p0  }
0x2a: {  	s15 =	sshra.s32 s15, $0x8;
	s16 =	simm.s32 @!p0 $0x0  }
0x2b: {  	s15 =	ssub.s32 s15, s16  }
0x2c: {  	p0 =	slt.s32 s15, $0x1  }
0x2d: {  	p1 =	slt.s32 @!p0 s14, $0x4E100  }
0x2e: {  	s16 =	smov.u32 s14;
	p1 =	por !p1, p0  }
0x2f: {  	s16 =	simm.s32 @p1 $0x4E100  }
0x30: {  	s16 =	sshll.u32 @!p0 s16, $0x4  }
0x31: {  	s17 =	simm.s32 @!p0 $0x0;
	p1 =	seq.s32 @!p0 s15, $0x1;
	s16 =	sand.u32 @!p0 $0x1FFFFF80, s16  }
0x32: {  	s18 =	simm.s32 @!p0 $0x180;
	p2 =	por p1, p0;
	s16 =	sadd.s32 @!p0 s1, s16  }
0x33: {  	[tilespmem:s18], [sflag:$0x1] =	stream.linear.gather @!p0 [hbm4b:s16+s17], $0x8000, $0x38;
	[tilespmem:$0x1A300] =	vst v63  }
0x34: {  	s16 =	sadd.s32 @!p2 $0x100, s14  }
0x35: {  	p3 =	slt.s32 @!p2 s16, $0x4E100  }
0x36: {  	p1 =	por @!p0 !p3, p1  }
0x37: {  	p0 =	por !p1, p0  }
0x38: {  	s16 =	simm.s32 @!p0 $0x4E100  }
0x39: {  	s16 =	sshll.u32 @!p2 s16, $0x4  }
0x3a: {  	s16 =	sand.u32 @!p2 $0x1FFFFF80, s16  }
0x3b: {  	s17 =	simm.s32 @!p2 $0x0;
	s18 =	simm.s32 @!p2 $0x8180;
	s16 =	sadd.s32 @!p2 s1, s16  }
0x3c: {  	[tilespmem:s18], [sflag:$0x2] =	stream.linear.gather @!p2 [hbm4b:s16+s17], $0x8000, $0x38;
	[tilespmem:$0x1A300] =	vst v63  }
0x3d: {  	v2 =	vld [tilespmem:$0x0]  }
0x3e: {  	v3 =	vld [tilespmem:$0x1]  }
0x3f: {  	v4 =	vld [tilespmem:$0x10]  }
0x40: {  	v5 =	vld [tilespmem:$0x11]  }
0x41: {  	v6 =	vld [tilespmem:$0x20]  }
0x42: {  	v7 =	vld [tilespmem:$0x21]  }
0x43: {  	v8 =	vld [tilespmem:$0x30]  }
0x44: {  	v9 =	vld [tilespmem:$0x31]  }
0x45: {  	v10 =	vld [tilespmem:$0x40]  }
0x46: {  	v11 =	vld [tilespmem:$0x41]  }
0x47: {  	v12 =	vld [tilespmem:$0x50]  }
0x48: {  	v13 =	vld [tilespmem:$0x51]  }
0x49: {  	v14 =	vld [tilespmem:$0x60]  }
0x4a: {  	v15 =	vld [tilespmem:$0x61]  }
0x4b: {  	v16 =	vld [tilespmem:$0x70]  }
0x4c: {  	v17 =	vld [tilespmem:$0x71]  }
0x4d: {  	v18 =	vld [tilespmem:$0x80]  }
0x4e: {  	v19 =	vld [tilespmem:$0x81]  }
0x4f: {  	v20 =	vld [tilespmem:$0x90]  }
0x50: {  	v21 =	vld [tilespmem:$0x91]  }
0x51: {  	v22 =	vld [tilespmem:$0xA0]  }
0x52: {  	v23 =	vld [tilespmem:$0xA1]  }
0x53: {  	v24 =	vld [tilespmem:$0xB0]  }
0x54: {  	v25 =	vld [tilespmem:$0xB1]  }
0x55: {  	v26 =	vld [tilespmem:$0xC0]  }
0x56: {  	v40 =	vld [tilespmem:$0xD0];
	vm0 =	vgt.s32 v3, v2  }
0x57: {  	v43 =	vld [tilespmem:$0xE1];
	vm10 =	vgt.s32 v7, v6;
	v3 =	vsel vm0, $0x1, v0  }
0x58: {  	v45 =	vld [tilespmem:$0xF0];
	vm11 =	vgt.s32 v9, v8;
	v6 =	vsel vm10, $0x1, v0;
	[tilespmem:$0x1A180] =	vst v3  }
0x59: {  	v47 =	vld [tilespmem:$0xF1];
	vm12 =	vgt.s32 v11, v10;
	v42 =	vsel vm11, $0x1, v0;
	[tilespmem:$0x1A1A0] =	vst v6  }
0x5a: {  	v49 =	vld [tilespmem:$0x100];
	vm13 =	vgt.s32 v13, v12;
	v44 =	vsel vm12, $0x1, v0;
	[tilespmem:$0x1A1B0] =	vst v42  }
0x5b: {  	v51 =	vld [tilespmem:$0x101];
	vm14 =	vgt.s32 v15, v14;
	v46 =	vsel vm13, $0x1, v0;
	[tilespmem:$0x1A1C0] =	vst v44  }
0x5c: {  	v53 =	vld [tilespmem:$0x110];
	vm15 =	vgt.s32 v17, v16;
	v48 =	vsel vm14, $0x1, v0;
	[tilespmem:$0x1A1D0] =	vst v46  }
0x5d: {  	v55 =	vld [tilespmem:$0x111];
	vm9 =	vgt.s32 v5, v4;
	v50 =	vsel vm15, $0x1, v0;
	[tilespmem:$0x1A1E0] =	vst v48  }
0x5e: {  	v2 =	vld [tilespmem:$0xC1];
	vm4 =	vgt.s32 v19, v18;
	v3 =	vsel vm9, $0x1, v0;
	[tilespmem:$0x1A1F0] =	vst v50  }
0x5f: {  	s29 =	sadd.s32 $0x1, s15;
	vm5 =	vgt.s32 v21, v20;
	v52 =	vsel vm4, $0x1, v0;
	[tilespmem:$0x1A190] =	vst v3;
	v3 =	vld [tilespmem:$0xE0]  }
0x60: {  	s30 =	sand.u32 $0x1, s29;
	v41 =	vld [tilespmem:$0xD1];
	vm6 =	vgt.s32 v23, v22;
	v54 =	vsel vm5, $0x1, v0;
	[tilespmem:$0x1A200] =	vst v52  }
0x61: {  	p5 =	slt.s32 s15, $0x0;
	p6 =	seq.s32 s30, $0x1;
	v57 =	vld [tilespmem:$0x120];
	vm7 =	vgt.s32 v25, v24;
	v56 =	vsel vm6, $0x1, v0;
	[tilespmem:$0x1A210] =	vst v54  }
0x62: {  	s31 =	sshrl.u32 s29, $0x1F;
	p0 =	por !p5, !p6;
	v60 =	vld [tilespmem:$0x130];
	v58 =	vsel vm7, $0x1, v0;
	vm11 =	vgt.s32 v47, v45;
	[tilespmem:$0x1A220] =	vst v56  }
0x63: {  	p0 =	por !p0, !p0;
	s16 =	sadd.s32 s31, s29;
	s17 =	simm.s32 $0x1;
	vm12 =	vgt.s32 v51, v49;
	[tilespmem:$0x1A230] =	vst v58;
	v61 =	vsel vm11, $0x1, v0;
	vm8 =	vgt.s32 v2, v26;
	v2 =	vld [tilespmem:$0x121]  }
0x64: {  	s16 =	sshra.s32 s16, $0x1;
	s17 =	simm.s32 @!p0 $0x0;
	vm13 =	vgt.s32 v55, v53;
	v62 =	vsel vm12, $0x1, v0;
	[tilespmem:$0x1A270] =	vst v61;
	vm10 =	vgt.s32 v43, v3;
	v3 =	vld [tilespmem:$0x131]  }
0x65: {  	s16 =	ssub.s32 s16, s17;
	vm9 =	vgt.s32 v41, v40;
	v63 =	vsel vm13, $0x1, v0;
	[tilespmem:$0x1A280] =	vst v62  }
0x66: {  	p0 =	slt.s32 s16, $0x1;
	v5 =	vsel vm9, $0x1, v0;
	[tilespmem:$0x1A290] =	vst v63  }
.Ltmp2:
0x67: {  	[tilespmem:$0x1A250] =	vst v5;
	v59 =	vsel vm8, $0x1, v0;
	(pc) =	sbr.rel @p0 .LBB2_13-.Ltmp2, $4  }
0x68: {  	[tilespmem:$0x1A240] =	vst v59;
	v7 =	vsel vm10, $0x1, v0;
	vm14 =	vgt.s32 v2, v57  }
0x69: {  	[tilespmem:$0x1A260] =	vst v7;
	v2 =	vsel vm14, $0x1, v0;
	vm15 =	vgt.s32 v3, v60  }
0x6a: {  	[tilespmem:$0x1A2A0] =	vst v2;
	v2 =	vsel vm15, $0x1, v0  }
0x6b: {  	s21 =	simm.s32 $0x0;
	[tilespmem:$0x1A2B0] =	vst v2  }
.Ltmp3:
0x6c: {  	(pc) =	sbr.rel .LBB2_3-.Ltmp3, $4  }
0x6d: {  	_ = 	snop  }
0x6e: {  	v2 =	vimm.f32 $-Inf;
	v5 =	vimm.f32 $-Inf  }
0x6f: {  	v6 =	vimm.f32 $-Inf;
	v7 =	vimm.f32 $-Inf;
	v8 =	vimm.f32 $-Inf;
	s17 =	sadd.s32 $0x100, s14  }
0x70: {  	s21 =	simm.s32 $0x0;
	s18 =	smov.u32 s14;
	v9 =	vimm.f32 $-Inf;
	v10 =	vimm.f32 $-Inf;
	v3 =	vimm.f32 $-Inf;
	s19 =	simm.s32 $0x0  }
.LBB2_36:
0x71: {  	v8 =	vmax.f32 v8, v11;
	v7 =	vmax.f32 v7, v4  }
0x72: {  	v6 =	vmax.f32 v6, v12;
	v5 =	vmax.f32 v5, v13;
	v3 =	vmax.f32 v3, v14  }
.LBB2_37:
0x73: {  	s2 =	sadd.s32 $0x3, s20  }
0x74: {  	p0 =	sge.s32 s2, s15  }
0x75: {  	s2 =	sshll.u32 @!p0 s2, $0x8  }
0x76: {  	s2 =	sadd.s32 @!p0 s14, s2  }
0x77: {  	p1 =	slt.s32 @!p0 s2, $0x4E100  }
0x78: {  	p1 =	por !p1, p0  }
0x79: {  	s2 =	simm.s32 @p1 $0x4E100  }
0x7a: {  	s2 =	sshll.u32 @!p0 s2, $0x4  }
0x7b: {  	s19 =	sadd.s32 $0x1, s19;
	s2 =	sand.u32 @!p0 $0x1FFFFF80, s2  }
0x7c: {  	s20 =	simm.s32 @!p0 $0x0;
	s22 =	simm.s32 @!p0 $0x8180;
	s2 =	sadd.s32 @!p0 s1, s2  }
0x7d: {  	[tilespmem:s22], [sflag:$0x2] =	stream.linear.gather @!p0 [hbm4b:s2+s20], $0x8000, $0x38;
	[tilespmem:$0x1A300] =	vst v63  }
0x7e: {  	p0 =	seq.s32 s19, s16  }
.Ltmp4:
0x7f: {  	_ = 	snop;
	(pc) =	sbr.rel @p0 .LBB2_12-.Ltmp4, $2  }
0x80: {  	_ =	sdelay $0x2  }
0x81: {  	s18 =	sadd.s32 $0x200, s18;
	s17 =	sadd.s32 $0x200, s17  }
.LBB2_3:
0x82: {  	p0 =	slt.s32 s17, $0x4E100;
	s22 =	smov.u32 s17  }
0x83: {  	s20 =	sshll.u32 s19, $0x1;
	s25 =	smov.u32 s18;
	s23 =	sshll.u32 s19, $0x9  }
0x84: {  	s30 =	simm.s32 $0x140;
	s29 =	simm.s32 $0x8;
	s22 =	simm.s32 @!p0 $0x4E100  }
0x85: {  	p0 =	slt.s32 s18, $0x4E100;
	p1 =	sge.s32 s20, s15;
	s24 =	sadd.s32 s14, s23  }
0x86: {  	s25 =	simm.s32 @!p0 $0x4E100;
	s26 =	simm.s32 @!p1 $0x1;
	s22 =	sshll.u32 s22, $0x9  }
0x87: {  	_ =	swait.ge @!p1 [sflag:s26], $0x8000;
	s23 =	ssub.s32 $0x0, s22;
	s22 =	sadd.s32 $0x100, s24  }
0x88: {  	s28 =	sshll.u32 s25, $0x9;
	s25 =	smov.u32 s13;
	[sflag:s26] =	ssyncset.done @!p1 $0x0  }
0x89: {  	p0 =	slt.s32 s22, s13;
	[sflag:s26] =	ssyncadd.s32 @!p1 $0xFFFF8000;
	s26 =	ssub.s32 $0x0, s28  }
0x8a: {  	s25 =	smov.u32 @p0 s22;
	s28 =	simm.s32 $0x140;
	s22 =	simm.s32 $0x0  }
.LBB2_4:
0x8b: {  	p0 =	seq.s32 s29, $0x1;
	s31 =	sand.u32 $0x1, s30  }
0x8c: {  	p1 =	slt.s32 s30, $0x1;
	p2 =	seq.s32 s31, $0x1  }
0x8d: {  	s31 =	sshrl.u32 s30, $0x1F;
	p1 =	por !p1, !p2  }
0x8e: {  	s30 =	sadd.s32 s31, s30;
	s31 =	simm.s32 $0x1;
	p1 =	por !p1, !p1  }
0x8f: {  	s30 =	sshra.s32 s30, $0x1;
	s31 =	simm.s32 @!p1 $0x0  }
0x90: {  	s30 =	ssub.s32 s30, s31  }
0x91: {  	s31 =	sadd.s32 $0x1, s30;
	v4 =	vld [tilespmem:s30+$0x1];
	_ =	sdelay $0x4  }
0x92: {  	(v2sf) =	vpush v4, $0x0;
	_ =	sdelay $0xe  }
0x93: {  	s2 =	spop (v2sf)  }
0x94: {  	p1 =	slt.s32 s22, s28;
	p2 =	sle.s32 s2, s25  }
0x95: {  	p2 =	por !p1, !p2  }
.Ltmp5:
0x96: {  	p2 =	por !p2, !p2;
	(pc) =	sbr.rel @!p0 .LBB2_4-.Ltmp5, $4  }
0x97: {  	s22 =	smov.u32 @p2 s31;
	p3 =	por !p2, !p2  }
0x98: {  	p3 =	por @!p1 p2, p2  }
0x99: {  	s28 =	smov.u32 @p3 s30  }
0x9a: {  	s29 =	sadd.s32 $0xFFFFFFFF, s29;
	s30 =	sadd.s32 s22, s28  }
0x9b: {  	s2 =	sand.u32 $0x1, s30  }
0x9c: {  	p0 =	slt.s32 s30, $0x1;
	p1 =	seq.s32 s2, $0x1  }
0x9d: {  	s29 =	sshrl.u32 s30, $0x1F;
	p0 =	por !p0, !p1  }
0x9e: {  	s2 =	sadd.s32 s29, s30;
	s29 =	simm.s32 $0x1;
	p0 =	por !p0, !p0  }
0x9f: {  	s2 =	sshra.s32 s2, $0x1;
	s29 =	simm.s32 @!p0 $0x0  }
0xa0: {  	s2 =	ssub.s32 s2, s29  }
0xa1: {  	v4 =	vld [tilespmem:s2+$0x1];
	_ =	sdelay $0x4  }
0xa2: {  	(v2sf) =	vpush v4, $0x0;
	_ =	sdelay $0xe  }
0xa3: {  	s31 =	spop (v2sf)  }
0xa4: {  	p5 =	slt.s32 s22, s28;
	p6 =	sle.s32 s31, s25  }
0xa5: {  	p0 =	por !p5, !p6  }
0xa6: {  	s2 =	sadd.s32 $0x1, s2;
	p0 =	por !p0, !p0  }
0xa7: {  	s22 =	smov.u32 @p0 s2  }
0xa8: {  	p1 =	sge.s32 s21, s22  }
.Ltmp6:
0xa9: {  	_ = 	snop;
	(pc) =	sbr.rel @p1 .LBB2_18-.Ltmp6, $4  }
0xaa: {  	_ = 	snop  }
0xab: {  	s30 =	smov.u32 s12;
	p0 =	sgt.s32 s24, s12  }
0xac: {  	s30 =	smov.u32 @p0 s24;
	p0 =	slt.s32 s24, $0x4E100  }
0xad: {  	s24 =	simm.s32 @!p0 $0x4E100  }
.Ltmp7:
0xae: {  	(pc) =	sbr.rel .LBB2_7-.Ltmp7, $3  }
0xaf: {  	_ =	sdelay $0x1  }
0xb0: {  	s26 =	sshra.s32 s26, $0x2  }
0xb1: {  	v4 =	vmov v2;
	s28 =	sadd.s32 $0x1C0, s26  }
.LBB2_10:
0xb2: {  	v8 =	vmax.f32 v8, v11;
	v7 =	vmax.f32 v7, v2  }
0xb3: {  	v6 =	vmax.f32 v6, v12;
	v5 =	vmax.f32 v5, v13;
	v3 =	vmax.f32 v3, v14  }
.LBB2_11:
0xb4: {  	v2 =	vld [tilespmem:s21+$0x0];
	_ =	sdelay $0x4  }
0xb5: {  	(v2sf) =	vpush v2, $0x0;
	_ =	sdelay $0xe  }
0xb6: {  	s2 =	spop (v2sf)  }
0xb7: {  	s31 =	sshll.u32 s21, $0x9;
	p0 =	slt.s32 s2, s29  }
0xb8: {  	s2 =	sshra.s32 s31, $0x2;
	v2 =	vpsel !p0, $0x0, v3  }
0xb9: {  	[tilespmem:s2+$0x10180] =	vst v2;
	v2 =	vpsel !p0, $0x0, v10  }
0xba: {  	s21 =	sadd.s32 $0x1, s21;
	v3 =	vpsel !p0, $0x0, v8;
	v7 =	vpsel !p0, $0x0, v7;
	[tilespmem:s2+$0x10190] =	vst v2;
	v2 =	vpsel !p0, $0x0, v9  }
0xbb: {  	v11 =	vpsel !p0, $0x0, v5;
	v13 =	vpsel !p0, $0x0, v4;
	[tilespmem:s2+$0x101A0] =	vst v2;
	v2 =	vpsel !p0, $0x0, v6;
	p0 =	sne.s32 s21, s22  }
.Ltmp8:
0xbc: {  	v16 =	vimm.f32 $-Inf;
	v15 =	vimm.f32 $-Inf;
	v14 =	vimm.f32 $-Inf;
	[tilespmem:s2+$0x101B0] =	vst v3;
	(pc) =	sbr.rel @!p0 .LBB2_19-.Ltmp8, $4  }
0xbd: {  	v12 =	vimm.f32 $-Inf;
	v4 =	vimm.f32 $-Inf;
	v5 =	vimm.f32 $-Inf;
	[tilespmem:s2+$0x101C0] =	vst v7  }
0xbe: {  	v8 =	vimm.f32 $-Inf;
	v7 =	vimm.f32 $-Inf;
	v10 =	vimm.f32 $-Inf;
	[tilespmem:s2+$0x101E0] =	vst v11  }
0xbf: {  	v3 =	vimm.f32 $-Inf;
	[tilespmem:s2+$0x101F0] =	vst v13;
	v13 =	vimm.f32 $-Inf;
	v11 =	vimm.f32 $-Inf  }
0xc0: {  	s30 =	smov.u32 s29;
	v9 =	vimm.f32 $-Inf;
	v6 =	vimm.f32 $-Inf;
	[tilespmem:s2+$0x101D0] =	vst v2;
	v2 =	vimm.f32 $-Inf  }
.LBB2_7:
0xc1: {  	v2 =	vld [tilespmem:s21+$0x1];
	_ =	sdelay $0x4  }
0xc2: {  	(v2sf) =	vpush v2, $0x0;
	_ =	sdelay $0xe  }
0xc3: {  	s29 =	spop (v2sf)  }
0xc4: {  	s2 =	ssub.s32 s30, s24;
	s26 =	ssub.s32 s29, s24  }
0xc5: {  	s31 =	sshll.u32 s2, $0x7;
	s26 =	sshll.u32 s26, $0x7  }
0xc6: {  	p0 =	sge.s32 s31, s26  }
.Ltmp9:
0xc7: {  	_ = 	snop;
	(pc) =	sbr.rel @p0 .LBB2_11-.Ltmp9, $1  }
0xc8: {  	_ =	sdelay $0x3  }
0xc9: {  	s2 =	sshll.u32 s30, $0x9  }
0xca: {  	s2 =	sshra.s32 s2, $0x2  }
0xcb: {  	s2 =	sadd.s32 s2, s28  }
0xcc: {  	v14 =	vld [tilespmem:s2+$0x30]  }
0xcd: {  	v15 =	vld [tilespmem:s2+$0xFFFFFFD0]  }
0xce: {  	v16 =	vld [tilespmem:s2+$0xFFFFFFE0]  }
0xcf: {  	v11 =	vld [tilespmem:s2+$0xFFFFFFF0]  }
0xd0: {  	s30 =	sadd.s32 $0x80, s31;
	v2 =	vld [tilespmem:s2+$0x0]  }
0xd1: {  	p0 =	slt.s32 s30, s26;
	v12 =	vld [tilespmem:s2+$0x10]  }
.Ltmp10:
0xd2: {  	v13 =	vld [tilespmem:s2+$0x20];
	(pc) =	sbr.rel @!p0 .LBB2_10-.Ltmp10, $2  }
0xd3: {  	v4 =	vmax.f32 v4, v14;
	v14 =	vld [tilespmem:s2+$0xFFFFFFC0];
	_ =	sdelay $0x2  }
0xd4: {  	s31 =	sadd.s32 $0x80, s2;
	v10 =	vmax.f32 v10, v15;
	v9 =	vmax.f32 v9, v16  }
.LBB2_9:
0xd5: {  	v15 =	vld [tilespmem:s31+$0x30];
	s30 =	sadd.s32 $0x80, s30;
	v8 =	vmax.f32 v8, v11  }
0xd6: {  	v7 =	vmax.f32 v7, v2;
	v16 =	vld [tilespmem:s31+$0xFFFFFFD0];
	p0 =	slt.s32 s30, s26  }
0xd7: {  	v6 =	vmax.f32 v6, v12;
	v17 =	vld [tilespmem:s31+$0xFFFFFFE0]  }
.Ltmp11:
0xd8: {  	v5 =	vmax.f32 v5, v13;
	v11 =	vld [tilespmem:s31+$0xFFFFFFF0];
	(pc) =	sbr.rel @p0 .LBB2_9-.Ltmp11, $4  }
0xd9: {  	v3 =	vmax.f32 v3, v14;
	v2 =	vld [tilespmem:s31+$0x0]  }
0xda: {  	v12 =	vld [tilespmem:s31+$0x10];
	v4 =	vmax.f32 v4, v15  }
0xdb: {  	v10 =	vmax.f32 v10, v16;
	v13 =	vld [tilespmem:s31+$0x20]  }
0xdc: {  	v14 =	vld [tilespmem:s31+$0xFFFFFFC0];
	v9 =	vmax.f32 v9, v17;
	s31 =	sadd.s32 $0x80, s31  }
.Ltmp12:
0xdd: {  	_ = 	snop;
	(pc) =	sbr.rel .LBB2_10-.Ltmp12, $1  }
0xde: {  	_ =	sdelay $0x3  }
.LBB2_18:
0xdf: {  	s21 =	ssub.s32 s30, s24;
	v4 =	vmov v3;
	v16 =	vmov v10  }
0xe0: {  	v15 =	vmovc v9;
	v14 =	vmovc v8;
	v12 =	vmov v7;
	v13 =	vmov v6;
	v11 =	vmov v5;
	s26 =	sshll.u32 s21, $0x7  }
.LBB2_19:
0xe1: {  	s2 =	ssub.s32 s25, s24  }
0xe2: {  	s21 =	sshll.u32 s2, $0x7  }
0xe3: {  	p0 =	sge.s32 s26, s21  }
.Ltmp13:
0xe4: {  	_ = 	snop;
	(pc) =	sbr.rel @p0 .LBB2_23-.Ltmp13, $1  }
0xe5: {  	_ =	sdelay $0x3  }
0xe6: {  	s2 =	sshll.u32 s26, $0x2  }
0xe7: {  	s2 =	sshra.s32 s2, $0x2  }
0xe8: {  	s2 =	sadd.s32 $0x1C0, s2  }
0xe9: {  	v8 =	vld [tilespmem:s2+$0x30]  }
0xea: {  	s24 =	sadd.s32 $0x80, s26;
	v9 =	vld [tilespmem:s2+$0xFFFFFFD0]  }
0xeb: {  	p0 =	slt.s32 s24, s21;
	v10 =	vld [tilespmem:s2+$0xFFFFFFE0]  }
.Ltmp14:
0xec: {  	v5 =	vld [tilespmem:s2+$0xFFFFFFF0];
	(pc) =	sbr.rel @!p0 .LBB2_22-.Ltmp14, $4  }
0xed: {  	v3 =	vld [tilespmem:s2+$0x0]  }
0xee: {  	v6 =	vld [tilespmem:s2+$0x10]  }
0xef: {  	v7 =	vld [tilespmem:s2+$0x20]  }
0xf0: {  	s25 =	sadd.s32 $0x80, s2;
	v2 =	vmax.f32 v2, v8;
	v16 =	vmax.f32 v16, v9;
	v8 =	vld [tilespmem:s2+$0xFFFFFFC0];
	v15 =	vmax.f32 v15, v10  }
.LBB2_21:
0xf1: {  	v9 =	vld [tilespmem:s25+$0x30];
	s24 =	sadd.s32 $0x80, s24;
	v14 =	vmax.f32 v14, v5  }
0xf2: {  	v10 =	vld [tilespmem:s25+$0xFFFFFFD0];
	p0 =	slt.s32 s24, s21;
	v12 =	vmax.f32 v12, v3  }
0xf3: {  	v17 =	vld [tilespmem:s25+$0xFFFFFFE0];
	v13 =	vmax.f32 v13, v6  }
.Ltmp15:
0xf4: {  	v5 =	vld [tilespmem:s25+$0xFFFFFFF0];
	v11 =	vmax.f32 v11, v7;
	(pc) =	sbr.rel @p0 .LBB2_21-.Ltmp15, $4  }
0xf5: {  	v3 =	vld [tilespmem:s25+$0x0];
	v4 =	vmax.f32 v4, v8  }
0xf6: {  	v6 =	vld [tilespmem:s25+$0x10];
	v2 =	vmax.f32 v2, v9  }
0xf7: {  	v16 =	vmax.f32 v16, v10;
	v7 =	vld [tilespmem:s25+$0x20]  }
0xf8: {  	v8 =	vld [tilespmem:s25+$0xFFFFFFC0];
	v15 =	vmax.f32 v15, v17;
	s25 =	sadd.s32 $0x80, s25  }
.LBB2_22:
0xf9: {  	_ =	sdelay $0x2  }
0xfa: {  	v14 =	vmax.f32 v14, v5;
	v12 =	vmax.f32 v12, v3  }
0xfb: {  	v13 =	vmax.f32 v13, v6;
	v11 =	vmax.f32 v11, v7;
	v4 =	vmax.f32 v4, v8  }
.LBB2_23:
0xfc: {  	s2 =	sadd.s32 $0x2, s20  }
0xfd: {  	p0 =	sge.s32 s2, s15  }
0xfe: {  	s2 =	sshll.u32 @!p0 s2, $0x8  }
0xff: {  	s2 =	sadd.s32 @!p0 s14, s2  }
0x100: {  	p1 =	slt.s32 @!p0 s2, $0x4E100  }
0x101: {  	p1 =	por !p1, p0  }
0x102: {  	s2 =	simm.s32 @p1 $0x4E100  }
0x103: {  	s2 =	sshll.u32 @!p0 s2, $0x4  }
0x104: {  	s31 =	sor.u32 $0x1, s20;
	s2 =	sand.u32 @!p0 $0x1FFFFF80, s2  }
0x105: {  	s21 =	simm.s32 @!p0 $0x0;
	s24 =	simm.s32 @!p0 $0x180;
	s2 =	sadd.s32 @!p0 s1, s2  }
0x106: {  	[tilespmem:s24], [sflag:$0x1] =	stream.linear.gather @!p0 [hbm4b:s2+s21], $0x8000, $0x38;
	[tilespmem:$0x1A300] =	vst v63  }
0x107: {  	p0 =	sge.s32 s31, s15  }
0x108: {  	s2 =	sshll.u32 s31, $0x8;
	s21 =	simm.s32 @!p0 $0x2  }
0x109: {  	s25 =	smov.u32 s13;
	s24 =	sadd.s32 s14, s2;
	_ =	swait.ge @!p0 [sflag:s21], $0x8000  }
0x10a: {  	s26 =	simm.s32 $0x140;
	s2 =	sadd.s32 $0x100, s24;
	[sflag:s21] =	ssyncset.done @!p0 $0x0  }
0x10b: {  	s29 =	simm.s32 $0x140;
	[sflag:s21] =	ssyncadd.s32 @!p0 $0xFFFF8000;
	p0 =	slt.s32 s2, s13  }
0x10c: {  	s28 =	simm.s32 $0x8;
	s21 =	simm.s32 $0x0;
	s25 =	smov.u32 @p0 s2  }
.LBB2_24:
0x10d: {  	p0 =	seq.s32 s28, $0x1;
	s2 =	sand.u32 $0x1, s29  }
0x10e: {  	p1 =	slt.s32 s29, $0x1;
	p2 =	seq.s32 s2, $0x1  }
0x10f: {  	s2 =	sshrl.u32 s29, $0x1F;
	p1 =	por !p1, !p2  }
0x110: {  	s2 =	sadd.s32 s2, s29;
	s29 =	simm.s32 $0x1;
	p1 =	por !p1, !p1  }
0x111: {  	s2 =	sshra.s32 s2, $0x1;
	s29 =	simm.s32 @!p1 $0x0  }
0x112: {  	s2 =	ssub.s32 s2, s29  }
0x113: {  	s29 =	sadd.s32 $0x1, s2;
	v3 =	vld [tilespmem:s2+$0x1];
	_ =	sdelay $0x4  }
0x114: {  	(v2sf) =	vpush v3, $0x0;
	_ =	sdelay $0xe  }
0x115: {  	s30 =	spop (v2sf)  }
0x116: {  	p1 =	slt.s32 s21, s26;
	p2 =	sle.s32 s30, s25  }
0x117: {  	p2 =	por !p1, !p2  }
.Ltmp16:
0x118: {  	p2 =	por !p2, !p2;
	(pc) =	sbr.rel @!p0 .LBB2_24-.Ltmp16, $4  }
0x119: {  	s21 =	smov.u32 @p2 s29;
	p3 =	por !p2, !p2  }
0x11a: {  	p3 =	por @!p1 p2, p2  }
0x11b: {  	s26 =	smov.u32 @p3 s2  }
0x11c: {  	s28 =	sadd.s32 $0xFFFFFFFF, s28;
	s29 =	sadd.s32 s21, s26  }
0x11d: {  	s2 =	sand.u32 $0x1, s29  }
0x11e: {  	p0 =	slt.s32 s29, $0x1;
	p1 =	seq.s32 s2, $0x1  }
0x11f: {  	s30 =	sshrl.u32 s29, $0x1F;
	p0 =	por !p0, !p1  }
0x120: {  	s28 =	simm.s32 $0x1;
	s2 =	sadd.s32 s30, s29;
	p0 =	por !p0, !p0  }
0x121: {  	s2 =	sshra.s32 s2, $0x1;
	s28 =	simm.s32 @!p0 $0x0  }
0x122: {  	s2 =	ssub.s32 s2, s28  }
0x123: {  	v3 =	vld [tilespmem:s2+$0x1];
	_ =	sdelay $0x4  }
0x124: {  	(v2sf) =	vpush v3, $0x0;
	_ =	sdelay $0xe  }
0x125: {  	s31 =	spop (v2sf)  }
0x126: {  	p5 =	slt.s32 s21, s26;
	p6 =	sle.s32 s31, s25  }
0x127: {  	p0 =	por !p5, !p6  }
0x128: {  	s2 =	sadd.s32 $0x1, s2;
	p0 =	por !p0, !p0  }
0x129: {  	s21 =	smov.u32 @p0 s2  }
0x12a: {  	p1 =	sge.s32 s22, s21  }
.Ltmp17:
0x12b: {  	_ = 	snop;
	(pc) =	sbr.rel @p1 .LBB2_32-.Ltmp17, $4  }
0x12c: {  	_ = 	snop  }
0x12d: {  	s29 =	smov.u32 s12;
	p0 =	sgt.s32 s24, s12  }
0x12e: {  	s29 =	smov.u32 @p0 s24;
	p0 =	slt.s32 s24, $0x4E100  }
0x12f: {  	s24 =	simm.s32 @!p0 $0x4E100  }
.Ltmp18:
0x130: {  	(pc) =	sbr.rel .LBB2_27-.Ltmp18, $3  }
0x131: {  	_ =	sdelay $0x1  }
0x132: {  	s2 =	sshra.s32 s23, $0x2  }
0x133: {  	v3 =	vmov v2;
	s26 =	sadd.s32 $0x81C0, s2  }
.LBB2_30:
0x134: {  	v14 =	vmax.f32 v14, v5;
	v12 =	vmax.f32 v12, v2  }
0x135: {  	v13 =	vmax.f32 v13, v6;
	v11 =	vmax.f32 v11, v7;
	v4 =	vmax.f32 v4, v8  }
.LBB2_31:
0x136: {  	v2 =	vld [tilespmem:s22+$0x0];
	_ =	sdelay $0x4  }
0x137: {  	(v2sf) =	vpush v2, $0x0;
	_ =	sdelay $0xe  }
0x138: {  	s2 =	spop (v2sf)  }
0x139: {  	s31 =	sshll.u32 s22, $0x9;
	p0 =	slt.s32 s2, s28  }
0x13a: {  	s2 =	sshra.s32 s31, $0x2;
	v2 =	vpsel !p0, $0x0, v4  }
0x13b: {  	[tilespmem:s2+$0x10180] =	vst v2;
	v2 =	vpsel !p0, $0x0, v16  }
0x13c: {  	s22 =	sadd.s32 $0x1, s22;
	v4 =	vpsel !p0, $0x0, v14;
	v5 =	vpsel !p0, $0x0, v12;
	[tilespmem:s2+$0x10190] =	vst v2;
	v2 =	vpsel !p0, $0x0, v15  }
0x13d: {  	v6 =	vpsel !p0, $0x0, v11;
	v17 =	vpsel !p0, $0x0, v3;
	[tilespmem:s2+$0x101A0] =	vst v2;
	v2 =	vpsel !p0, $0x0, v13;
	p0 =	sne.s32 s22, s21  }
.Ltmp19:
0x13e: {  	v10 =	vimm.f32 $-Inf;
	v9 =	vimm.f32 $-Inf;
	v8 =	vimm.f32 $-Inf;
	[tilespmem:s2+$0x101B0] =	vst v4;
	(pc) =	sbr.rel @!p0 .LBB2_33-.Ltmp19, $4  }
0x13f: {  	v7 =	vimm.f32 $-Inf;
	v3 =	vimm.f32 $-Inf;
	v11 =	vimm.f32 $-Inf;
	[tilespmem:s2+$0x101C0] =	vst v5  }
0x140: {  	v12 =	vimm.f32 $-Inf;
	v14 =	vimm.f32 $-Inf;
	v16 =	vimm.f32 $-Inf;
	[tilespmem:s2+$0x101E0] =	vst v6  }
0x141: {  	v4 =	vimm.f32 $-Inf;
	[tilespmem:s2+$0x101F0] =	vst v17;
	v6 =	vimm.f32 $-Inf;
	v5 =	vimm.f32 $-Inf  }
0x142: {  	s29 =	smov.u32 s28;
	v15 =	vimm.f32 $-Inf;
	v13 =	vimm.f32 $-Inf;
	[tilespmem:s2+$0x101D0] =	vst v2;
	v2 =	vimm.f32 $-Inf  }
.LBB2_27:
0x143: {  	v2 =	vld [tilespmem:s22+$0x1];
	_ =	sdelay $0x4  }
0x144: {  	(v2sf) =	vpush v2, $0x0;
	_ =	sdelay $0xe  }
0x145: {  	s28 =	spop (v2sf)  }
0x146: {  	s2 =	ssub.s32 s29, s24;
	s23 =	ssub.s32 s28, s24  }
0x147: {  	s30 =	sshll.u32 s2, $0x7;
	s23 =	sshll.u32 s23, $0x7  }
0x148: {  	p0 =	sge.s32 s30, s23  }
.Ltmp20:
0x149: {  	_ = 	snop;
	(pc) =	sbr.rel @p0 .LBB2_31-.Ltmp20, $1  }
0x14a: {  	_ =	sdelay $0x3  }
0x14b: {  	s2 =	sshll.u32 s29, $0x9  }
0x14c: {  	s2 =	sshra.s32 s2, $0x2  }
0x14d: {  	s2 =	sadd.s32 s2, s26  }
0x14e: {  	v8 =	vld [tilespmem:s2+$0x30]  }
0x14f: {  	v9 =	vld [tilespmem:s2+$0xFFFFFFD0]  }
0x150: {  	v10 =	vld [tilespmem:s2+$0xFFFFFFE0]  }
0x151: {  	v5 =	vld [tilespmem:s2+$0xFFFFFFF0]  }
0x152: {  	s29 =	sadd.s32 $0x80, s30;
	v2 =	vld [tilespmem:s2+$0x0]  }
0x153: {  	p0 =	slt.s32 s29, s23;
	v6 =	vld [tilespmem:s2+$0x10]  }
.Ltmp21:
0x154: {  	v7 =	vld [tilespmem:s2+$0x20];
	(pc) =	sbr.rel @!p0 .LBB2_30-.Ltmp21, $2  }
0x155: {  	v3 =	vmax.f32 v3, v8;
	v8 =	vld [tilespmem:s2+$0xFFFFFFC0];
	_ =	sdelay $0x2  }
0x156: {  	s30 =	sadd.s32 $0x80, s2;
	v16 =	vmax.f32 v16, v9;
	v15 =	vmax.f32 v15, v10  }
.LBB2_29:
0x157: {  	v9 =	vld [tilespmem:s30+$0x30];
	s29 =	sadd.s32 $0x80, s29;
	v14 =	vmax.f32 v14, v5  }
0x158: {  	v12 =	vmax.f32 v12, v2;
	v10 =	vld [tilespmem:s30+$0xFFFFFFD0];
	p0 =	slt.s32 s29, s23  }
0x159: {  	v13 =	vmax.f32 v13, v6;
	v17 =	vld [tilespmem:s30+$0xFFFFFFE0]  }
.Ltmp22:
0x15a: {  	v11 =	vmax.f32 v11, v7;
	v5 =	vld [tilespmem:s30+$0xFFFFFFF0];
	(pc) =	sbr.rel @p0 .LBB2_29-.Ltmp22, $4  }
0x15b: {  	v4 =	vmax.f32 v4, v8;
	v2 =	vld [tilespmem:s30+$0x0]  }
0x15c: {  	v6 =	vld [tilespmem:s30+$0x10];
	v3 =	vmax.f32 v3, v9  }
0x15d: {  	v16 =	vmax.f32 v16, v10;
	v7 =	vld [tilespmem:s30+$0x20]  }
0x15e: {  	v8 =	vld [tilespmem:s30+$0xFFFFFFC0];
	v15 =	vmax.f32 v15, v17;
	s30 =	sadd.s32 $0x80, s30  }
.Ltmp23:
0x15f: {  	_ = 	snop;
	(pc) =	sbr.rel .LBB2_30-.Ltmp23, $1  }
0x160: {  	_ =	sdelay $0x3  }
.LBB2_32:
0x161: {  	s2 =	ssub.s32 s29, s24;
	v3 =	vmov v4;
	v10 =	vmov v16  }
0x162: {  	v9 =	vmovc v15;
	v8 =	vmovc v14;
	v7 =	vmov v12;
	v6 =	vmov v13;
	v5 =	vmov v11;
	s23 =	sshll.u32 s2, $0x7  }
.LBB2_33:
0x163: {  	s2 =	ssub.s32 s25, s24  }
0x164: {  	s22 =	sshll.u32 s2, $0x7  }
0x165: {  	p0 =	sge.s32 s23, s22  }
.Ltmp24:
0x166: {  	_ = 	snop;
	(pc) =	sbr.rel @p0 .LBB2_37-.Ltmp24, $1  }
0x167: {  	_ =	sdelay $0x3  }
0x168: {  	s2 =	sshll.u32 s23, $0x2  }
0x169: {  	s2 =	sshra.s32 s2, $0x2  }
0x16a: {  	s2 =	sadd.s32 $0x81C0, s2  }
0x16b: {  	v14 =	vld [tilespmem:s2+$0x30]  }
0x16c: {  	v15 =	vld [tilespmem:s2+$0xFFFFFFD0]  }
0x16d: {  	v16 =	vld [tilespmem:s2+$0xFFFFFFE0]  }
0x16e: {  	v11 =	vld [tilespmem:s2+$0xFFFFFFF0]  }
0x16f: {  	s23 =	sadd.s32 $0x80, s23;
	v4 =	vld [tilespmem:s2+$0x0]  }
0x170: {  	p0 =	slt.s32 s23, s22;
	v12 =	vld [tilespmem:s2+$0x10]  }
.Ltmp25:
0x171: {  	v13 =	vld [tilespmem:s2+$0x20];
	(pc) =	sbr.rel @!p0 .LBB2_36-.Ltmp25, $2  }
0x172: {  	v2 =	vmax.f32 v2, v14;
	v14 =	vld [tilespmem:s2+$0xFFFFFFC0];
	_ =	sdelay $0x2  }
0x173: {  	s24 =	sadd.s32 $0x80, s2;
	v10 =	vmax.f32 v10, v15;
	v9 =	vmax.f32 v9, v16  }
.LBB2_35:
0x174: {  	v15 =	vld [tilespmem:s24+$0x30];
	s23 =	sadd.s32 $0x80, s23;
	v8 =	vmax.f32 v8, v11  }
0x175: {  	v7 =	vmax.f32 v7, v4;
	v16 =	vld [tilespmem:s24+$0xFFFFFFD0];
	p0 =	slt.s32 s23, s22  }
0x176: {  	v6 =	vmax.f32 v6, v12;
	v17 =	vld [tilespmem:s24+$0xFFFFFFE0]  }
.Ltmp26:
0x177: {  	v5 =	vmax.f32 v5, v13;
	v11 =	vld [tilespmem:s24+$0xFFFFFFF0];
	(pc) =	sbr.rel @p0 .LBB2_35-.Ltmp26, $4  }
0x178: {  	v3 =	vmax.f32 v3, v14;
	v4 =	vld [tilespmem:s24+$0x0]  }
0x179: {  	v12 =	vld [tilespmem:s24+$0x10];
	v2 =	vmax.f32 v2, v15  }
0x17a: {  	v10 =	vmax.f32 v10, v16;
	v13 =	vld [tilespmem:s24+$0x20]  }
0x17b: {  	v14 =	vld [tilespmem:s24+$0xFFFFFFC0];
	v9 =	vmax.f32 v9, v17;
	s24 =	sadd.s32 $0x80, s24  }
.Ltmp27:
0x17c: {  	_ = 	snop;
	(pc) =	sbr.rel .LBB2_36-.Ltmp27, $1  }
0x17d: {  	_ =	sdelay $0x3  }
.LBB2_12:
0x17e: {  	p0 =	sgt.s32 s21, $0x13F  }
.Ltmp28:
0x17f: {  	_ = 	snop;
	(pc) =	sbr.rel @p0 .LBB2_16-.Ltmp28, $1  }
0x180: {  	_ =	sdelay $0x3  }
.LBB2_13:
0x181: {  	s12 =	sshll.u32 s21, $0x9  }
0x182: {  	s12 =	sshra.s32 s12, $0x2  }
0x183: {  	s12 =	sadd.s32 $0x101C0, s12  }
0x184: {  	s13 =	ssub.s32 $0x140, s21;
	[tilespmem:s12+$0xFFFFFFC0] =	vst v1  }
0x185: {  	p0 =	sne.s32 s13, $0x1;
	[tilespmem:s12+$0x30] =	vst v1  }
.Ltmp29:
0x186: {  	[tilespmem:s12+$0x20] =	vst v1;
	(pc) =	sbr.rel @!p0 .LBB2_15-.Ltmp29, $4  }
0x187: {  	[tilespmem:s12+$0x10] =	vst v1  }
0x188: {  	[tilespmem:s12+$0x0] =	vst v1  }
0x189: {  	[tilespmem:s12+$0xFFFFFFF0] =	vst v1  }
0x18a: {  	s13 =	sadd.s32 $0xFFFFFFFF, s13;
	[tilespmem:s12+$0xFFFFFFE0] =	vst v1  }
.LBB2_14:
0x18b: {  	p0 =	sne.s32 s13, $0x1;
	s13 =	sadd.s32 $0xFFFFFFFF, s13;
	[tilespmem:s12+$0xFFFFFFD0] =	vst v1;
	s12 =	sadd.s32 $0x80, s12  }
0x18c: {  	[tilespmem:s12+$0xFFFFFFC0] =	vst v1  }
0x18d: {  	[tilespmem:s12+$0x30] =	vst v1  }
.Ltmp30:
0x18e: {  	[tilespmem:s12+$0x20] =	vst v1;
	(pc) =	sbr.rel @p0 .LBB2_14-.Ltmp30, $4  }
0x18f: {  	[tilespmem:s12+$0x10] =	vst v1  }
0x190: {  	[tilespmem:s12+$0x0] =	vst v1  }
0x191: {  	[tilespmem:s12+$0xFFFFFFF0] =	vst v1  }
0x192: {  	[tilespmem:s12+$0xFFFFFFE0] =	vst v1  }
.Ltmp31:
0x193: {  	_ = 	snop;
	(pc) =	sbr.rel .LBB2_15-.Ltmp31, $1  }
0x194: {  	_ =	sdelay $0x3  }
.LBB2_17:
0x195: {  	_ =	sfence.sel $0x180000  }
0x196: {  	[bflag:$0x0] =	sbarrier.arrive $0xFFFF  }
0x197: {  	_ =	strace $0x90000047  }
0x198: {  	[bflag:$0x2] =	sbarrier.arrive $0xFFFF  }
0x199: {  	p0 =	sne.s32 s0, $0x0;
	s0 =	rddreg [dreg:$0x3]  }
0x19a: {  	s0 =	sadd.s32 @!p0 $0x100000, s0  }
0x19b: {  	[sflag:s0] =	ssyncadd.tile.s32 @!p0 $0x1;
	_ =	shalt  }
.Lfunc_end2:
_tile_overlayer_lowered:
.L_overlay_start_2:
0x19c: {  	(tag) =	ssettag $0x2  }
0x19d: {  	s0 =	rddreg [dreg:$0x0];
	s2 =	stileid.u32  }
0x19e: {  	s1 =	rddreg [dreg:$0x1];
	p0 =	sne.s32 s2, $0x0  }
0x19f: {  	s3 =	rddreg [dreg:$0x2];
	[bflag:$0x3] =	sbarrier.arrive $0xFFFF;
	s2 =	simm.s32 @!p0 $0x1C03  }
0x1a0: {  	[timem:s3], [sflag:s2] =	dma.local @!p0 [hbm:s0], s1  }
0x1a1: {  	s0 =	simm.s32 @!p0 $0x3  }
0x1a2: {  	_ =	swait.ge @!p0 [sflag:s0], s1  }
0x1a3: {  	s1 =	ssub.s32 @!p0 $0x0, s1;
	[sflag:s0] =	ssyncset.done @!p0 $0x0  }
0x1a4: {  	[sflag:s0] =	ssyncadd.s32 @!p0 s1  }
0x1a5: {  	[bflag:$0x3] =	sbarrier.arrive $0xFFFF  }
0x1a6: {  	_ =	shalt  }

</sc_bundles>
